<compile_context>
chip_gen: v7x
topology: tpu7x:2x2x1
jax: 0.10.2.dev20260603
libtpu: 0.0.44.dev20260713+nightly
codegen_flags: <defaults>
</compile_context>

<pallas_src>
import jax
import jax.numpy as jnp
from jax import lax
from jax.experimental import pallas as pl
from jax.experimental.pallas import tpu as pltpu
from jax.experimental.pallas import tpu_sc as plsc

B = 64
K = 100
KP = 128
H = 512.0
W = 512.0
NW = 16
ROWS = B // NW
NV = KP // 16
MC = KP + 16

_DN = lax.GatherDimensionNumbers(offset_dims=(), collapsed_slice_dims=(0,),
                                 start_index_map=(0,))


def _gather16(v, idx):
    return lax.gather(v, idx[:, None], _DN, (1,),
                      mode=lax.GatherScatterMode.PROMISE_IN_BOUNDS)


def _allmax(v, lanes):
    for k in (1, 2, 4, 8):
        v = jnp.maximum(v, _gather16(v, lanes ^ k))
    return v


def _sc_body(comb_hbm, params_hbm, out_hbm, params_v, idx_v, comb_v, out_v, sem):
    wid = lax.axis_index("s")
    base = wid * ROWS
    lanes = lax.iota(jnp.int32, 16)

    pltpu.sync_copy(params_hbm.at[pl.ds(base, ROWS)], params_v)

    src_rows = []
    for i in range(ROWS):
        prow = params_v[i, :]
        r_b = jnp.full((16,), prow[0], jnp.float32)
        b_f = (base + i).astype(jnp.float32)
        src_rows.append(r_b + jnp.where(r_b >= b_f, 1.0, 0.0))
    idx_f = src_rows[0]
    for i in range(1, ROWS):
        idx_f = jnp.where(lanes == i, src_rows[i], idx_f)
    idx_v[:] = idx_f.astype(jnp.int32)
    pltpu.async_copy(comb_hbm.at[idx_v.at[pl.ds(0, ROWS)]], comb_v, sem).wait()

    for i in range(ROWS):
        prow = params_v[i, :]
        scale_b = jnp.full((16,), prow[1], jnp.float32) * 1.5 + 0.5
        maxw = jnp.zeros((16,), jnp.float32)
        maxh = jnp.zeros((16,), jnp.float32)
        for j in range(NV):
            s = pl.ds(16 * j, 16)
            x1 = comb_v[i, 0, s]
            y1 = comb_v[i, 1, s]
            x2 = comb_v[i, 2, s]
            y2 = comb_v[i, 3, s]
            sw = (x2 - x1) * scale_b
            sh = (y2 - y1) * scale_b
            maxw = jnp.maximum(maxw, sw)
            maxh = jnp.maximum(maxh, sh)
            fits = (sh <= H) & (sw <= W)
            pv = fits & (comb_v[i, 4, s] > 0.5)
            out_v[i, s] = jnp.where(pv, 1, 0).astype(jnp.int32)
        mh = _allmax(maxh, lanes)
        mw = _allmax(maxw, lanes)
        ty = jnp.full((16,), prow[2], jnp.float32) * jnp.maximum(H - mh, 0.0)
        tx = jnp.full((16,), prow[3], jnp.float32) * jnp.maximum(W - mw, 0.0)
        u_fl = jnp.full((16,), prow[4], jnp.float32)
        flip = jnp.where(u_fl < 0.5, 1.0, 0.0)
        zero = jnp.zeros((16,), jnp.float32)
        misc = jnp.where(lanes == 0, ty,
               jnp.where(lanes == 1, tx,
               jnp.where(lanes == 2, scale_b,
               jnp.where(lanes == 3, src_rows[i],
               jnp.where(lanes == 4, flip, zero)))))
        out_v[i, pl.ds(KP, 16)] = lax.bitcast_convert_type(misc, jnp.int32)

    pltpu.sync_copy(out_v, out_hbm.at[pl.ds(base, ROWS)])


def kernel(images, boxes, instance_valid):
    del images

    key = jax.random.key(42)
    k_src, k_scale, k_ty, k_tx, k_flip = jax.random.split(key, 5)
    r = jax.random.randint(k_src, (B,), 0, B - 1)
    u_scale = jax.random.uniform(k_scale, (B,), dtype=jnp.float32)
    u_ty = jax.random.uniform(k_ty, (B,), dtype=jnp.float32)
    u_tx = jax.random.uniform(k_tx, (B,), dtype=jnp.float32)
    u_flip = jax.random.uniform(k_flip, (B,), dtype=jnp.float32)
    params = jnp.stack([r.astype(jnp.float32), u_scale, u_ty, u_tx, u_flip],
                       axis=-1)
    params = jnp.pad(params, ((0, 0), (0, 11)))

    boxes_t = jnp.pad(jnp.transpose(boxes, (0, 2, 1)),
                      ((0, 0), (0, 0), (0, KP - K)))
    valid_f = jnp.pad(instance_valid.astype(jnp.float32),
                      ((0, 0), (0, KP - K)))
    comb = jnp.concatenate([boxes_t, valid_f[:, None, :]], axis=1)

    mesh = plsc.VectorSubcoreMesh(core_axis_name="c", subcore_axis_name="s",
                                  num_cores=1)
    out = pl.kernel(
        _sc_body,
        out_type=jax.ShapeDtypeStruct((B, MC), jnp.int32),
        mesh=mesh,
        scratch_types=[
            pltpu.VMEM((ROWS, 16), jnp.float32),
            pltpu.VMEM((16,), jnp.int32),
            pltpu.VMEM((ROWS, 5, KP), jnp.float32),
            pltpu.VMEM((ROWS, MC), jnp.int32),
            pltpu.SemaphoreType.DMA,
        ],
    )(comb, params)

    misc = lax.bitcast_convert_type(out[:, KP:KP + 16], jnp.float32)
    source_idx = misc[:, 3].astype(jnp.int64)
    translate = misc[:, 0:2]
    scale = misc[:, 2]
    hflip = misc[:, 4] > 0.5
    paste_valid = out[:, :K] != 0
    return (source_idx, translate, scale, hflip, paste_valid)

# --- scband reference (transcript-rebuilt; emitter-appended) ---
"""Pipeline reference for scband-batched-placement-sampler-1657857376677 (READ-ONLY COPY).

The authoritative reference and input builder live on the scoring server;
editing this copy changes nothing except your own understanding.
"""

import jax, jax.numpy as jnp
import numpy as np


def setup_inputs(seed: int = 0) -> dict:
    key = jax.random.key(seed)
    k1, k2, k3, k4 = jax.random.split(key, 4)
    B, K, C, H, W = 64, 100, 3, 512, 512
    images = jax.random.normal(k1, (B, C, H, W), dtype=jnp.float32)
    # boxes in (x1, y1, x2, y2) pixel coords with x2 >= x1, y2 >= y1
    xs = jax.random.uniform(k2, (B, K, 2), dtype=jnp.float32, minval=0.0, maxval=float(W))
    ys = jax.random.uniform(k3, (B, K, 2), dtype=jnp.float32, minval=0.0, maxval=float(H))
    x1 = jnp.min(xs, axis=-1); x2 = jnp.max(xs, axis=-1)
    y1 = jnp.min(ys, axis=-1); y2 = jnp.max(ys, axis=-1)
    boxes = jnp.stack([x1, y1, x2, y2], axis=-1)
    instance_valid = jax.random.bernoulli(k4, 0.9, (B, K))
    return {"images": images, "boxes": boxes, "instance_valid": instance_valid}


def reference(images, boxes, instance_valid):
    B, K = boxes.shape[0], boxes.shape[1]
    H, W = images.shape[-2], images.shape[-1]
    smin, smax = 0.5, 2.0
    hflip_probability = 0.5
    key = jax.random.key(42)
    k_src, k_scale, k_ty, k_tx, k_flip = jax.random.split(key, 5)
    # multinomial over weights = 1 - eye(B): uniform over {0..B-1} \ {i}
    r = jax.random.randint(k_src, (B,), 0, B - 1)
    source_idx = (r + (r >= jnp.arange(B)).astype(r.dtype)).astype(jnp.int64)
    source_boxes = jnp.take(boxes, source_idx, axis=0)
    source_valid = jnp.take(instance_valid, source_idx, axis=0)
    scale = jax.random.uniform(k_scale, (B,), dtype=jnp.float32) * (smax - smin) + smin
    box_wh = source_boxes[..., 2:] - source_boxes[..., :2]
    scaled_w_per_slot = box_wh[..., 0] * scale[:, None]
    scaled_h_per_slot = box_wh[..., 1] * scale[:, None]
    max_scaled_h = jnp.max(scaled_h_per_slot, axis=-1)
    max_scaled_w = jnp.max(scaled_w_per_slot, axis=-1)
    max_ty = jnp.maximum(float(H) - max_scaled_h, 0.0)
    max_tx = jnp.maximum(float(W) - max_scaled_w, 0.0)
    ty = jax.random.uniform(k_ty, (B,), dtype=jnp.float32) * max_ty
    tx = jax.random.uniform(k_tx, (B,), dtype=jnp.float32) * max_tx
    translate = jnp.stack([ty, tx], axis=-1)
    hflip = jax.random.uniform(k_flip, (B,), dtype=jnp.float32) < hflip_probability
    fits = (scaled_h_per_slot <= float(H)) & (scaled_w_per_slot <= float(W))
    paste_valid = source_valid & fits
    return (source_idx, translate, scale, hflip, paste_valid)

if __name__ == "__main__":
    import jax
    _d = setup_inputs()
    print(jax.jit(kernel)(*tuple(_d.values())))

</pallas_src>

<mosaic_0001>
#map = affine_map<(d0, d1) -> (0, 0, 0)>
#map1 = affine_map<(d0, d1) -> (0, 0)>
module attributes {stable_mosaic.version = 14 : i64} {
  func.func @_sc_body(%arg0: i32, %arg1: i32, %arg2: memref<64x5x128xf32, #tpu.memory_space<hbm>>, %arg3: memref<64x16xf32, #tpu.memory_space<hbm>>, %arg4: memref<64x144xi32, #tpu.memory_space<hbm>>, %arg5: memref<4x16xf32, #tpu.memory_space<vmem>>, %arg6: memref<16xi32, #tpu.memory_space<vmem>>, %arg7: memref<4x5x128xf32, #tpu.memory_space<vmem>>, %arg8: memref<4x144xi32, #tpu.memory_space<vmem>>, %arg9: memref<!tpu.dma_semaphore, #tpu.memory_space<semaphore_mem>>) attributes {dimension_semantics = [#tpu.dimension_semantics<core_parallel>, #tpu.dimension_semantics<subcore_parallel>], iteration_bounds = array<i64: 1, 16>, scalar_prefetch = 0 : i64, scratch_operands = 5 : i64, tpu.core_type = #tpu.core_type<sc_vector_subcore>, window_params = [{transform_indices = #map}, {transform_indices = #map1}, {transform_indices = #map1}]} {
    %mul3A = arith.constant 4 : i32
    %mul3A_0 = arith.muli %arg1, %mul3A : i32
    %iota3A = tpu.iota {dimensions = array<i32: 0>} : vector<16xi32>
    "tpu.region"() ({
      %run_scoped3A = tpu.sem_alloc : memref<!tpu.dma_semaphore, #tpu.memory_space<semaphore_mem>>
      %dma_start3A_2636 = arith.constant 0 : i32
      %dma_start3A_2637 = tpu.memref_slice %arg3[%mul3A_0, %dma_start3A_2636] : memref<64x16xf32, #tpu.memory_space<hbm>> -> memref<4x16xf32, #tpu.memory_space<hbm>>
      %dma_start3A_2638 = arith.constant 0 : i32
      %dma_start3A_2639 = tpu.memref_slice %arg3[%mul3A_0, %dma_start3A_2638] : memref<64x16xf32, #tpu.memory_space<hbm>> -> memref<4x16xf32, #tpu.memory_space<hbm>>
      tpu.enqueue_dma source(%dma_start3A_2639 : memref<4x16xf32, #tpu.memory_space<hbm>>) target(%arg5 : memref<4x16xf32, #tpu.memory_space<vmem>>) target_semaphore(%run_scoped3A : memref<!tpu.dma_semaphore, #tpu.memory_space<semaphore_mem>>)
      %dma_wait3A_2640 = arith.constant 0 : i32
      %dma_wait3A_2641 = tpu.memref_slice %arg3[%mul3A_0, %dma_wait3A_2640] : memref<64x16xf32, #tpu.memory_space<hbm>> -> memref<4x16xf32, #tpu.memory_space<hbm>>
      %dma_wait3A_2642 = arith.constant 0 : i32
      %dma_wait3A_2643 = tpu.memref_slice %arg3[%mul3A_0, %dma_wait3A_2642] : memref<64x16xf32, #tpu.memory_space<hbm>> -> memref<4x16xf32, #tpu.memory_space<hbm>>
      tpu.wait_dma2 semaphore(%run_scoped3A : memref<!tpu.dma_semaphore, #tpu.memory_space<semaphore_mem>>) src(%dma_wait3A_2643 : memref<4x16xf32, #tpu.memory_space<hbm>>) dst(%arg5 : memref<4x16xf32, #tpu.memory_space<vmem>>)
      tpu.yield
    }) : () -> ()
    %get3A = arith.constant 0 : i32
    %get3A_1 = arith.index_cast %get3A : i32 to index
    %get3A_2 = arith.constant 0 : index
    %get3A_3 = tpu.vector_load %arg5[%get3A_1, %get3A_2] {strides = array<i32>} : memref<4x16xf32, #tpu.memory_space<vmem>>, vector<1x16xf32>,
    %get3A_4 = vector.shape_cast %get3A_3 : vector<1x16xf32> to vector<16xf32>
    %slice3A = vector.extract_strided_slice %get3A_4 {offsets = [0], sizes = [1], strides = [1]} : vector<16xf32> to vector<1xf32>
    %squeeze3A = vector.extract %slice3A[0] : f32 from vector<1xf32>
    %broadcast_in_dim3A = vector.broadcast %squeeze3A : f32 to vector<16xf32>
    %add3A = arith.constant 0 : i32
    %add3A_5 = arith.addi %mul3A_0, %add3A : i32
    %convert_element_type3A = arith.sitofp %add3A_5 : i32 to f32
    %ge3A = vector.broadcast %convert_element_type3A : f32 to vector<16xf32>
    %ge3A_6 = arith.cmpf oge, %broadcast_in_dim3A, %ge3A : vector<16xf32>
    %jit3A = arith.constant 1.000000e+00 : f32
    %jit3A_7 = arith.constant 0.000000e+00 : f32
    %broadcast_in_dim3A_8 = vector.broadcast %jit3A : f32 to vector<16xf32>
    %broadcast_in_dim3A_9 = vector.broadcast %jit3A_7 : f32 to vector<16xf32>
    %select_n3A = arith.select %ge3A_6, %broadcast_in_dim3A_8, %broadcast_in_dim3A_9 : vector<16xi1>, vector<16xf32>
    %add3A_10 = arith.addf %broadcast_in_dim3A, %select_n3A : vector<16xf32>
    %get3A_11 = arith.constant 1 : i32
    %get3A_12 = arith.index_cast %get3A_11 : i32 to index
    %get3A_13 = arith.constant 0 : index
    %get3A_14 = tpu.vector_load %arg5[%get3A_12, %get3A_13] {strides = array<i32>} : memref<4x16xf32, #tpu.memory_space<vmem>>, vector<1x16xf32>,
    %get3A_15 = vector.shape_cast %get3A_14 : vector<1x16xf32> to vector<16xf32>
    %slice3A_16 = vector.extract_strided_slice %get3A_15 {offsets = [0], sizes = [1], strides = [1]} : vector<16xf32> to vector<1xf32>
    %squeeze3A_17 = vector.extract %slice3A_16[0] : f32 from vector<1xf32>
    %broadcast_in_dim3A_18 = vector.broadcast %squeeze3A_17 : f32 to vector<16xf32>
    %add3A_19 = arith.constant 1 : i32
    %add3A_20 = arith.addi %mul3A_0, %add3A_19 : i32
    %convert_element_type3A_21 = arith.sitofp %add3A_20 : i32 to f32
    %ge3A_22 = vector.broadcast %convert_element_type3A_21 : f32 to vector<16xf32>
    %ge3A_23 = arith.cmpf oge, %broadcast_in_dim3A_18, %ge3A_22 : vector<16xf32>
    %jit3A_24 = arith.constant 1.000000e+00 : f32
    %jit3A_25 = arith.constant 0.000000e+00 : f32
    %broadcast_in_dim3A_26 = vector.broadcast %jit3A_24 : f32 to vector<16xf32>
    %broadcast_in_dim3A_27 = vector.broadcast %jit3A_25 : f32 to vector<16xf32>
    %select_n3A_28 = arith.select %ge3A_23, %broadcast_in_dim3A_26, %broadcast_in_dim3A_27 : vector<16xi1>, vector<16xf32>
    %add3A_29 = arith.addf %broadcast_in_dim3A_18, %select_n3A_28 : vector<16xf32>
    %get3A_30 = arith.constant 2 : i32
    %get3A_31 = arith.index_cast %get3A_30 : i32 to index
    %get3A_32 = arith.constant 0 : index
    %get3A_33 = tpu.vector_load %arg5[%get3A_31, %get3A_32] {strides = array<i32>} : memref<4x16xf32, #tpu.memory_space<vmem>>, vector<1x16xf32>,
    %get3A_34 = vector.shape_cast %get3A_33 : vector<1x16xf32> to vector<16xf32>
    %slice3A_35 = vector.extract_strided_slice %get3A_34 {offsets = [0], sizes = [1], strides = [1]} : vector<16xf32> to vector<1xf32>
    %squeeze3A_36 = vector.extract %slice3A_35[0] : f32 from vector<1xf32>
    %broadcast_in_dim3A_37 = vector.broadcast %squeeze3A_36 : f32 to vector<16xf32>
    %add3A_38 = arith.constant 2 : i32
    %add3A_39 = arith.addi %mul3A_0, %add3A_38 : i32
    %convert_element_type3A_40 = arith.sitofp %add3A_39 : i32 to f32
    %ge3A_41 = vector.broadcast %convert_element_type3A_40 : f32 to vector<16xf32>
    %ge3A_42 = arith.cmpf oge, %broadcast_in_dim3A_37, %ge3A_41 : vector<16xf32>
    %jit3A_43 = arith.constant 1.000000e+00 : f32
    %jit3A_44 = arith.constant 0.000000e+00 : f32
    %broadcast_in_dim3A_45 = vector.broadcast %jit3A_43 : f32 to vector<16xf32>
    %broadcast_in_dim3A_46 = vector.broadcast %jit3A_44 : f32 to vector<16xf32>
    %select_n3A_47 = arith.select %ge3A_42, %broadcast_in_dim3A_45, %broadcast_in_dim3A_46 : vector<16xi1>, vector<16xf32>
    %add3A_48 = arith.addf %broadcast_in_dim3A_37, %select_n3A_47 : vector<16xf32>
    %get3A_49 = arith.constant 3 : i32
    %get3A_50 = arith.index_cast %get3A_49 : i32 to index
    %get3A_51 = arith.constant 0 : index
    %get3A_52 = tpu.vector_load %arg5[%get3A_50, %get3A_51] {strides = array<i32>} : memref<4x16xf32, #tpu.memory_space<vmem>>, vector<1x16xf32>,
    %get3A_53 = vector.shape_cast %get3A_52 : vector<1x16xf32> to vector<16xf32>
    %slice3A_54 = vector.extract_strided_slice %get3A_53 {offsets = [0], sizes = [1], strides = [1]} : vector<16xf32> to vector<1xf32>
    %squeeze3A_55 = vector.extract %slice3A_54[0] : f32 from vector<1xf32>
    %broadcast_in_dim3A_56 = vector.broadcast %squeeze3A_55 : f32 to vector<16xf32>
    %add3A_57 = arith.constant 3 : i32
    %add3A_58 = arith.addi %mul3A_0, %add3A_57 : i32
    %convert_element_type3A_59 = arith.sitofp %add3A_58 : i32 to f32
    %ge3A_60 = vector.broadcast %convert_element_type3A_59 : f32 to vector<16xf32>
    %ge3A_61 = arith.cmpf oge, %broadcast_in_dim3A_56, %ge3A_60 : vector<16xf32>
    %jit3A_62 = arith.constant 1.000000e+00 : f32
    %jit3A_63 = arith.constant 0.000000e+00 : f32
    %broadcast_in_dim3A_64 = vector.broadcast %jit3A_62 : f32 to vector<16xf32>
    %broadcast_in_dim3A_65 = vector.broadcast %jit3A_63 : f32 to vector<16xf32>
    %select_n3A_66 = arith.select %ge3A_61, %broadcast_in_dim3A_64, %broadcast_in_dim3A_65 : vector<16xi1>, vector<16xf32>
    %add3A_67 = arith.addf %broadcast_in_dim3A_56, %select_n3A_66 : vector<16xf32>
    %eq3A = arith.constant 1 : i32
    %eq3A_68 = vector.broadcast %eq3A : i32 to vector<16xi32>
    %eq3A_69 = arith.cmpi eq, %iota3A, %eq3A_68 : vector<16xi32>
    %select_n3A_70 = arith.select %eq3A_69, %add3A_29, %add3A_10 : vector<16xi1>, vector<16xf32>
    %eq3A_71 = arith.constant 2 : i32
    %eq3A_72 = vector.broadcast %eq3A_71 : i32 to vector<16xi32>
    %eq3A_73 = arith.cmpi eq, %iota3A, %eq3A_72 : vector<16xi32>
    %select_n3A_74 = arith.select %eq3A_73, %add3A_48, %select_n3A_70 : vector<16xi1>, vector<16xf32>
    %eq3A_75 = arith.constant 3 : i32
    %eq3A_76 = vector.broadcast %eq3A_75 : i32 to vector<16xi32>
    %eq3A_77 = arith.cmpi eq, %iota3A, %eq3A_76 : vector<16xi32>
    %select_n3A_78 = arith.select %eq3A_77, %add3A_67, %select_n3A_74 : vector<16xi1>, vector<16xf32>
    %convert_element_type3A_79 = arith.fptosi %select_n3A_78 : vector<16xf32> to vector<16xi32>
    %swap3A = arith.constant 0 : index
    %swap3A_80 = tpu.vector_load %arg6[%swap3A] {strides = array<i32>} : memref<16xi32, #tpu.memory_space<vmem>>, vector<16xi32>,
    %swap3A_81 = vector.shape_cast %swap3A_80 : vector<16xi32> to vector<16xi32>
    %swap3A_82 = vector.shape_cast %convert_element_type3A_79 : vector<16xi32> to vector<16xi32>
    tpu.vector_store %arg6[%swap3A], %swap3A_82 {strides = array<i32>} : memref<16xi32, #tpu.memory_space<vmem>>, vector<16xi32>,
    %dma_start3A = arith.constant 0 : i32
    %dma_start3A_83 = tpu.memref_slice %arg6[%dma_start3A] : memref<16xi32, #tpu.memory_space<vmem>> -> memref<4xi32, #tpu.memory_space<vmem>>
    %dma_start3A_84 = arith.constant 0 : i32
    %dma_start3A_85 = arith.constant 0 : i32
    %dma_start3A_86 = arith.constant 0 : i32
    %dma_start3A_87 = tpu.memref_slice %arg2[%dma_start3A_84, %dma_start3A_85, %dma_start3A_86] : memref<64x5x128xf32, #tpu.memory_space<hbm>> -> memref<64x5x128xf32, #tpu.memory_space<hbm>>
    tpu.enqueue_indirect_dma source(%dma_start3A_87 : memref<64x5x128xf32, #tpu.memory_space<hbm>>) target(%arg7 : memref<4x5x128xf32, #tpu.memory_space<vmem>>) offsets(%dma_start3A_83 : memref<4xi32, #tpu.memory_space<vmem>>) semaphore(%arg9 : memref<!tpu.dma_semaphore, #tpu.memory_space<semaphore_mem>>)
    %dma_wait3A = arith.constant 0 : i32
    %dma_wait3A_88 = tpu.memref_slice %arg6[%dma_wait3A] : memref<16xi32, #tpu.memory_space<vmem>> -> memref<4xi32, #tpu.memory_space<vmem>>
    %dma_wait3A_89 = arith.constant 0 : i32
    %dma_wait3A_90 = arith.constant 0 : i32
    %dma_wait3A_91 = arith.constant 0 : i32
    %dma_wait3A_92 = tpu.memref_slice %arg2[%dma_wait3A_89, %dma_wait3A_90, %dma_wait3A_91] : memref<64x5x128xf32, #tpu.memory_space<hbm>> -> memref<64x5x128xf32, #tpu.memory_space<hbm>>
    tpu.wait_indirect_dma semaphore(%arg9 : memref<!tpu.dma_semaphore, #tpu.memory_space<semaphore_mem>>) src(%dma_wait3A_92 : memref<64x5x128xf32, #tpu.memory_space<hbm>>) dst(%arg7 : memref<4x5x128xf32, #tpu.memory_space<vmem>>)
    %get3A_93 = arith.constant 0 : i32
    %get3A_94 = arith.index_cast %get3A_93 : i32 to index
    %get3A_95 = arith.constant 0 : index
    %get3A_96 = tpu.vector_load %arg5[%get3A_94, %get3A_95] {strides = array<i32>} : memref<4x16xf32, #tpu.memory_space<vmem>>, vector<1x16xf32>,
    %get3A_97 = vector.shape_cast %get3A_96 : vector<1x16xf32> to vector<16xf32>
    %slice3A_98 = vector.extract_strided_slice %get3A_97 {offsets = [1], sizes = [1], strides = [1]} : vector<16xf32> to vector<1xf32>
    %squeeze3A_99 = vector.extract %slice3A_98[0] : f32 from vector<1xf32>
    %broadcast_in_dim3A_100 = vector.broadcast %squeeze3A_99 : f32 to vector<16xf32>
    %mul3A_101 = arith.constant 1.500000e+00 : f32
    %mul3A_102 = vector.broadcast %mul3A_101 : f32 to vector<16xf32>
    %mul3A_103 = arith.mulf %broadcast_in_dim3A_100, %mul3A_102 : vector<16xf32>
    %add3A_104 = arith.constant 5.000000e-01 : f32
    %add3A_105 = vector.broadcast %add3A_104 : f32 to vector<16xf32>
    %add3A_106 = arith.addf %mul3A_103, %add3A_105 : vector<16xf32>
    %broadcast_in_dim3A_107 = arith.constant 0.000000e+00 : f32
    %broadcast_in_dim3A_108 = vector.broadcast %broadcast_in_dim3A_107 : f32 to vector<16xf32>
    %broadcast_in_dim3A_109 = arith.constant 0.000000e+00 : f32
    %broadcast_in_dim3A_110 = vector.broadcast %broadcast_in_dim3A_109 : f32 to vector<16xf32>
    %get3A_111 = arith.constant 0 : i32
    %get3A_112 = arith.constant 0 : i32
    %get3A_113 = arith.index_cast %get3A_111 : i32 to index
    %get3A_114 = arith.index_cast %get3A_112 : i32 to index
    %get3A_115 = arith.constant 0 : index
    %get3A_116 = tpu.vector_load %arg7[%get3A_113, %get3A_114, %get3A_115] {strides = array<i32>} : memref<4x5x128xf32, #tpu.memory_space<vmem>>, vector<1x1x16xf32>,
    %get3A_117 = vector.shape_cast %get3A_116 : vector<1x1x16xf32> to vector<16xf32>
    %get3A_118 = arith.constant 0 : i32
    %get3A_119 = arith.constant 1 : i32
    %get3A_120 = arith.index_cast %get3A_118 : i32 to index
    %get3A_121 = arith.index_cast %get3A_119 : i32 to index
    %get3A_122 = arith.constant 0 : index
    %get3A_123 = tpu.vector_load %arg7[%get3A_120, %get3A_121, %get3A_122] {strides = array<i32>} : memref<4x5x128xf32, #tpu.memory_space<vmem>>, vector<1x1x16xf32>,
    %get3A_124 = vector.shape_cast %get3A_123 : vector<1x1x16xf32> to vector<16xf32>
    %get3A_125 = arith.constant 0 : i32
    %get3A_126 = arith.constant 2 : i32
    %get3A_127 = arith.index_cast %get3A_125 : i32 to index
    %get3A_128 = arith.index_cast %get3A_126 : i32 to index
    %get3A_129 = arith.constant 0 : index
    %get3A_130 = tpu.vector_load %arg7[%get3A_127, %get3A_128, %get3A_129] {strides = array<i32>} : memref<4x5x128xf32, #tpu.memory_space<vmem>>, vector<1x1x16xf32>,
    %get3A_131 = vector.shape_cast %get3A_130 : vector<1x1x16xf32> to vector<16xf32>
    %get3A_132 = arith.constant 0 : i32
    %get3A_133 = arith.constant 3 : i32
    %get3A_134 = arith.index_cast %get3A_132 : i32 to index
    %get3A_135 = arith.index_cast %get3A_133 : i32 to index
    %get3A_136 = arith.constant 0 : index
    %get3A_137 = tpu.vector_load %arg7[%get3A_134, %get3A_135, %get3A_136] {strides = array<i32>} : memref<4x5x128xf32, #tpu.memory_space<vmem>>, vector<1x1x16xf32>,
    %get3A_138 = vector.shape_cast %get3A_137 : vector<1x1x16xf32> to vector<16xf32>
    %sub3A = arith.subf %get3A_131, %get3A_117 : vector<16xf32>
    %mul3A_139 = arith.mulf %sub3A, %add3A_106 : vector<16xf32>
    %sub3A_140 = arith.subf %get3A_138, %get3A_124 : vector<16xf32>
    %mul3A_141 = arith.mulf %sub3A_140, %add3A_106 : vector<16xf32>
    %max3A = arith.maximumf %broadcast_in_dim3A_108, %mul3A_139 : vector<16xf32>
    %max3A_142 = arith.maximumf %broadcast_in_dim3A_110, %mul3A_141 : vector<16xf32>
    %le3A = arith.constant 5.120000e+02 : f32
    %le3A_143 = vector.broadcast %le3A : f32 to vector<16xf32>
    %le3A_144 = arith.cmpf ole, %mul3A_141, %le3A_143 : vector<16xf32>
    %le3A_145 = arith.constant 5.120000e+02 : f32
    %le3A_146 = vector.broadcast %le3A_145 : f32 to vector<16xf32>
    %le3A_147 = arith.cmpf ole, %mul3A_139, %le3A_146 : vector<16xf32>
    %and3A = arith.andi %le3A_144, %le3A_147 : vector<16xi1>
    %get3A_148 = arith.constant 0 : i32
    %get3A_149 = arith.constant 4 : i32
    %get3A_150 = arith.index_cast %get3A_148 : i32 to index
    %get3A_151 = arith.index_cast %get3A_149 : i32 to index
    %get3A_152 = arith.constant 0 : index
    %get3A_153 = tpu.vector_load %arg7[%get3A_150, %get3A_151, %get3A_152] {strides = array<i32>} : memref<4x5x128xf32, #tpu.memory_space<vmem>>, vector<1x1x16xf32>,
    %get3A_154 = vector.shape_cast %get3A_153 : vector<1x1x16xf32> to vector<16xf32>
    %gt3A = arith.constant 5.000000e-01 : f32
    %gt3A_155 = vector.broadcast %gt3A : f32 to vector<16xf32>
    %gt3A_156 = arith.cmpf ogt, %get3A_154, %gt3A_155 : vector<16xf32>
    %and3A_157 = arith.andi %and3A, %gt3A_156 : vector<16xi1>
    %jit3A_158 = arith.constant 1 : i32
    %jit3A_159 = arith.constant 0 : i32
    %broadcast_in_dim3A_160 = vector.broadcast %jit3A_158 : i32 to vector<16xi32>
    %broadcast_in_dim3A_161 = vector.broadcast %jit3A_159 : i32 to vector<16xi32>
    %select_n3A_162 = arith.select %and3A_157, %broadcast_in_dim3A_160, %broadcast_in_dim3A_161 : vector<16xi1>, vector<16xi32>
    %swap3A_163 = arith.constant 0 : i32
    %swap3A_164 = arith.index_cast %swap3A_163 : i32 to index
    %swap3A_165 = arith.constant 0 : index
    %swap3A_166 = tpu.vector_load %arg8[%swap3A_164, %swap3A_165] {strides = array<i32>} : memref<4x144xi32, #tpu.memory_space<vmem>>, vector<1x16xi32>,
    %swap3A_167 = vector.shape_cast %swap3A_166 : vector<1x16xi32> to vector<16xi32>
    %swap3A_168 = vector.shape_cast %select_n3A_162 : vector<16xi32> to vector<1x16xi32>
    tpu.vector_store %arg8[%swap3A_164, %swap3A_165], %swap3A_168 {strides = array<i32>} : memref<4x144xi32, #tpu.memory_space<vmem>>, vector<1x16xi32>,
    %get3A_169 = arith.constant 0 : i32
    %get3A_170 = arith.constant 0 : i32
    %get3A_171 = arith.index_cast %get3A_169 : i32 to index
    %get3A_172 = arith.index_cast %get3A_170 : i32 to index
    %get3A_173 = arith.constant 16 : index
    %get3A_174 = tpu.vector_load %arg7[%get3A_171, %get3A_172, %get3A_173] {strides = array<i32>} : memref<4x5x128xf32, #tpu.memory_space<vmem>>, vector<1x1x16xf32>,
    %get3A_175 = vector.shape_cast %get3A_174 : vector<1x1x16xf32> to vector<16xf32>
    %get3A_176 = arith.constant 0 : i32
    %get3A_177 = arith.constant 1 : i32
    %get3A_178 = arith.index_cast %get3A_176 : i32 to index
    %get3A_179 = arith.index_cast %get3A_177 : i32 to index
    %get3A_180 = arith.constant 16 : index
    %get3A_181 = tpu.vector_load %arg7[%get3A_178, %get3A_179, %get3A_180] {strides = array<i32>} : memref<4x5x128xf32, #tpu.memory_space<vmem>>, vector<1x1x16xf32>,
    %get3A_182 = vector.shape_cast %get3A_181 : vector<1x1x16xf32> to vector<16xf32>
    %get3A_183 = arith.constant 0 : i32
    %get3A_184 = arith.constant 2 : i32
    %get3A_185 = arith.index_cast %get3A_183 : i32 to index
    %get3A_186 = arith.index_cast %get3A_184 : i32 to index
    %get3A_187 = arith.constant 16 : index
    %get3A_188 = tpu.vector_load %arg7[%get3A_185, %get3A_186, %get3A_187] {strides = array<i32>} : memref<4x5x128xf32, #tpu.memory_space<vmem>>, vector<1x1x16xf32>,
    %get3A_189 = vector.shape_cast %get3A_188 : vector<1x1x16xf32> to vector<16xf32>
    %get3A_190 = arith.constant 0 : i32
    %get3A_191 = arith.constant 3 : i32
    %get3A_192 = arith.index_cast %get3A_190 : i32 to index
    %get3A_193 = arith.index_cast %get3A_191 : i32 to index
    %get3A_194 = arith.constant 16 : index
    %get3A_195 = tpu.vector_load %arg7[%get3A_192, %get3A_193, %get3A_194] {strides = array<i32>} : memref<4x5x128xf32, #tpu.memory_space<vmem>>, vector<1x1x16xf32>,
    %get3A_196 = vector.shape_cast %get3A_195 : vector<1x1x16xf32> to vector<16xf32>
    %sub3A_197 = arith.subf %get3A_189, %get3A_175 : vector<16xf32>
    %mul3A_198 = arith.mulf %sub3A_197, %add3A_106 : vector<16xf32>
    %sub3A_199 = arith.subf %get3A_196, %get3A_182 : vector<16xf32>
    %mul3A_200 = arith.mulf %sub3A_199, %add3A_106 : vector<16xf32>
    %max3A_201 = arith.maximumf %max3A, %mul3A_198 : vector<16xf32>
    %max3A_202 = arith.maximumf %max3A_142, %mul3A_200 : vector<16xf32>
    %le3A_203 = arith.constant 5.120000e+02 : f32
    %le3A_204 = vector.broadcast %le3A_203 : f32 to vector<16xf32>
    %le3A_205 = arith.cmpf ole, %mul3A_200, %le3A_204 : vector<16xf32>
    %le3A_206 = arith.constant 5.120000e+02 : f32
    %le3A_207 = vector.broadcast %le3A_206 : f32 to vector<16xf32>
    %le3A_208 = arith.cmpf ole, %mul3A_198, %le3A_207 : vector<16xf32>
    %and3A_209 = arith.andi %le3A_205, %le3A_208 : vector<16xi1>
    %get3A_210 = arith.constant 0 : i32
    %get3A_211 = arith.constant 4 : i32
    %get3A_212 = arith.index_cast %get3A_210 : i32 to index
    %get3A_213 = arith.index_cast %get3A_211 : i32 to index
    %get3A_214 = arith.constant 16 : index
    %get3A_215 = tpu.vector_load %arg7[%get3A_212, %get3A_213, %get3A_214] {strides = array<i32>} : memref<4x5x128xf32, #tpu.memory_space<vmem>>, vector<1x1x16xf32>,
    %get3A_216 = vector.shape_cast %get3A_215 : vector<1x1x16xf32> to vector<16xf32>
    %gt3A_217 = arith.constant 5.000000e-01 : f32
    %gt3A_218 = vector.broadcast %gt3A_217 : f32 to vector<16xf32>
    %gt3A_219 = arith.cmpf ogt, %get3A_216, %gt3A_218 : vector<16xf32>
    %and3A_220 = arith.andi %and3A_209, %gt3A_219 : vector<16xi1>
    %jit3A_221 = arith.constant 1 : i32
    %jit3A_222 = arith.constant 0 : i32
    %broadcast_in_dim3A_223 = vector.broadcast %jit3A_221 : i32 to vector<16xi32>
    %broadcast_in_dim3A_224 = vector.broadcast %jit3A_222 : i32 to vector<16xi32>
    %select_n3A_225 = arith.select %and3A_220, %broadcast_in_dim3A_223, %broadcast_in_dim3A_224 : vector<16xi1>, vector<16xi32>
    %swap3A_226 = arith.constant 0 : i32
    %swap3A_227 = arith.index_cast %swap3A_226 : i32 to index
    %swap3A_228 = arith.constant 16 : index
    %swap3A_229 = tpu.vector_load %arg8[%swap3A_227, %swap3A_228] {strides = array<i32>} : memref<4x144xi32, #tpu.memory_space<vmem>>, vector<1x16xi32>,
    %swap3A_230 = vector.shape_cast %swap3A_229 : vector<1x16xi32> to vector<16xi32>
    %swap3A_231 = vector.shape_cast %select_n3A_225 : vector<16xi32> to vector<1x16xi32>
    tpu.vector_store %arg8[%swap3A_227, %swap3A_228], %swap3A_231 {strides = array<i32>} : memref<4x144xi32, #tpu.memory_space<vmem>>, vector<1x16xi32>,
    %get3A_232 = arith.constant 0 : i32
    %get3A_233 = arith.constant 0 : i32
    %get3A_234 = arith.index_cast %get3A_232 : i32 to index
    %get3A_235 = arith.index_cast %get3A_233 : i32 to index
    %get3A_236 = arith.constant 32 : index
    %get3A_237 = tpu.vector_load %arg7[%get3A_234, %get3A_235, %get3A_236] {strides = array<i32>} : memref<4x5x128xf32, #tpu.memory_space<vmem>>, vector<1x1x16xf32>,
    %get3A_238 = vector.shape_cast %get3A_237 : vector<1x1x16xf32> to vector<16xf32>
    %get3A_239 = arith.constant 0 : i32
    %get3A_240 = arith.constant 1 : i32
    %get3A_241 = arith.index_cast %get3A_239 : i32 to index
    %get3A_242 = arith.index_cast %get3A_240 : i32 to index
    %get3A_243 = arith.constant 32 : index
    %get3A_244 = tpu.vector_load %arg7[%get3A_241, %get3A_242, %get3A_243] {strides = array<i32>} : memref<4x5x128xf32, #tpu.memory_space<vmem>>, vector<1x1x16xf32>,
    %get3A_245 = vector.shape_cast %get3A_244 : vector<1x1x16xf32> to vector<16xf32>
    %get3A_246 = arith.constant 0 : i32
    %get3A_247 = arith.constant 2 : i32
    %get3A_248 = arith.index_cast %get3A_246 : i32 to index
    %get3A_249 = arith.index_cast %get3A_247 : i32 to index
    %get3A_250 = arith.constant 32 : index
    %get3A_251 = tpu.vector_load %arg7[%get3A_248, %get3A_249, %get3A_250] {strides = array<i32>} : memref<4x5x128xf32, #tpu.memory_space<vmem>>, vector<1x1x16xf32>,
    %get3A_252 = vector.shape_cast %get3A_251 : vector<1x1x16xf32> to vector<16xf32>
    %get3A_253 = arith.constant 0 : i32
    %get3A_254 = arith.constant 3 : i32
    %get3A_255 = arith.index_cast %get3A_253 : i32 to index
    %get3A_256 = arith.index_cast %get3A_254 : i32 to index
    %get3A_257 = arith.constant 32 : index
    %get3A_258 = tpu.vector_load %arg7[%get3A_255, %get3A_256, %get3A_257] {strides = array<i32>} : memref<4x5x128xf32, #tpu.memory_space<vmem>>, vector<1x1x16xf32>,
    %get3A_259 = vector.shape_cast %get3A_258 : vector<1x1x16xf32> to vector<16xf32>
    %sub3A_260 = arith.subf %get3A_252, %get3A_238 : vector<16xf32>
    %mul3A_261 = arith.mulf %sub3A_260, %add3A_106 : vector<16xf32>
    %sub3A_262 = arith.subf %get3A_259, %get3A_245 : vector<16xf32>
    %mul3A_263 = arith.mulf %sub3A_262, %add3A_106 : vector<16xf32>
    %max3A_264 = arith.maximumf %max3A_201, %mul3A_261 : vector<16xf32>
    %max3A_265 = arith.maximumf %max3A_202, %mul3A_263 : vector<16xf32>
    %le3A_266 = arith.constant 5.120000e+02 : f32
    %le3A_267 = vector.broadcast %le3A_266 : f32 to vector<16xf32>
    %le3A_268 = arith.cmpf ole, %mul3A_263, %le3A_267 : vector<16xf32>
    %le3A_269 = arith.constant 5.120000e+02 : f32
    %le3A_270 = vector.broadcast %le3A_269 : f32 to vector<16xf32>
    %le3A_271 = arith.cmpf ole, %mul3A_261, %le3A_270 : vector<16xf32>
    %and3A_272 = arith.andi %le3A_268, %le3A_271 : vector<16xi1>
    %get3A_273 = arith.constant 0 : i32
    %get3A_274 = arith.constant 4 : i32
    %get3A_275 = arith.index_cast %get3A_273 : i32 to index
    %get3A_276 = arith.index_cast %get3A_274 : i32 to index
    %get3A_277 = arith.constant 32 : index
    %get3A_278 = tpu.vector_load %arg7[%get3A_275, %get3A_276, %get3A_277] {strides = array<i32>} : memref<4x5x128xf32, #tpu.memory_space<vmem>>, vector<1x1x16xf32>,
    %get3A_279 = vector.shape_cast %get3A_278 : vector<1x1x16xf32> to vector<16xf32>
    %gt3A_280 = arith.constant 5.000000e-01 : f32
    %gt3A_281 = vector.broadcast %gt3A_280 : f32 to vector<16xf32>
    %gt3A_282 = arith.cmpf ogt, %get3A_279, %gt3A_281 : vector<16xf32>
    %and3A_283 = arith.andi %and3A_272, %gt3A_282 : vector<16xi1>
    %jit3A_284 = arith.constant 1 : i32
    %jit3A_285 = arith.constant 0 : i32
    %broadcast_in_dim3A_286 = vector.broadcast %jit3A_284 : i32 to vector<16xi32>
    %broadcast_in_dim3A_287 = vector.broadcast %jit3A_285 : i32 to vector<16xi32>
    %select_n3A_288 = arith.select %and3A_283, %broadcast_in_dim3A_286, %broadcast_in_dim3A_287 : vector<16xi1>, vector<16xi32>
    %swap3A_289 = arith.constant 0 : i32
    %swap3A_290 = arith.index_cast %swap3A_289 : i32 to index
    %swap3A_291 = arith.constant 32 : index
    %swap3A_292 = tpu.vector_load %arg8[%swap3A_290, %swap3A_291] {strides = array<i32>} : memref<4x144xi32, #tpu.memory_space<vmem>>, vector<1x16xi32>,
    %swap3A_293 = vector.shape_cast %swap3A_292 : vector<1x16xi32> to vector<16xi32>
    %swap3A_294 = vector.shape_cast %select_n3A_288 : vector<16xi32> to vector<1x16xi32>
    tpu.vector_store %arg8[%swap3A_290, %swap3A_291], %swap3A_294 {strides = array<i32>} : memref<4x144xi32, #tpu.memory_space<vmem>>, vector<1x16xi32>,
    %get3A_295 = arith.constant 0 : i32
    %get3A_296 = arith.constant 0 : i32
    %get3A_297 = arith.index_cast %get3A_295 : i32 to index
    %get3A_298 = arith.index_cast %get3A_296 : i32 to index
    %get3A_299 = arith.constant 48 : index
    %get3A_300 = tpu.vector_load %arg7[%get3A_297, %get3A_298, %get3A_299] {strides = array<i32>} : memref<4x5x128xf32, #tpu.memory_space<vmem>>, vector<1x1x16xf32>,
    %get3A_301 = vector.shape_cast %get3A_300 : vector<1x1x16xf32> to vector<16xf32>
    %get3A_302 = arith.constant 0 : i32
    %get3A_303 = arith.constant 1 : i32
    %get3A_304 = arith.index_cast %get3A_302 : i32 to index
    %get3A_305 = arith.index_cast %get3A_303 : i32 to index
    %get3A_306 = arith.constant 48 : index
    %get3A_307 = tpu.vector_load %arg7[%get3A_304, %get3A_305, %get3A_306] {strides = array<i32>} : memref<4x5x128xf32, #tpu.memory_space<vmem>>, vector<1x1x16xf32>,
    %get3A_308 = vector.shape_cast %get3A_307 : vector<1x1x16xf32> to vector<16xf32>
    %get3A_309 = arith.constant 0 : i32
    %get3A_310 = arith.constant 2 : i32
    %get3A_311 = arith.index_cast %get3A_309 : i32 to index
    %get3A_312 = arith.index_cast %get3A_310 : i32 to index
    %get3A_313 = arith.constant 48 : index
    %get3A_314 = tpu.vector_load %arg7[%get3A_311, %get3A_312, %get3A_313] {strides = array<i32>} : memref<4x5x128xf32, #tpu.memory_space<vmem>>, vector<1x1x16xf32>,
    %get3A_315 = vector.shape_cast %get3A_314 : vector<1x1x16xf32> to vector<16xf32>
    %get3A_316 = arith.constant 0 : i32
    %get3A_317 = arith.constant 3 : i32
    %get3A_318 = arith.index_cast %get3A_316 : i32 to index
    %get3A_319 = arith.index_cast %get3A_317 : i32 to index
    %get3A_320 = arith.constant 48 : index
    %get3A_321 = tpu.vector_load %arg7[%get3A_318, %get3A_319, %get3A_320] {strides = array<i32>} : memref<4x5x128xf32, #tpu.memory_space<vmem>>, vector<1x1x16xf32>,
    %get3A_322 = vector.shape_cast %get3A_321 : vector<1x1x16xf32> to vector<16xf32>
    %sub3A_323 = arith.subf %get3A_315, %get3A_301 : vector<16xf32>
    %mul3A_324 = arith.mulf %sub3A_323, %add3A_106 : vector<16xf32>
    %sub3A_325 = arith.subf %get3A_322, %get3A_308 : vector<16xf32>
    %mul3A_326 = arith.mulf %sub3A_325, %add3A_106 : vector<16xf32>
    %max3A_327 = arith.maximumf %max3A_264, %mul3A_324 : vector<16xf32>
    %max3A_328 = arith.maximumf %max3A_265, %mul3A_326 : vector<16xf32>
    %le3A_329 = arith.constant 5.120000e+02 : f32
    %le3A_330 = vector.broadcast %le3A_329 : f32 to vector<16xf32>
    %le3A_331 = arith.cmpf ole, %mul3A_326, %le3A_330 : vector<16xf32>
    %le3A_332 = arith.constant 5.120000e+02 : f32
    %le3A_333 = vector.broadcast %le3A_332 : f32 to vector<16xf32>
    %le3A_334 = arith.cmpf ole, %mul3A_324, %le3A_333 : vector<16xf32>
    %and3A_335 = arith.andi %le3A_331, %le3A_334 : vector<16xi1>
    %get3A_336 = arith.constant 0 : i32
    %get3A_337 = arith.constant 4 : i32
    %get3A_338 = arith.index_cast %get3A_336 : i32 to index
    %get3A_339 = arith.index_cast %get3A_337 : i32 to index
    %get3A_340 = arith.constant 48 : index
    %get3A_341 = tpu.vector_load %arg7[%get3A_338, %get3A_339, %get3A_340] {strides = array<i32>} : memref<4x5x128xf32, #tpu.memory_space<vmem>>, vector<1x1x16xf32>,
    %get3A_342 = vector.shape_cast %get3A_341 : vector<1x1x16xf32> to vector<16xf32>
    %gt3A_343 = arith.constant 5.000000e-01 : f32
    %gt3A_344 = vector.broadcast %gt3A_343 : f32 to vector<16xf32>
    %gt3A_345 = arith.cmpf ogt, %get3A_342, %gt3A_344 : vector<16xf32>
    %and3A_346 = arith.andi %and3A_335, %gt3A_345 : vector<16xi1>
    %jit3A_347 = arith.constant 1 : i32
    %jit3A_348 = arith.constant 0 : i32
    %broadcast_in_dim3A_349 = vector.broadcast %jit3A_347 : i32 to vector<16xi32>
    %broadcast_in_dim3A_350 = vector.broadcast %jit3A_348 : i32 to vector<16xi32>
    %select_n3A_351 = arith.select %and3A_346, %broadcast_in_dim3A_349, %broadcast_in_dim3A_350 : vector<16xi1>, vector<16xi32>
    %swap3A_352 = arith.constant 0 : i32
    %swap3A_353 = arith.index_cast %swap3A_352 : i32 to index
    %swap3A_354 = arith.constant 48 : index
    %swap3A_355 = tpu.vector_load %arg8[%swap3A_353, %swap3A_354] {strides = array<i32>} : memref<4x144xi32, #tpu.memory_space<vmem>>, vector<1x16xi32>,
    %swap3A_356 = vector.shape_cast %swap3A_355 : vector<1x16xi32> to vector<16xi32>
    %swap3A_357 = vector.shape_cast %select_n3A_351 : vector<16xi32> to vector<1x16xi32>
    tpu.vector_store %arg8[%swap3A_353, %swap3A_354], %swap3A_357 {strides = array<i32>} : memref<4x144xi32, #tpu.memory_space<vmem>>, vector<1x16xi32>,
    %get3A_358 = arith.constant 0 : i32
    %get3A_359 = arith.constant 0 : i32
    %get3A_360 = arith.index_cast %get3A_358 : i32 to index
    %get3A_361 = arith.index_cast %get3A_359 : i32 to index
    %get3A_362 = arith.constant 64 : index
    %get3A_363 = tpu.vector_load %arg7[%get3A_360, %get3A_361, %get3A_362] {strides = array<i32>} : memref<4x5x128xf32, #tpu.memory_space<vmem>>, vector<1x1x16xf32>,
    %get3A_364 = vector.shape_cast %get3A_363 : vector<1x1x16xf32> to vector<16xf32>
    %get3A_365 = arith.constant 0 : i32
    %get3A_366 = arith.constant 1 : i32
    %get3A_367 = arith.index_cast %get3A_365 : i32 to index
    %get3A_368 = arith.index_cast %get3A_366 : i32 to index
    %get3A_369 = arith.constant 64 : index
    %get3A_370 = tpu.vector_load %arg7[%get3A_367, %get3A_368, %get3A_369] {strides = array<i32>} : memref<4x5x128xf32, #tpu.memory_space<vmem>>, vector<1x1x16xf32>,
    %get3A_371 = vector.shape_cast %get3A_370 : vector<1x1x16xf32> to vector<16xf32>
    %get3A_372 = arith.constant 0 : i32
    %get3A_373 = arith.constant 2 : i32
    %get3A_374 = arith.index_cast %get3A_372 : i32 to index
    %get3A_375 = arith.index_cast %get3A_373 : i32 to index
    %get3A_376 = arith.constant 64 : index
    %get3A_377 = tpu.vector_load %arg7[%get3A_374, %get3A_375, %get3A_376] {strides = array<i32>} : memref<4x5x128xf32, #tpu.memory_space<vmem>>, vector<1x1x16xf32>,
    %get3A_378 = vector.shape_cast %get3A_377 : vector<1x1x16xf32> to vector<16xf32>
    %get3A_379 = arith.constant 0 : i32
    %get3A_380 = arith.constant 3 : i32
    %get3A_381 = arith.index_cast %get3A_379 : i32 to index
    %get3A_382 = arith.index_cast %get3A_380 : i32 to index
    %get3A_383 = arith.constant 64 : index
    %get3A_384 = tpu.vector_load %arg7[%get3A_381, %get3A_382, %get3A_383] {strides = array<i32>} : memref<4x5x128xf32, #tpu.memory_space<vmem>>, vector<1x1x16xf32>,
    %get3A_385 = vector.shape_cast %get3A_384 : vector<1x1x16xf32> to vector<16xf32>
    %sub3A_386 = arith.subf %get3A_378, %get3A_364 : vector<16xf32>
    %mul3A_387 = arith.mulf %sub3A_386, %add3A_106 : vector<16xf32>
    %sub3A_388 = arith.subf %get3A_385, %get3A_371 : vector<16xf32>
    %mul3A_389 = arith.mulf %sub3A_388, %add3A_106 : vector<16xf32>
    %max3A_390 = arith.maximumf %max3A_327, %mul3A_387 : vector<16xf32>
    %max3A_391 = arith.maximumf %max3A_328, %mul3A_389 : vector<16xf32>
    %le3A_392 = arith.constant 5.120000e+02 : f32
    %le3A_393 = vector.broadcast %le3A_392 : f32 to vector<16xf32>
    %le3A_394 = arith.cmpf ole, %mul3A_389, %le3A_393 : vector<16xf32>
    %le3A_395 = arith.constant 5.120000e+02 : f32
    %le3A_396 = vector.broadcast %le3A_395 : f32 to vector<16xf32>
    %le3A_397 = arith.cmpf ole, %mul3A_387, %le3A_396 : vector<16xf32>
    %and3A_398 = arith.andi %le3A_394, %le3A_397 : vector<16xi1>
    %get3A_399 = arith.constant 0 : i32
    %get3A_400 = arith.constant 4 : i32
    %get3A_401 = arith.index_cast %get3A_399 : i32 to index
    %get3A_402 = arith.index_cast %get3A_400 : i32 to index
    %get3A_403 = arith.constant 64 : index
    %get3A_404 = tpu.vector_load %arg7[%get3A_401, %get3A_402, %get3A_403] {strides = array<i32>} : memref<4x5x128xf32, #tpu.memory_space<vmem>>, vector<1x1x16xf32>,
    %get3A_405 = vector.shape_cast %get3A_404 : vector<1x1x16xf32> to vector<16xf32>
    %gt3A_406 = arith.constant 5.000000e-01 : f32
    %gt3A_407 = vector.broadcast %gt3A_406 : f32 to vector<16xf32>
    %gt3A_408 = arith.cmpf ogt, %get3A_405, %gt3A_407 : vector<16xf32>
    %and3A_409 = arith.andi %and3A_398, %gt3A_408 : vector<16xi1>
    %jit3A_410 = arith.constant 1 : i32
    %jit3A_411 = arith.constant 0 : i32
    %broadcast_in_dim3A_412 = vector.broadcast %jit3A_410 : i32 to vector<16xi32>
    %broadcast_in_dim3A_413 = vector.broadcast %jit3A_411 : i32 to vector<16xi32>
    %select_n3A_414 = arith.select %and3A_409, %broadcast_in_dim3A_412, %broadcast_in_dim3A_413 : vector<16xi1>, vector<16xi32>
    %swap3A_415 = arith.constant 0 : i32
    %swap3A_416 = arith.index_cast %swap3A_415 : i32 to index
    %swap3A_417 = arith.constant 64 : index
    %swap3A_418 = tpu.vector_load %arg8[%swap3A_416, %swap3A_417] {strides = array<i32>} : memref<4x144xi32, #tpu.memory_space<vmem>>, vector<1x16xi32>,
    %swap3A_419 = vector.shape_cast %swap3A_418 : vector<1x16xi32> to vector<16xi32>
    %swap3A_420 = vector.shape_cast %select_n3A_414 : vector<16xi32> to vector<1x16xi32>
    tpu.vector_store %arg8[%swap3A_416, %swap3A_417], %swap3A_420 {strides = array<i32>} : memref<4x144xi32, #tpu.memory_space<vmem>>, vector<1x16xi32>,
    %get3A_421 = arith.constant 0 : i32
    %get3A_422 = arith.constant 0 : i32
    %get3A_423 = arith.index_cast %get3A_421 : i32 to index
    %get3A_424 = arith.index_cast %get3A_422 : i32 to index
    %get3A_425 = arith.constant 80 : index
    %get3A_426 = tpu.vector_load %arg7[%get3A_423, %get3A_424, %get3A_425] {strides = array<i32>} : memref<4x5x128xf32, #tpu.memory_space<vmem>>, vector<1x1x16xf32>,
    %get3A_427 = vector.shape_cast %get3A_426 : vector<1x1x16xf32> to vector<16xf32>
    %get3A_428 = arith.constant 0 : i32
    %get3A_429 = arith.constant 1 : i32
    %get3A_430 = arith.index_cast %get3A_428 : i32 to index
    %get3A_431 = arith.index_cast %get3A_429 : i32 to index
    %get3A_432 = arith.constant 80 : index
    %get3A_433 = tpu.vector_load %arg7[%get3A_430, %get3A_431, %get3A_432] {strides = array<i32>} : memref<4x5x128xf32, #tpu.memory_space<vmem>>, vector<1x1x16xf32>,
    %get3A_434 = vector.shape_cast %get3A_433 : vector<1x1x16xf32> to vector<16xf32>
    %get3A_435 = arith.constant 0 : i32
    %get3A_436 = arith.constant 2 : i32
    %get3A_437 = arith.index_cast %get3A_435 : i32 to index
    %get3A_438 = arith.index_cast %get3A_436 : i32 to index
    %get3A_439 = arith.constant 80 : index
    %get3A_440 = tpu.vector_load %arg7[%get3A_437, %get3A_438, %get3A_439] {strides = array<i32>} : memref<4x5x128xf32, #tpu.memory_space<vmem>>, vector<1x1x16xf32>,
    %get3A_441 = vector.shape_cast %get3A_440 : vector<1x1x16xf32> to vector<16xf32>
    %get3A_442 = arith.constant 0 : i32
    %get3A_443 = arith.constant 3 : i32
    %get3A_444 = arith.index_cast %get3A_442 : i32 to index
    %get3A_445 = arith.index_cast %get3A_443 : i32 to index
    %get3A_446 = arith.constant 80 : index
    %get3A_447 = tpu.vector_load %arg7[%get3A_444, %get3A_445, %get3A_446] {strides = array<i32>} : memref<4x5x128xf32, #tpu.memory_space<vmem>>, vector<1x1x16xf32>,
    %get3A_448 = vector.shape_cast %get3A_447 : vector<1x1x16xf32> to vector<16xf32>
    %sub3A_449 = arith.subf %get3A_441, %get3A_427 : vector<16xf32>
    %mul3A_450 = arith.mulf %sub3A_449, %add3A_106 : vector<16xf32>
    %sub3A_451 = arith.subf %get3A_448, %get3A_434 : vector<16xf32>
    %mul3A_452 = arith.mulf %sub3A_451, %add3A_106 : vector<16xf32>
    %max3A_453 = arith.maximumf %max3A_390, %mul3A_450 : vector<16xf32>
    %max3A_454 = arith.maximumf %max3A_391, %mul3A_452 : vector<16xf32>
    %le3A_455 = arith.constant 5.120000e+02 : f32
    %le3A_456 = vector.broadcast %le3A_455 : f32 to vector<16xf32>
    %le3A_457 = arith.cmpf ole, %mul3A_452, %le3A_456 : vector<16xf32>
    %le3A_458 = arith.constant 5.120000e+02 : f32
    %le3A_459 = vector.broadcast %le3A_458 : f32 to vector<16xf32>
    %le3A_460 = arith.cmpf ole, %mul3A_450, %le3A_459 : vector<16xf32>
    %and3A_461 = arith.andi %le3A_457, %le3A_460 : vector<16xi1>
    %get3A_462 = arith.constant 0 : i32
    %get3A_463 = arith.constant 4 : i32
    %get3A_464 = arith.index_cast %get3A_462 : i32 to index
    %get3A_465 = arith.index_cast %get3A_463 : i32 to index
    %get3A_466 = arith.constant 80 : index
    %get3A_467 = tpu.vector_load %arg7[%get3A_464, %get3A_465, %get3A_466] {strides = array<i32>} : memref<4x5x128xf32, #tpu.memory_space<vmem>>, vector<1x1x16xf32>,
    %get3A_468 = vector.shape_cast %get3A_467 : vector<1x1x16xf32> to vector<16xf32>
    %gt3A_469 = arith.constant 5.000000e-01 : f32
    %gt3A_470 = vector.broadcast %gt3A_469 : f32 to vector<16xf32>
    %gt3A_471 = arith.cmpf ogt, %get3A_468, %gt3A_470 : vector<16xf32>
    %and3A_472 = arith.andi %and3A_461, %gt3A_471 : vector<16xi1>
    %jit3A_473 = arith.constant 1 : i32
    %jit3A_474 = arith.constant 0 : i32
    %broadcast_in_dim3A_475 = vector.broadcast %jit3A_473 : i32 to vector<16xi32>
    %broadcast_in_dim3A_476 = vector.broadcast %jit3A_474 : i32 to vector<16xi32>
    %select_n3A_477 = arith.select %and3A_472, %broadcast_in_dim3A_475, %broadcast_in_dim3A_476 : vector<16xi1>, vector<16xi32>
    %swap3A_478 = arith.constant 0 : i32
    %swap3A_479 = arith.index_cast %swap3A_478 : i32 to index
    %swap3A_480 = arith.constant 80 : index
    %swap3A_481 = tpu.vector_load %arg8[%swap3A_479, %swap3A_480] {strides = array<i32>} : memref<4x144xi32, #tpu.memory_space<vmem>>, vector<1x16xi32>,
    %swap3A_482 = vector.shape_cast %swap3A_481 : vector<1x16xi32> to vector<16xi32>
    %swap3A_483 = vector.shape_cast %select_n3A_477 : vector<16xi32> to vector<1x16xi32>
    tpu.vector_store %arg8[%swap3A_479, %swap3A_480], %swap3A_483 {strides = array<i32>} : memref<4x144xi32, #tpu.memory_space<vmem>>, vector<1x16xi32>,
    %get3A_484 = arith.constant 0 : i32
    %get3A_485 = arith.constant 0 : i32
    %get3A_486 = arith.index_cast %get3A_484 : i32 to index
    %get3A_487 = arith.index_cast %get3A_485 : i32 to index
    %get3A_488 = arith.constant 96 : index
    %get3A_489 = tpu.vector_load %arg7[%get3A_486, %get3A_487, %get3A_488] {strides = array<i32>} : memref<4x5x128xf32, #tpu.memory_space<vmem>>, vector<1x1x16xf32>,
    %get3A_490 = vector.shape_cast %get3A_489 : vector<1x1x16xf32> to vector<16xf32>
    %get3A_491 = arith.constant 0 : i32
    %get3A_492 = arith.constant 1 : i32
    %get3A_493 = arith.index_cast %get3A_491 : i32 to index
    %get3A_494 = arith.index_cast %get3A_492 : i32 to index
    %get3A_495 = arith.constant 96 : index
    %get3A_496 = tpu.vector_load %arg7[%get3A_493, %get3A_494, %get3A_495] {strides = array<i32>} : memref<4x5x128xf32, #tpu.memory_space<vmem>>, vector<1x1x16xf32>,
    %get3A_497 = vector.shape_cast %get3A_496 : vector<1x1x16xf32> to vector<16xf32>
    %get3A_498 = arith.constant 0 : i32
    %get3A_499 = arith.constant 2 : i32
    %get3A_500 = arith.index_cast %get3A_498 : i32 to index
    %get3A_501 = arith.index_cast %get3A_499 : i32 to index
    %get3A_502 = arith.constant 96 : index
    %get3A_503 = tpu.vector_load %arg7[%get3A_500, %get3A_501, %get3A_502] {strides = array<i32>} : memref<4x5x128xf32, #tpu.memory_space<vmem>>, vector<1x1x16xf32>,
    %get3A_504 = vector.shape_cast %get3A_503 : vector<1x1x16xf32> to vector<16xf32>
    %get3A_505 = arith.constant 0 : i32
    %get3A_506 = arith.constant 3 : i32
    %get3A_507 = arith.index_cast %get3A_505 : i32 to index
    %get3A_508 = arith.index_cast %get3A_506 : i32 to index
    %get3A_509 = arith.constant 96 : index
    %get3A_510 = tpu.vector_load %arg7[%get3A_507, %get3A_508, %get3A_509] {strides = array<i32>} : memref<4x5x128xf32, #tpu.memory_space<vmem>>, vector<1x1x16xf32>,
    %get3A_511 = vector.shape_cast %get3A_510 : vector<1x1x16xf32> to vector<16xf32>
    %sub3A_512 = arith.subf %get3A_504, %get3A_490 : vector<16xf32>
    %mul3A_513 = arith.mulf %sub3A_512, %add3A_106 : vector<16xf32>
    %sub3A_514 = arith.subf %get3A_511, %get3A_497 : vector<16xf32>
    %mul3A_515 = arith.mulf %sub3A_514, %add3A_106 : vector<16xf32>
    %max3A_516 = arith.maximumf %max3A_453, %mul3A_513 : vector<16xf32>
    %max3A_517 = arith.maximumf %max3A_454, %mul3A_515 : vector<16xf32>
    %le3A_518 = arith.constant 5.120000e+02 : f32
    %le3A_519 = vector.broadcast %le3A_518 : f32 to vector<16xf32>
    %le3A_520 = arith.cmpf ole, %mul3A_515, %le3A_519 : vector<16xf32>
    %le3A_521 = arith.constant 5.120000e+02 : f32
    %le3A_522 = vector.broadcast %le3A_521 : f32 to vector<16xf32>
    %le3A_523 = arith.cmpf ole, %mul3A_513, %le3A_522 : vector<16xf32>
    %and3A_524 = arith.andi %le3A_520, %le3A_523 : vector<16xi1>
    %get3A_525 = arith.constant 0 : i32
    %get3A_526 = arith.constant 4 : i32
    %get3A_527 = arith.index_cast %get3A_525 : i32 to index
    %get3A_528 = arith.index_cast %get3A_526 : i32 to index
    %get3A_529 = arith.constant 96 : index
    %get3A_530 = tpu.vector_load %arg7[%get3A_527, %get3A_528, %get3A_529] {strides = array<i32>} : memref<4x5x128xf32, #tpu.memory_space<vmem>>, vector<1x1x16xf32>,
    %get3A_531 = vector.shape_cast %get3A_530 : vector<1x1x16xf32> to vector<16xf32>
    %gt3A_532 = arith.constant 5.000000e-01 : f32
    %gt3A_533 = vector.broadcast %gt3A_532 : f32 to vector<16xf32>
    %gt3A_534 = arith.cmpf ogt, %get3A_531, %gt3A_533 : vector<16xf32>
    %and3A_535 = arith.andi %and3A_524, %gt3A_534 : vector<16xi1>
    %jit3A_536 = arith.constant 1 : i32
    %jit3A_537 = arith.constant 0 : i32
    %broadcast_in_dim3A_538 = vector.broadcast %jit3A_536 : i32 to vector<16xi32>
    %broadcast_in_dim3A_539 = vector.broadcast %jit3A_537 : i32 to vector<16xi32>
    %select_n3A_540 = arith.select %and3A_535, %broadcast_in_dim3A_538, %broadcast_in_dim3A_539 : vector<16xi1>, vector<16xi32>
    %swap3A_541 = arith.constant 0 : i32
    %swap3A_542 = arith.index_cast %swap3A_541 : i32 to index
    %swap3A_543 = arith.constant 96 : index
    %swap3A_544 = tpu.vector_load %arg8[%swap3A_542, %swap3A_543] {strides = array<i32>} : memref<4x144xi32, #tpu.memory_space<vmem>>, vector<1x16xi32>,
    %swap3A_545 = vector.shape_cast %swap3A_544 : vector<1x16xi32> to vector<16xi32>
    %swap3A_546 = vector.shape_cast %select_n3A_540 : vector<16xi32> to vector<1x16xi32>
    tpu.vector_store %arg8[%swap3A_542, %swap3A_543], %swap3A_546 {strides = array<i32>} : memref<4x144xi32, #tpu.memory_space<vmem>>, vector<1x16xi32>,
    %get3A_547 = arith.constant 0 : i32
    %get3A_548 = arith.constant 0 : i32
    %get3A_549 = arith.index_cast %get3A_547 : i32 to index
    %get3A_550 = arith.index_cast %get3A_548 : i32 to index
    %get3A_551 = arith.constant 112 : index
    %get3A_552 = tpu.vector_load %arg7[%get3A_549, %get3A_550, %get3A_551] {strides = array<i32>} : memref<4x5x128xf32, #tpu.memory_space<vmem>>, vector<1x1x16xf32>,
    %get3A_553 = vector.shape_cast %get3A_552 : vector<1x1x16xf32> to vector<16xf32>
    %get3A_554 = arith.constant 0 : i32
    %get3A_555 = arith.constant 1 : i32
    %get3A_556 = arith.index_cast %get3A_554 : i32 to index
    %get3A_557 = arith.index_cast %get3A_555 : i32 to index
    %get3A_558 = arith.constant 112 : index
    %get3A_559 = tpu.vector_load %arg7[%get3A_556, %get3A_557, %get3A_558] {strides = array<i32>} : memref<4x5x128xf32, #tpu.memory_space<vmem>>, vector<1x1x16xf32>,
    %get3A_560 = vector.shape_cast %get3A_559 : vector<1x1x16xf32> to vector<16xf32>
    %get3A_561 = arith.constant 0 : i32
    %get3A_562 = arith.constant 2 : i32
    %get3A_563 = arith.index_cast %get3A_561 : i32 to index
    %get3A_564 = arith.index_cast %get3A_562 : i32 to index
    %get3A_565 = arith.constant 112 : index
    %get3A_566 = tpu.vector_load %arg7[%get3A_563, %get3A_564, %get3A_565] {strides = array<i32>} : memref<4x5x128xf32, #tpu.memory_space<vmem>>, vector<1x1x16xf32>,
    %get3A_567 = vector.shape_cast %get3A_566 : vector<1x1x16xf32> to vector<16xf32>
    %get3A_568 = arith.constant 0 : i32
    %get3A_569 = arith.constant 3 : i32
    %get3A_570 = arith.index_cast %get3A_568 : i32 to index
    %get3A_571 = arith.index_cast %get3A_569 : i32 to index
    %get3A_572 = arith.constant 112 : index
    %get3A_573 = tpu.vector_load %arg7[%get3A_570, %get3A_571, %get3A_572] {strides = array<i32>} : memref<4x5x128xf32, #tpu.memory_space<vmem>>, vector<1x1x16xf32>,
    %get3A_574 = vector.shape_cast %get3A_573 : vector<1x1x16xf32> to vector<16xf32>
    %sub3A_575 = arith.subf %get3A_567, %get3A_553 : vector<16xf32>
    %mul3A_576 = arith.mulf %sub3A_575, %add3A_106 : vector<16xf32>
    %sub3A_577 = arith.subf %get3A_574, %get3A_560 : vector<16xf32>
    %mul3A_578 = arith.mulf %sub3A_577, %add3A_106 : vector<16xf32>
    %max3A_579 = arith.maximumf %max3A_516, %mul3A_576 : vector<16xf32>
    %max3A_580 = arith.maximumf %max3A_517, %mul3A_578 : vector<16xf32>
    %le3A_581 = arith.constant 5.120000e+02 : f32
    %le3A_582 = vector.broadcast %le3A_581 : f32 to vector<16xf32>
    %le3A_583 = arith.cmpf ole, %mul3A_578, %le3A_582 : vector<16xf32>
    %le3A_584 = arith.constant 5.120000e+02 : f32
    %le3A_585 = vector.broadcast %le3A_584 : f32 to vector<16xf32>
    %le3A_586 = arith.cmpf ole, %mul3A_576, %le3A_585 : vector<16xf32>
    %and3A_587 = arith.andi %le3A_583, %le3A_586 : vector<16xi1>
    %get3A_588 = arith.constant 0 : i32
    %get3A_589 = arith.constant 4 : i32
    %get3A_590 = arith.index_cast %get3A_588 : i32 to index
    %get3A_591 = arith.index_cast %get3A_589 : i32 to index
    %get3A_592 = arith.constant 112 : index
    %get3A_593 = tpu.vector_load %arg7[%get3A_590, %get3A_591, %get3A_592] {strides = array<i32>} : memref<4x5x128xf32, #tpu.memory_space<vmem>>, vector<1x1x16xf32>,
    %get3A_594 = vector.shape_cast %get3A_593 : vector<1x1x16xf32> to vector<16xf32>
    %gt3A_595 = arith.constant 5.000000e-01 : f32
    %gt3A_596 = vector.broadcast %gt3A_595 : f32 to vector<16xf32>
    %gt3A_597 = arith.cmpf ogt, %get3A_594, %gt3A_596 : vector<16xf32>
    %and3A_598 = arith.andi %and3A_587, %gt3A_597 : vector<16xi1>
    %jit3A_599 = arith.constant 1 : i32
    %jit3A_600 = arith.constant 0 : i32
    %broadcast_in_dim3A_601 = vector.broadcast %jit3A_599 : i32 to vector<16xi32>
    %broadcast_in_dim3A_602 = vector.broadcast %jit3A_600 : i32 to vector<16xi32>
    %select_n3A_603 = arith.select %and3A_598, %broadcast_in_dim3A_601, %broadcast_in_dim3A_602 : vector<16xi1>, vector<16xi32>
    %swap3A_604 = arith.constant 0 : i32
    %swap3A_605 = arith.index_cast %swap3A_604 : i32 to index
    %swap3A_606 = arith.constant 112 : index
    %swap3A_607 = tpu.vector_load %arg8[%swap3A_605, %swap3A_606] {strides = array<i32>} : memref<4x144xi32, #tpu.memory_space<vmem>>, vector<1x16xi32>,
    %swap3A_608 = vector.shape_cast %swap3A_607 : vector<1x16xi32> to vector<16xi32>
    %swap3A_609 = vector.shape_cast %select_n3A_603 : vector<16xi32> to vector<1x16xi32>
    tpu.vector_store %arg8[%swap3A_605, %swap3A_606], %swap3A_609 {strides = array<i32>} : memref<4x144xi32, #tpu.memory_space<vmem>>, vector<1x16xi32>,
    %xor3A = arith.constant 1 : i32
    %xor3A_610 = vector.broadcast %xor3A : i32 to vector<16xi32>
    %xor3A_611 = arith.xori %iota3A, %xor3A_610 : vector<16xi32>
    %broadcast_in_dim3A_612 = vector.shape_cast %xor3A_611 : vector<16xi32> to vector<16x1xi32>
    %gather3A = vector.shape_cast %broadcast_in_dim3A_612 : vector<16x1xi32> to vector<16xi32>
    %gather3A_613 = tpu.dynamic_gather %max3A_580[%gather3A] in [0] : vector<16xf32>, vector<16xi32> -> vector<16xf32>
    %max3A_614 = arith.maximumf %max3A_580, %gather3A_613 : vector<16xf32>
    %xor3A_615 = arith.constant 2 : i32
    %xor3A_616 = vector.broadcast %xor3A_615 : i32 to vector<16xi32>
    %xor3A_617 = arith.xori %iota3A, %xor3A_616 : vector<16xi32>
    %broadcast_in_dim3A_618 = vector.shape_cast %xor3A_617 : vector<16xi32> to vector<16x1xi32>
    %gather3A_619 = vector.shape_cast %broadcast_in_dim3A_618 : vector<16x1xi32> to vector<16xi32>
    %gather3A_620 = tpu.dynamic_gather %max3A_614[%gather3A_619] in [0] : vector<16xf32>, vector<16xi32> -> vector<16xf32>
    %max3A_621 = arith.maximumf %max3A_614, %gather3A_620 : vector<16xf32>
    %xor3A_622 = arith.constant 4 : i32
    %xor3A_623 = vector.broadcast %xor3A_622 : i32 to vector<16xi32>
    %xor3A_624 = arith.xori %iota3A, %xor3A_623 : vector<16xi32>
    %broadcast_in_dim3A_625 = vector.shape_cast %xor3A_624 : vector<16xi32> to vector<16x1xi32>
    %gather3A_626 = vector.shape_cast %broadcast_in_dim3A_625 : vector<16x1xi32> to vector<16xi32>
    %gather3A_627 = tpu.dynamic_gather %max3A_621[%gather3A_626] in [0] : vector<16xf32>, vector<16xi32> -> vector<16xf32>
    %max3A_628 = arith.maximumf %max3A_621, %gather3A_627 : vector<16xf32>
    %xor3A_629 = arith.constant 8 : i32
    %xor3A_630 = vector.broadcast %xor3A_629 : i32 to vector<16xi32>
    %xor3A_631 = arith.xori %iota3A, %xor3A_630 : vector<16xi32>
    %broadcast_in_dim3A_632 = vector.shape_cast %xor3A_631 : vector<16xi32> to vector<16x1xi32>
    %gather3A_633 = vector.shape_cast %broadcast_in_dim3A_632 : vector<16x1xi32> to vector<16xi32>
    %gather3A_634 = tpu.dynamic_gather %max3A_628[%gather3A_633] in [0] : vector<16xf32>, vector<16xi32> -> vector<16xf32>
    %max3A_635 = arith.maximumf %max3A_628, %gather3A_634 : vector<16xf32>
    %xor3A_636 = arith.constant 1 : i32
    %xor3A_637 = vector.broadcast %xor3A_636 : i32 to vector<16xi32>
    %xor3A_638 = arith.xori %iota3A, %xor3A_637 : vector<16xi32>
    %broadcast_in_dim3A_639 = vector.shape_cast %xor3A_638 : vector<16xi32> to vector<16x1xi32>
    %gather3A_640 = vector.shape_cast %broadcast_in_dim3A_639 : vector<16x1xi32> to vector<16xi32>
    %gather3A_641 = tpu.dynamic_gather %max3A_579[%gather3A_640] in [0] : vector<16xf32>, vector<16xi32> -> vector<16xf32>
    %max3A_642 = arith.maximumf %max3A_579, %gather3A_641 : vector<16xf32>
    %xor3A_643 = arith.constant 2 : i32
    %xor3A_644 = vector.broadcast %xor3A_643 : i32 to vector<16xi32>
    %xor3A_645 = arith.xori %iota3A, %xor3A_644 : vector<16xi32>
    %broadcast_in_dim3A_646 = vector.shape_cast %xor3A_645 : vector<16xi32> to vector<16x1xi32>
    %gather3A_647 = vector.shape_cast %broadcast_in_dim3A_646 : vector<16x1xi32> to vector<16xi32>
    %gather3A_648 = tpu.dynamic_gather %max3A_642[%gather3A_647] in [0] : vector<16xf32>, vector<16xi32> -> vector<16xf32>
    %max3A_649 = arith.maximumf %max3A_642, %gather3A_648 : vector<16xf32>
    %xor3A_650 = arith.constant 4 : i32
    %xor3A_651 = vector.broadcast %xor3A_650 : i32 to vector<16xi32>
    %xor3A_652 = arith.xori %iota3A, %xor3A_651 : vector<16xi32>
    %broadcast_in_dim3A_653 = vector.shape_cast %xor3A_652 : vector<16xi32> to vector<16x1xi32>
    %gather3A_654 = vector.shape_cast %broadcast_in_dim3A_653 : vector<16x1xi32> to vector<16xi32>
    %gather3A_655 = tpu.dynamic_gather %max3A_649[%gather3A_654] in [0] : vector<16xf32>, vector<16xi32> -> vector<16xf32>
    %max3A_656 = arith.maximumf %max3A_649, %gather3A_655 : vector<16xf32>
    %xor3A_657 = arith.constant 8 : i32
    %xor3A_658 = vector.broadcast %xor3A_657 : i32 to vector<16xi32>
    %xor3A_659 = arith.xori %iota3A, %xor3A_658 : vector<16xi32>
    %broadcast_in_dim3A_660 = vector.shape_cast %xor3A_659 : vector<16xi32> to vector<16x1xi32>
    %gather3A_661 = vector.shape_cast %broadcast_in_dim3A_660 : vector<16x1xi32> to vector<16xi32>
    %gather3A_662 = tpu.dynamic_gather %max3A_656[%gather3A_661] in [0] : vector<16xf32>, vector<16xi32> -> vector<16xf32>
    %max3A_663 = arith.maximumf %max3A_656, %gather3A_662 : vector<16xf32>
    %slice3A_664 = vector.extract_strided_slice %get3A_97 {offsets = [2], sizes = [1], strides = [1]} : vector<16xf32> to vector<1xf32>
    %squeeze3A_665 = vector.extract %slice3A_664[0] : f32 from vector<1xf32>
    %broadcast_in_dim3A_666 = vector.broadcast %squeeze3A_665 : f32 to vector<16xf32>
    %sub3A_667 = arith.constant 5.120000e+02 : f32
    %sub3A_668 = vector.broadcast %sub3A_667 : f32 to vector<16xf32>
    %sub3A_669 = arith.subf %sub3A_668, %max3A_635 : vector<16xf32>
    %max3A_670 = arith.constant 0.000000e+00 : f32
    %max3A_671 = vector.broadcast %max3A_670 : f32 to vector<16xf32>
    %max3A_672 = arith.maximumf %sub3A_669, %max3A_671 : vector<16xf32>
    %mul3A_673 = arith.mulf %broadcast_in_dim3A_666, %max3A_672 : vector<16xf32>
    %slice3A_674 = vector.extract_strided_slice %get3A_97 {offsets = [3], sizes = [1], strides = [1]} : vector<16xf32> to vector<1xf32>
    %squeeze3A_675 = vector.extract %slice3A_674[0] : f32 from vector<1xf32>
    %broadcast_in_dim3A_676 = vector.broadcast %squeeze3A_675 : f32 to vector<16xf32>
    %sub3A_677 = arith.constant 5.120000e+02 : f32
    %sub3A_678 = vector.broadcast %sub3A_677 : f32 to vector<16xf32>
    %sub3A_679 = arith.subf %sub3A_678, %max3A_663 : vector<16xf32>
    %max3A_680 = arith.constant 0.000000e+00 : f32
    %max3A_681 = vector.broadcast %max3A_680 : f32 to vector<16xf32>
    %max3A_682 = arith.maximumf %sub3A_679, %max3A_681 : vector<16xf32>
    %mul3A_683 = arith.mulf %broadcast_in_dim3A_676, %max3A_682 : vector<16xf32>
    %slice3A_684 = vector.extract_strided_slice %get3A_97 {offsets = [4], sizes = [1], strides = [1]} : vector<16xf32> to vector<1xf32>
    %squeeze3A_685 = vector.extract %slice3A_684[0] : f32 from vector<1xf32>
    %broadcast_in_dim3A_686 = vector.broadcast %squeeze3A_685 : f32 to vector<16xf32>
    %lt3A = arith.constant 5.000000e-01 : f32
    %lt3A_687 = vector.broadcast %lt3A : f32 to vector<16xf32>
    %lt3A_688 = arith.cmpf olt, %broadcast_in_dim3A_686, %lt3A_687 : vector<16xf32>
    %jit3A_689 = arith.constant 1.000000e+00 : f32
    %jit3A_690 = arith.constant 0.000000e+00 : f32
    %broadcast_in_dim3A_691 = vector.broadcast %jit3A_689 : f32 to vector<16xf32>
    %broadcast_in_dim3A_692 = vector.broadcast %jit3A_690 : f32 to vector<16xf32>
    %select_n3A_693 = arith.select %lt3A_688, %broadcast_in_dim3A_691, %broadcast_in_dim3A_692 : vector<16xi1>, vector<16xf32>
    %broadcast_in_dim3A_694 = arith.constant 0.000000e+00 : f32
    %broadcast_in_dim3A_695 = vector.broadcast %broadcast_in_dim3A_694 : f32 to vector<16xf32>
    %eq3A_696 = arith.constant 0 : i32
    %eq3A_697 = vector.broadcast %eq3A_696 : i32 to vector<16xi32>
    %eq3A_698 = arith.cmpi eq, %iota3A, %eq3A_697 : vector<16xi32>
    %eq3A_699 = arith.constant 1 : i32
    %eq3A_700 = vector.broadcast %eq3A_699 : i32 to vector<16xi32>
    %eq3A_701 = arith.cmpi eq, %iota3A, %eq3A_700 : vector<16xi32>
    %eq3A_702 = arith.constant 2 : i32
    %eq3A_703 = vector.broadcast %eq3A_702 : i32 to vector<16xi32>
    %eq3A_704 = arith.cmpi eq, %iota3A, %eq3A_703 : vector<16xi32>
    %eq3A_705 = arith.constant 3 : i32
    %eq3A_706 = vector.broadcast %eq3A_705 : i32 to vector<16xi32>
    %eq3A_707 = arith.cmpi eq, %iota3A, %eq3A_706 : vector<16xi32>
    %eq3A_708 = arith.constant 4 : i32
    %eq3A_709 = vector.broadcast %eq3A_708 : i32 to vector<16xi32>
    %eq3A_710 = arith.cmpi eq, %iota3A, %eq3A_709 : vector<16xi32>
    %select_n3A_711 = arith.select %eq3A_710, %select_n3A_693, %broadcast_in_dim3A_695 : vector<16xi1>, vector<16xf32>
    %select_n3A_712 = arith.select %eq3A_707, %add3A_10, %select_n3A_711 : vector<16xi1>, vector<16xf32>
    %select_n3A_713 = arith.select %eq3A_704, %add3A_106, %select_n3A_712 : vector<16xi1>, vector<16xf32>
    %select_n3A_714 = arith.select %eq3A_701, %mul3A_683, %select_n3A_713 : vector<16xi1>, vector<16xf32>
    %select_n3A_715 = arith.select %eq3A_698, %mul3A_673, %select_n3A_714 : vector<16xi1>, vector<16xf32>
    %bitcast_convert_type3A = tpu.bitcast %select_n3A_715 : vector<16xf32> -> vector<16xi32>
    %swap3A_716 = arith.constant 0 : i32
    %swap3A_717 = arith.index_cast %swap3A_716 : i32 to index
    %swap3A_718 = arith.constant 128 : index
    %swap3A_719 = tpu.vector_load %arg8[%swap3A_717, %swap3A_718] {strides = array<i32>} : memref<4x144xi32, #tpu.memory_space<vmem>>, vector<1x16xi32>,
    %swap3A_720 = vector.shape_cast %swap3A_719 : vector<1x16xi32> to vector<16xi32>
    %swap3A_721 = vector.shape_cast %bitcast_convert_type3A : vector<16xi32> to vector<1x16xi32>
    tpu.vector_store %arg8[%swap3A_717, %swap3A_718], %swap3A_721 {strides = array<i32>} : memref<4x144xi32, #tpu.memory_space<vmem>>, vector<1x16xi32>,
    %get3A_722 = arith.constant 1 : i32
    %get3A_723 = arith.index_cast %get3A_722 : i32 to index
    %get3A_724 = arith.constant 0 : index
    %get3A_725 = tpu.vector_load %arg5[%get3A_723, %get3A_724] {strides = array<i32>} : memref<4x16xf32, #tpu.memory_space<vmem>>, vector<1x16xf32>,
    %get3A_726 = vector.shape_cast %get3A_725 : vector<1x16xf32> to vector<16xf32>
    %slice3A_727 = vector.extract_strided_slice %get3A_726 {offsets = [1], sizes = [1], strides = [1]} : vector<16xf32> to vector<1xf32>
    %squeeze3A_728 = vector.extract %slice3A_727[0] : f32 from vector<1xf32>
    %broadcast_in_dim3A_729 = vector.broadcast %squeeze3A_728 : f32 to vector<16xf32>
    %mul3A_730 = arith.constant 1.500000e+00 : f32
    %mul3A_731 = vector.broadcast %mul3A_730 : f32 to vector<16xf32>
    %mul3A_732 = arith.mulf %broadcast_in_dim3A_729, %mul3A_731 : vector<16xf32>
    %add3A_733 = arith.constant 5.000000e-01 : f32
    %add3A_734 = vector.broadcast %add3A_733 : f32 to vector<16xf32>
    %add3A_735 = arith.addf %mul3A_732, %add3A_734 : vector<16xf32>
    %broadcast_in_dim3A_736 = arith.constant 0.000000e+00 : f32
    %broadcast_in_dim3A_737 = vector.broadcast %broadcast_in_dim3A_736 : f32 to vector<16xf32>
    %broadcast_in_dim3A_738 = arith.constant 0.000000e+00 : f32
    %broadcast_in_dim3A_739 = vector.broadcast %broadcast_in_dim3A_738 : f32 to vector<16xf32>
    %get3A_740 = arith.constant 1 : i32
    %get3A_741 = arith.constant 0 : i32
    %get3A_742 = arith.index_cast %get3A_740 : i32 to index
    %get3A_743 = arith.index_cast %get3A_741 : i32 to index
    %get3A_744 = arith.constant 0 : index
    %get3A_745 = tpu.vector_load %arg7[%get3A_742, %get3A_743, %get3A_744] {strides = array<i32>} : memref<4x5x128xf32, #tpu.memory_space<vmem>>, vector<1x1x16xf32>,
    %get3A_746 = vector.shape_cast %get3A_745 : vector<1x1x16xf32> to vector<16xf32>
    %get3A_747 = arith.constant 1 : i32
    %get3A_748 = arith.constant 1 : i32
    %get3A_749 = arith.index_cast %get3A_747 : i32 to index
    %get3A_750 = arith.index_cast %get3A_748 : i32 to index
    %get3A_751 = arith.constant 0 : index
    %get3A_752 = tpu.vector_load %arg7[%get3A_749, %get3A_750, %get3A_751] {strides = array<i32>} : memref<4x5x128xf32, #tpu.memory_space<vmem>>, vector<1x1x16xf32>,
    %get3A_753 = vector.shape_cast %get3A_752 : vector<1x1x16xf32> to vector<16xf32>
    %get3A_754 = arith.constant 1 : i32
    %get3A_755 = arith.constant 2 : i32
    %get3A_756 = arith.index_cast %get3A_754 : i32 to index
    %get3A_757 = arith.index_cast %get3A_755 : i32 to index
    %get3A_758 = arith.constant 0 : index
    %get3A_759 = tpu.vector_load %arg7[%get3A_756, %get3A_757, %get3A_758] {strides = array<i32>} : memref<4x5x128xf32, #tpu.memory_space<vmem>>, vector<1x1x16xf32>,
    %get3A_760 = vector.shape_cast %get3A_759 : vector<1x1x16xf32> to vector<16xf32>
    %get3A_761 = arith.constant 1 : i32
    %get3A_762 = arith.constant 3 : i32
    %get3A_763 = arith.index_cast %get3A_761 : i32 to index
    %get3A_764 = arith.index_cast %get3A_762 : i32 to index
    %get3A_765 = arith.constant 0 : index
    %get3A_766 = tpu.vector_load %arg7[%get3A_763, %get3A_764, %get3A_765] {strides = array<i32>} : memref<4x5x128xf32, #tpu.memory_space<vmem>>, vector<1x1x16xf32>,
    %get3A_767 = vector.shape_cast %get3A_766 : vector<1x1x16xf32> to vector<16xf32>
    %sub3A_768 = arith.subf %get3A_760, %get3A_746 : vector<16xf32>
    %mul3A_769 = arith.mulf %sub3A_768, %add3A_735 : vector<16xf32>
    %sub3A_770 = arith.subf %get3A_767, %get3A_753 : vector<16xf32>
    %mul3A_771 = arith.mulf %sub3A_770, %add3A_735 : vector<16xf32>
    %max3A_772 = arith.maximumf %broadcast_in_dim3A_737, %mul3A_769 : vector<16xf32>
    %max3A_773 = arith.maximumf %broadcast_in_dim3A_739, %mul3A_771 : vector<16xf32>
    %le3A_774 = arith.constant 5.120000e+02 : f32
    %le3A_775 = vector.broadcast %le3A_774 : f32 to vector<16xf32>
    %le3A_776 = arith.cmpf ole, %mul3A_771, %le3A_775 : vector<16xf32>
    %le3A_777 = arith.constant 5.120000e+02 : f32
    %le3A_778 = vector.broadcast %le3A_777 : f32 to vector<16xf32>
    %le3A_779 = arith.cmpf ole, %mul3A_769, %le3A_778 : vector<16xf32>
    %and3A_780 = arith.andi %le3A_776, %le3A_779 : vector<16xi1>
    %get3A_781 = arith.constant 1 : i32
    %get3A_782 = arith.constant 4 : i32
    %get3A_783 = arith.index_cast %get3A_781 : i32 to index
    %get3A_784 = arith.index_cast %get3A_782 : i32 to index
    %get3A_785 = arith.constant 0 : index
    %get3A_786 = tpu.vector_load %arg7[%get3A_783, %get3A_784, %get3A_785] {strides = array<i32>} : memref<4x5x128xf32, #tpu.memory_space<vmem>>, vector<1x1x16xf32>,
    %get3A_787 = vector.shape_cast %get3A_786 : vector<1x1x16xf32> to vector<16xf32>
    %gt3A_788 = arith.constant 5.000000e-01 : f32
    %gt3A_789 = vector.broadcast %gt3A_788 : f32 to vector<16xf32>
    %gt3A_790 = arith.cmpf ogt, %get3A_787, %gt3A_789 : vector<16xf32>
    %and3A_791 = arith.andi %and3A_780, %gt3A_790 : vector<16xi1>
    %jit3A_792 = arith.constant 1 : i32
    %jit3A_793 = arith.constant 0 : i32
    %broadcast_in_dim3A_794 = vector.broadcast %jit3A_792 : i32 to vector<16xi32>
    %broadcast_in_dim3A_795 = vector.broadcast %jit3A_793 : i32 to vector<16xi32>
    %select_n3A_796 = arith.select %and3A_791, %broadcast_in_dim3A_794, %broadcast_in_dim3A_795 : vector<16xi1>, vector<16xi32>
    %swap3A_797 = arith.constant 1 : i32
    %swap3A_798 = arith.index_cast %swap3A_797 : i32 to index
    %swap3A_799 = arith.constant 0 : index
    %swap3A_800 = tpu.vector_load %arg8[%swap3A_798, %swap3A_799] {strides = array<i32>} : memref<4x144xi32, #tpu.memory_space<vmem>>, vector<1x16xi32>,
    %swap3A_801 = vector.shape_cast %swap3A_800 : vector<1x16xi32> to vector<16xi32>
    %swap3A_802 = vector.shape_cast %select_n3A_796 : vector<16xi32> to vector<1x16xi32>
    tpu.vector_store %arg8[%swap3A_798, %swap3A_799], %swap3A_802 {strides = array<i32>} : memref<4x144xi32, #tpu.memory_space<vmem>>, vector<1x16xi32>,
    %get3A_803 = arith.constant 1 : i32
    %get3A_804 = arith.constant 0 : i32
    %get3A_805 = arith.index_cast %get3A_803 : i32 to index
    %get3A_806 = arith.index_cast %get3A_804 : i32 to index
    %get3A_807 = arith.constant 16 : index
    %get3A_808 = tpu.vector_load %arg7[%get3A_805, %get3A_806, %get3A_807] {strides = array<i32>} : memref<4x5x128xf32, #tpu.memory_space<vmem>>, vector<1x1x16xf32>,
    %get3A_809 = vector.shape_cast %get3A_808 : vector<1x1x16xf32> to vector<16xf32>
    %get3A_810 = arith.constant 1 : i32
    %get3A_811 = arith.constant 1 : i32
    %get3A_812 = arith.index_cast %get3A_810 : i32 to index
    %get3A_813 = arith.index_cast %get3A_811 : i32 to index
    %get3A_814 = arith.constant 16 : index
    %get3A_815 = tpu.vector_load %arg7[%get3A_812, %get3A_813, %get3A_814] {strides = array<i32>} : memref<4x5x128xf32, #tpu.memory_space<vmem>>, vector<1x1x16xf32>,
    %get3A_816 = vector.shape_cast %get3A_815 : vector<1x1x16xf32> to vector<16xf32>
    %get3A_817 = arith.constant 1 : i32
    %get3A_818 = arith.constant 2 : i32
    %get3A_819 = arith.index_cast %get3A_817 : i32 to index
    %get3A_820 = arith.index_cast %get3A_818 : i32 to index
    %get3A_821 = arith.constant 16 : index
    %get3A_822 = tpu.vector_load %arg7[%get3A_819, %get3A_820, %get3A_821] {strides = array<i32>} : memref<4x5x128xf32, #tpu.memory_space<vmem>>, vector<1x1x16xf32>,
    %get3A_823 = vector.shape_cast %get3A_822 : vector<1x1x16xf32> to vector<16xf32>
    %get3A_824 = arith.constant 1 : i32
    %get3A_825 = arith.constant 3 : i32
    %get3A_826 = arith.index_cast %get3A_824 : i32 to index
    %get3A_827 = arith.index_cast %get3A_825 : i32 to index
    %get3A_828 = arith.constant 16 : index
    %get3A_829 = tpu.vector_load %arg7[%get3A_826, %get3A_827, %get3A_828] {strides = array<i32>} : memref<4x5x128xf32, #tpu.memory_space<vmem>>, vector<1x1x16xf32>,
    %get3A_830 = vector.shape_cast %get3A_829 : vector<1x1x16xf32> to vector<16xf32>
    %sub3A_831 = arith.subf %get3A_823, %get3A_809 : vector<16xf32>
    %mul3A_832 = arith.mulf %sub3A_831, %add3A_735 : vector<16xf32>
    %sub3A_833 = arith.subf %get3A_830, %get3A_816 : vector<16xf32>
    %mul3A_834 = arith.mulf %sub3A_833, %add3A_735 : vector<16xf32>
    %max3A_835 = arith.maximumf %max3A_772, %mul3A_832 : vector<16xf32>
    %max3A_836 = arith.maximumf %max3A_773, %mul3A_834 : vector<16xf32>
    %le3A_837 = arith.constant 5.120000e+02 : f32
    %le3A_838 = vector.broadcast %le3A_837 : f32 to vector<16xf32>
    %le3A_839 = arith.cmpf ole, %mul3A_834, %le3A_838 : vector<16xf32>
    %le3A_840 = arith.constant 5.120000e+02 : f32
    %le3A_841 = vector.broadcast %le3A_840 : f32 to vector<16xf32>
    %le3A_842 = arith.cmpf ole, %mul3A_832, %le3A_841 : vector<16xf32>
    %and3A_843 = arith.andi %le3A_839, %le3A_842 : vector<16xi1>
    %get3A_844 = arith.constant 1 : i32
    %get3A_845 = arith.constant 4 : i32
    %get3A_846 = arith.index_cast %get3A_844 : i32 to index
    %get3A_847 = arith.index_cast %get3A_845 : i32 to index
    %get3A_848 = arith.constant 16 : index
    %get3A_849 = tpu.vector_load %arg7[%get3A_846, %get3A_847, %get3A_848] {strides = array<i32>} : memref<4x5x128xf32, #tpu.memory_space<vmem>>, vector<1x1x16xf32>,
    %get3A_850 = vector.shape_cast %get3A_849 : vector<1x1x16xf32> to vector<16xf32>
    %gt3A_851 = arith.constant 5.000000e-01 : f32
    %gt3A_852 = vector.broadcast %gt3A_851 : f32 to vector<16xf32>
    %gt3A_853 = arith.cmpf ogt, %get3A_850, %gt3A_852 : vector<16xf32>
    %and3A_854 = arith.andi %and3A_843, %gt3A_853 : vector<16xi1>
    %jit3A_855 = arith.constant 1 : i32
    %jit3A_856 = arith.constant 0 : i32
    %broadcast_in_dim3A_857 = vector.broadcast %jit3A_855 : i32 to vector<16xi32>
    %broadcast_in_dim3A_858 = vector.broadcast %jit3A_856 : i32 to vector<16xi32>
    %select_n3A_859 = arith.select %and3A_854, %broadcast_in_dim3A_857, %broadcast_in_dim3A_858 : vector<16xi1>, vector<16xi32>
    %swap3A_860 = arith.constant 1 : i32
    %swap3A_861 = arith.index_cast %swap3A_860 : i32 to index
    %swap3A_862 = arith.constant 16 : index
    %swap3A_863 = tpu.vector_load %arg8[%swap3A_861, %swap3A_862] {strides = array<i32>} : memref<4x144xi32, #tpu.memory_space<vmem>>, vector<1x16xi32>,
    %swap3A_864 = vector.shape_cast %swap3A_863 : vector<1x16xi32> to vector<16xi32>
    %swap3A_865 = vector.shape_cast %select_n3A_859 : vector<16xi32> to vector<1x16xi32>
    tpu.vector_store %arg8[%swap3A_861, %swap3A_862], %swap3A_865 {strides = array<i32>} : memref<4x144xi32, #tpu.memory_space<vmem>>, vector<1x16xi32>,
    %get3A_866 = arith.constant 1 : i32
    %get3A_867 = arith.constant 0 : i32
    %get3A_868 = arith.index_cast %get3A_866 : i32 to index
    %get3A_869 = arith.index_cast %get3A_867 : i32 to index
    %get3A_870 = arith.constant 32 : index
    %get3A_871 = tpu.vector_load %arg7[%get3A_868, %get3A_869, %get3A_870] {strides = array<i32>} : memref<4x5x128xf32, #tpu.memory_space<vmem>>, vector<1x1x16xf32>,
    %get3A_872 = vector.shape_cast %get3A_871 : vector<1x1x16xf32> to vector<16xf32>
    %get3A_873 = arith.constant 1 : i32
    %get3A_874 = arith.constant 1 : i32
    %get3A_875 = arith.index_cast %get3A_873 : i32 to index
    %get3A_876 = arith.index_cast %get3A_874 : i32 to index
    %get3A_877 = arith.constant 32 : index
    %get3A_878 = tpu.vector_load %arg7[%get3A_875, %get3A_876, %get3A_877] {strides = array<i32>} : memref<4x5x128xf32, #tpu.memory_space<vmem>>, vector<1x1x16xf32>,
    %get3A_879 = vector.shape_cast %get3A_878 : vector<1x1x16xf32> to vector<16xf32>
    %get3A_880 = arith.constant 1 : i32
    %get3A_881 = arith.constant 2 : i32
    %get3A_882 = arith.index_cast %get3A_880 : i32 to index
    %get3A_883 = arith.index_cast %get3A_881 : i32 to index
    %get3A_884 = arith.constant 32 : index
    %get3A_885 = tpu.vector_load %arg7[%get3A_882, %get3A_883, %get3A_884] {strides = array<i32>} : memref<4x5x128xf32, #tpu.memory_space<vmem>>, vector<1x1x16xf32>,
    %get3A_886 = vector.shape_cast %get3A_885 : vector<1x1x16xf32> to vector<16xf32>
    %get3A_887 = arith.constant 1 : i32
    %get3A_888 = arith.constant 3 : i32
    %get3A_889 = arith.index_cast %get3A_887 : i32 to index
    %get3A_890 = arith.index_cast %get3A_888 : i32 to index
    %get3A_891 = arith.constant 32 : index
    %get3A_892 = tpu.vector_load %arg7[%get3A_889, %get3A_890, %get3A_891] {strides = array<i32>} : memref<4x5x128xf32, #tpu.memory_space<vmem>>, vector<1x1x16xf32>,
    %get3A_893 = vector.shape_cast %get3A_892 : vector<1x1x16xf32> to vector<16xf32>
    %sub3A_894 = arith.subf %get3A_886, %get3A_872 : vector<16xf32>
    %mul3A_895 = arith.mulf %sub3A_894, %add3A_735 : vector<16xf32>
    %sub3A_896 = arith.subf %get3A_893, %get3A_879 : vector<16xf32>
    %mul3A_897 = arith.mulf %sub3A_896, %add3A_735 : vector<16xf32>
    %max3A_898 = arith.maximumf %max3A_835, %mul3A_895 : vector<16xf32>
    %max3A_899 = arith.maximumf %max3A_836, %mul3A_897 : vector<16xf32>
    %le3A_900 = arith.constant 5.120000e+02 : f32
    %le3A_901 = vector.broadcast %le3A_900 : f32 to vector<16xf32>
    %le3A_902 = arith.cmpf ole, %mul3A_897, %le3A_901 : vector<16xf32>
    %le3A_903 = arith.constant 5.120000e+02 : f32
    %le3A_904 = vector.broadcast %le3A_903 : f32 to vector<16xf32>
    %le3A_905 = arith.cmpf ole, %mul3A_895, %le3A_904 : vector<16xf32>
    %and3A_906 = arith.andi %le3A_902, %le3A_905 : vector<16xi1>
    %get3A_907 = arith.constant 1 : i32
    %get3A_908 = arith.constant 4 : i32
    %get3A_909 = arith.index_cast %get3A_907 : i32 to index
    %get3A_910 = arith.index_cast %get3A_908 : i32 to index
    %get3A_911 = arith.constant 32 : index
    %get3A_912 = tpu.vector_load %arg7[%get3A_909, %get3A_910, %get3A_911] {strides = array<i32>} : memref<4x5x128xf32, #tpu.memory_space<vmem>>, vector<1x1x16xf32>,
    %get3A_913 = vector.shape_cast %get3A_912 : vector<1x1x16xf32> to vector<16xf32>
    %gt3A_914 = arith.constant 5.000000e-01 : f32
    %gt3A_915 = vector.broadcast %gt3A_914 : f32 to vector<16xf32>
    %gt3A_916 = arith.cmpf ogt, %get3A_913, %gt3A_915 : vector<16xf32>
    %and3A_917 = arith.andi %and3A_906, %gt3A_916 : vector<16xi1>
    %jit3A_918 = arith.constant 1 : i32
    %jit3A_919 = arith.constant 0 : i32
    %broadcast_in_dim3A_920 = vector.broadcast %jit3A_918 : i32 to vector<16xi32>
    %broadcast_in_dim3A_921 = vector.broadcast %jit3A_919 : i32 to vector<16xi32>
    %select_n3A_922 = arith.select %and3A_917, %broadcast_in_dim3A_920, %broadcast_in_dim3A_921 : vector<16xi1>, vector<16xi32>
    %swap3A_923 = arith.constant 1 : i32
    %swap3A_924 = arith.index_cast %swap3A_923 : i32 to index
    %swap3A_925 = arith.constant 32 : index
    %swap3A_926 = tpu.vector_load %arg8[%swap3A_924, %swap3A_925] {strides = array<i32>} : memref<4x144xi32, #tpu.memory_space<vmem>>, vector<1x16xi32>,
    %swap3A_927 = vector.shape_cast %swap3A_926 : vector<1x16xi32> to vector<16xi32>
    %swap3A_928 = vector.shape_cast %select_n3A_922 : vector<16xi32> to vector<1x16xi32>
    tpu.vector_store %arg8[%swap3A_924, %swap3A_925], %swap3A_928 {strides = array<i32>} : memref<4x144xi32, #tpu.memory_space<vmem>>, vector<1x16xi32>,
    %get3A_929 = arith.constant 1 : i32
    %get3A_930 = arith.constant 0 : i32
    %get3A_931 = arith.index_cast %get3A_929 : i32 to index
    %get3A_932 = arith.index_cast %get3A_930 : i32 to index
    %get3A_933 = arith.constant 48 : index
    %get3A_934 = tpu.vector_load %arg7[%get3A_931, %get3A_932, %get3A_933] {strides = array<i32>} : memref<4x5x128xf32, #tpu.memory_space<vmem>>, vector<1x1x16xf32>,
    %get3A_935 = vector.shape_cast %get3A_934 : vector<1x1x16xf32> to vector<16xf32>
    %get3A_936 = arith.constant 1 : i32
    %get3A_937 = arith.constant 1 : i32
    %get3A_938 = arith.index_cast %get3A_936 : i32 to index
    %get3A_939 = arith.index_cast %get3A_937 : i32 to index
    %get3A_940 = arith.constant 48 : index
    %get3A_941 = tpu.vector_load %arg7[%get3A_938, %get3A_939, %get3A_940] {strides = array<i32>} : memref<4x5x128xf32, #tpu.memory_space<vmem>>, vector<1x1x16xf32>,
    %get3A_942 = vector.shape_cast %get3A_941 : vector<1x1x16xf32> to vector<16xf32>
    %get3A_943 = arith.constant 1 : i32
    %get3A_944 = arith.constant 2 : i32
    %get3A_945 = arith.index_cast %get3A_943 : i32 to index
    %get3A_946 = arith.index_cast %get3A_944 : i32 to index
    %get3A_947 = arith.constant 48 : index
    %get3A_948 = tpu.vector_load %arg7[%get3A_945, %get3A_946, %get3A_947] {strides = array<i32>} : memref<4x5x128xf32, #tpu.memory_space<vmem>>, vector<1x1x16xf32>,
    %get3A_949 = vector.shape_cast %get3A_948 : vector<1x1x16xf32> to vector<16xf32>
    %get3A_950 = arith.constant 1 : i32
    %get3A_951 = arith.constant 3 : i32
    %get3A_952 = arith.index_cast %get3A_950 : i32 to index
    %get3A_953 = arith.index_cast %get3A_951 : i32 to index
    %get3A_954 = arith.constant 48 : index
    %get3A_955 = tpu.vector_load %arg7[%get3A_952, %get3A_953, %get3A_954] {strides = array<i32>} : memref<4x5x128xf32, #tpu.memory_space<vmem>>, vector<1x1x16xf32>,
    %get3A_956 = vector.shape_cast %get3A_955 : vector<1x1x16xf32> to vector<16xf32>
    %sub3A_957 = arith.subf %get3A_949, %get3A_935 : vector<16xf32>
    %mul3A_958 = arith.mulf %sub3A_957, %add3A_735 : vector<16xf32>
    %sub3A_959 = arith.subf %get3A_956, %get3A_942 : vector<16xf32>
    %mul3A_960 = arith.mulf %sub3A_959, %add3A_735 : vector<16xf32>
    %max3A_961 = arith.maximumf %max3A_898, %mul3A_958 : vector<16xf32>
    %max3A_962 = arith.maximumf %max3A_899, %mul3A_960 : vector<16xf32>
    %le3A_963 = arith.constant 5.120000e+02 : f32
    %le3A_964 = vector.broadcast %le3A_963 : f32 to vector<16xf32>
    %le3A_965 = arith.cmpf ole, %mul3A_960, %le3A_964 : vector<16xf32>
    %le3A_966 = arith.constant 5.120000e+02 : f32
    %le3A_967 = vector.broadcast %le3A_966 : f32 to vector<16xf32>
    %le3A_968 = arith.cmpf ole, %mul3A_958, %le3A_967 : vector<16xf32>
    %and3A_969 = arith.andi %le3A_965, %le3A_968 : vector<16xi1>
    %get3A_970 = arith.constant 1 : i32
    %get3A_971 = arith.constant 4 : i32
    %get3A_972 = arith.index_cast %get3A_970 : i32 to index
    %get3A_973 = arith.index_cast %get3A_971 : i32 to index
    %get3A_974 = arith.constant 48 : index
    %get3A_975 = tpu.vector_load %arg7[%get3A_972, %get3A_973, %get3A_974] {strides = array<i32>} : memref<4x5x128xf32, #tpu.memory_space<vmem>>, vector<1x1x16xf32>,
    %get3A_976 = vector.shape_cast %get3A_975 : vector<1x1x16xf32> to vector<16xf32>
    %gt3A_977 = arith.constant 5.000000e-01 : f32
    %gt3A_978 = vector.broadcast %gt3A_977 : f32 to vector<16xf32>
    %gt3A_979 = arith.cmpf ogt, %get3A_976, %gt3A_978 : vector<16xf32>
    %and3A_980 = arith.andi %and3A_969, %gt3A_979 : vector<16xi1>
    %jit3A_981 = arith.constant 1 : i32
    %jit3A_982 = arith.constant 0 : i32
    %broadcast_in_dim3A_983 = vector.broadcast %jit3A_981 : i32 to vector<16xi32>
    %broadcast_in_dim3A_984 = vector.broadcast %jit3A_982 : i32 to vector<16xi32>
    %select_n3A_985 = arith.select %and3A_980, %broadcast_in_dim3A_983, %broadcast_in_dim3A_984 : vector<16xi1>, vector<16xi32>
    %swap3A_986 = arith.constant 1 : i32
    %swap3A_987 = arith.index_cast %swap3A_986 : i32 to index
    %swap3A_988 = arith.constant 48 : index
    %swap3A_989 = tpu.vector_load %arg8[%swap3A_987, %swap3A_988] {strides = array<i32>} : memref<4x144xi32, #tpu.memory_space<vmem>>, vector<1x16xi32>,
    %swap3A_990 = vector.shape_cast %swap3A_989 : vector<1x16xi32> to vector<16xi32>
    %swap3A_991 = vector.shape_cast %select_n3A_985 : vector<16xi32> to vector<1x16xi32>
    tpu.vector_store %arg8[%swap3A_987, %swap3A_988], %swap3A_991 {strides = array<i32>} : memref<4x144xi32, #tpu.memory_space<vmem>>, vector<1x16xi32>,
    %get3A_992 = arith.constant 1 : i32
    %get3A_993 = arith.constant 0 : i32
    %get3A_994 = arith.index_cast %get3A_992 : i32 to index
    %get3A_995 = arith.index_cast %get3A_993 : i32 to index
    %get3A_996 = arith.constant 64 : index
    %get3A_997 = tpu.vector_load %arg7[%get3A_994, %get3A_995, %get3A_996] {strides = array<i32>} : memref<4x5x128xf32, #tpu.memory_space<vmem>>, vector<1x1x16xf32>,
    %get3A_998 = vector.shape_cast %get3A_997 : vector<1x1x16xf32> to vector<16xf32>
    %get3A_999 = arith.constant 1 : i32
    %get3A_1000 = arith.constant 1 : i32
    %get3A_1001 = arith.index_cast %get3A_999 : i32 to index
    %get3A_1002 = arith.index_cast %get3A_1000 : i32 to index
    %get3A_1003 = arith.constant 64 : index
    %get3A_1004 = tpu.vector_load %arg7[%get3A_1001, %get3A_1002, %get3A_1003] {strides = array<i32>} : memref<4x5x128xf32, #tpu.memory_space<vmem>>, vector<1x1x16xf32>,
    %get3A_1005 = vector.shape_cast %get3A_1004 : vector<1x1x16xf32> to vector<16xf32>
    %get3A_1006 = arith.constant 1 : i32
    %get3A_1007 = arith.constant 2 : i32
    %get3A_1008 = arith.index_cast %get3A_1006 : i32 to index
    %get3A_1009 = arith.index_cast %get3A_1007 : i32 to index
    %get3A_1010 = arith.constant 64 : index
    %get3A_1011 = tpu.vector_load %arg7[%get3A_1008, %get3A_1009, %get3A_1010] {strides = array<i32>} : memref<4x5x128xf32, #tpu.memory_space<vmem>>, vector<1x1x16xf32>,
    %get3A_1012 = vector.shape_cast %get3A_1011 : vector<1x1x16xf32> to vector<16xf32>
    %get3A_1013 = arith.constant 1 : i32
    %get3A_1014 = arith.constant 3 : i32
    %get3A_1015 = arith.index_cast %get3A_1013 : i32 to index
    %get3A_1016 = arith.index_cast %get3A_1014 : i32 to index
    %get3A_1017 = arith.constant 64 : index
    %get3A_1018 = tpu.vector_load %arg7[%get3A_1015, %get3A_1016, %get3A_1017] {strides = array<i32>} : memref<4x5x128xf32, #tpu.memory_space<vmem>>, vector<1x1x16xf32>,
    %get3A_1019 = vector.shape_cast %get3A_1018 : vector<1x1x16xf32> to vector<16xf32>
    %sub3A_1020 = arith.subf %get3A_1012, %get3A_998 : vector<16xf32>
    %mul3A_1021 = arith.mulf %sub3A_1020, %add3A_735 : vector<16xf32>
    %sub3A_1022 = arith.subf %get3A_1019, %get3A_1005 : vector<16xf32>
    %mul3A_1023 = arith.mulf %sub3A_1022, %add3A_735 : vector<16xf32>
    %max3A_1024 = arith.maximumf %max3A_961, %mul3A_1021 : vector<16xf32>
    %max3A_1025 = arith.maximumf %max3A_962, %mul3A_1023 : vector<16xf32>
    %le3A_1026 = arith.constant 5.120000e+02 : f32
    %le3A_1027 = vector.broadcast %le3A_1026 : f32 to vector<16xf32>
    %le3A_1028 = arith.cmpf ole, %mul3A_1023, %le3A_1027 : vector<16xf32>
    %le3A_1029 = arith.constant 5.120000e+02 : f32
    %le3A_1030 = vector.broadcast %le3A_1029 : f32 to vector<16xf32>
    %le3A_1031 = arith.cmpf ole, %mul3A_1021, %le3A_1030 : vector<16xf32>
    %and3A_1032 = arith.andi %le3A_1028, %le3A_1031 : vector<16xi1>
    %get3A_1033 = arith.constant 1 : i32
    %get3A_1034 = arith.constant 4 : i32
    %get3A_1035 = arith.index_cast %get3A_1033 : i32 to index
    %get3A_1036 = arith.index_cast %get3A_1034 : i32 to index
    %get3A_1037 = arith.constant 64 : index
    %get3A_1038 = tpu.vector_load %arg7[%get3A_1035, %get3A_1036, %get3A_1037] {strides = array<i32>} : memref<4x5x128xf32, #tpu.memory_space<vmem>>, vector<1x1x16xf32>,
    %get3A_1039 = vector.shape_cast %get3A_1038 : vector<1x1x16xf32> to vector<16xf32>
    %gt3A_1040 = arith.constant 5.000000e-01 : f32
    %gt3A_1041 = vector.broadcast %gt3A_1040 : f32 to vector<16xf32>
    %gt3A_1042 = arith.cmpf ogt, %get3A_1039, %gt3A_1041 : vector<16xf32>
    %and3A_1043 = arith.andi %and3A_1032, %gt3A_1042 : vector<16xi1>
    %jit3A_1044 = arith.constant 1 : i32
    %jit3A_1045 = arith.constant 0 : i32
    %broadcast_in_dim3A_1046 = vector.broadcast %jit3A_1044 : i32 to vector<16xi32>
    %broadcast_in_dim3A_1047 = vector.broadcast %jit3A_1045 : i32 to vector<16xi32>
    %select_n3A_1048 = arith.select %and3A_1043, %broadcast_in_dim3A_1046, %broadcast_in_dim3A_1047 : vector<16xi1>, vector<16xi32>
    %swap3A_1049 = arith.constant 1 : i32
    %swap3A_1050 = arith.index_cast %swap3A_1049 : i32 to index
    %swap3A_1051 = arith.constant 64 : index
    %swap3A_1052 = tpu.vector_load %arg8[%swap3A_1050, %swap3A_1051] {strides = array<i32>} : memref<4x144xi32, #tpu.memory_space<vmem>>, vector<1x16xi32>,
    %swap3A_1053 = vector.shape_cast %swap3A_1052 : vector<1x16xi32> to vector<16xi32>
    %swap3A_1054 = vector.shape_cast %select_n3A_1048 : vector<16xi32> to vector<1x16xi32>
    tpu.vector_store %arg8[%swap3A_1050, %swap3A_1051], %swap3A_1054 {strides = array<i32>} : memref<4x144xi32, #tpu.memory_space<vmem>>, vector<1x16xi32>,
    %get3A_1055 = arith.constant 1 : i32
    %get3A_1056 = arith.constant 0 : i32
    %get3A_1057 = arith.index_cast %get3A_1055 : i32 to index
    %get3A_1058 = arith.index_cast %get3A_1056 : i32 to index
    %get3A_1059 = arith.constant 80 : index
    %get3A_1060 = tpu.vector_load %arg7[%get3A_1057, %get3A_1058, %get3A_1059] {strides = array<i32>} : memref<4x5x128xf32, #tpu.memory_space<vmem>>, vector<1x1x16xf32>,
    %get3A_1061 = vector.shape_cast %get3A_1060 : vector<1x1x16xf32> to vector<16xf32>
    %get3A_1062 = arith.constant 1 : i32
    %get3A_1063 = arith.constant 1 : i32
    %get3A_1064 = arith.index_cast %get3A_1062 : i32 to index
    %get3A_1065 = arith.index_cast %get3A_1063 : i32 to index
    %get3A_1066 = arith.constant 80 : index
    %get3A_1067 = tpu.vector_load %arg7[%get3A_1064, %get3A_1065, %get3A_1066] {strides = array<i32>} : memref<4x5x128xf32, #tpu.memory_space<vmem>>, vector<1x1x16xf32>,
    %get3A_1068 = vector.shape_cast %get3A_1067 : vector<1x1x16xf32> to vector<16xf32>
    %get3A_1069 = arith.constant 1 : i32
    %get3A_1070 = arith.constant 2 : i32
    %get3A_1071 = arith.index_cast %get3A_1069 : i32 to index
    %get3A_1072 = arith.index_cast %get3A_1070 : i32 to index
    %get3A_1073 = arith.constant 80 : index
    %get3A_1074 = tpu.vector_load %arg7[%get3A_1071, %get3A_1072, %get3A_1073] {strides = array<i32>} : memref<4x5x128xf32, #tpu.memory_space<vmem>>, vector<1x1x16xf32>,
    %get3A_1075 = vector.shape_cast %get3A_1074 : vector<1x1x16xf32> to vector<16xf32>
    %get3A_1076 = arith.constant 1 : i32
    %get3A_1077 = arith.constant 3 : i32
    %get3A_1078 = arith.index_cast %get3A_1076 : i32 to index
    %get3A_1079 = arith.index_cast %get3A_1077 : i32 to index
    %get3A_1080 = arith.constant 80 : index
    %get3A_1081 = tpu.vector_load %arg7[%get3A_1078, %get3A_1079, %get3A_1080] {strides = array<i32>} : memref<4x5x128xf32, #tpu.memory_space<vmem>>, vector<1x1x16xf32>,
    %get3A_1082 = vector.shape_cast %get3A_1081 : vector<1x1x16xf32> to vector<16xf32>
    %sub3A_1083 = arith.subf %get3A_1075, %get3A_1061 : vector<16xf32>
    %mul3A_1084 = arith.mulf %sub3A_1083, %add3A_735 : vector<16xf32>
    %sub3A_1085 = arith.subf %get3A_1082, %get3A_1068 : vector<16xf32>
    %mul3A_1086 = arith.mulf %sub3A_1085, %add3A_735 : vector<16xf32>
    %max3A_1087 = arith.maximumf %max3A_1024, %mul3A_1084 : vector<16xf32>
    %max3A_1088 = arith.maximumf %max3A_1025, %mul3A_1086 : vector<16xf32>
    %le3A_1089 = arith.constant 5.120000e+02 : f32
    %le3A_1090 = vector.broadcast %le3A_1089 : f32 to vector<16xf32>
    %le3A_1091 = arith.cmpf ole, %mul3A_1086, %le3A_1090 : vector<16xf32>
    %le3A_1092 = arith.constant 5.120000e+02 : f32
    %le3A_1093 = vector.broadcast %le3A_1092 : f32 to vector<16xf32>
    %le3A_1094 = arith.cmpf ole, %mul3A_1084, %le3A_1093 : vector<16xf32>
    %and3A_1095 = arith.andi %le3A_1091, %le3A_1094 : vector<16xi1>
    %get3A_1096 = arith.constant 1 : i32
    %get3A_1097 = arith.constant 4 : i32
    %get3A_1098 = arith.index_cast %get3A_1096 : i32 to index
    %get3A_1099 = arith.index_cast %get3A_1097 : i32 to index
    %get3A_1100 = arith.constant 80 : index
    %get3A_1101 = tpu.vector_load %arg7[%get3A_1098, %get3A_1099, %get3A_1100] {strides = array<i32>} : memref<4x5x128xf32, #tpu.memory_space<vmem>>, vector<1x1x16xf32>,
    %get3A_1102 = vector.shape_cast %get3A_1101 : vector<1x1x16xf32> to vector<16xf32>
    %gt3A_1103 = arith.constant 5.000000e-01 : f32
    %gt3A_1104 = vector.broadcast %gt3A_1103 : f32 to vector<16xf32>
    %gt3A_1105 = arith.cmpf ogt, %get3A_1102, %gt3A_1104 : vector<16xf32>
    %and3A_1106 = arith.andi %and3A_1095, %gt3A_1105 : vector<16xi1>
    %jit3A_1107 = arith.constant 1 : i32
    %jit3A_1108 = arith.constant 0 : i32
    %broadcast_in_dim3A_1109 = vector.broadcast %jit3A_1107 : i32 to vector<16xi32>
    %broadcast_in_dim3A_1110 = vector.broadcast %jit3A_1108 : i32 to vector<16xi32>
    %select_n3A_1111 = arith.select %and3A_1106, %broadcast_in_dim3A_1109, %broadcast_in_dim3A_1110 : vector<16xi1>, vector<16xi32>
    %swap3A_1112 = arith.constant 1 : i32
    %swap3A_1113 = arith.index_cast %swap3A_1112 : i32 to index
    %swap3A_1114 = arith.constant 80 : index
    %swap3A_1115 = tpu.vector_load %arg8[%swap3A_1113, %swap3A_1114] {strides = array<i32>} : memref<4x144xi32, #tpu.memory_space<vmem>>, vector<1x16xi32>,
    %swap3A_1116 = vector.shape_cast %swap3A_1115 : vector<1x16xi32> to vector<16xi32>
    %swap3A_1117 = vector.shape_cast %select_n3A_1111 : vector<16xi32> to vector<1x16xi32>
    tpu.vector_store %arg8[%swap3A_1113, %swap3A_1114], %swap3A_1117 {strides = array<i32>} : memref<4x144xi32, #tpu.memory_space<vmem>>, vector<1x16xi32>,
    %get3A_1118 = arith.constant 1 : i32
    %get3A_1119 = arith.constant 0 : i32
    %get3A_1120 = arith.index_cast %get3A_1118 : i32 to index
    %get3A_1121 = arith.index_cast %get3A_1119 : i32 to index
    %get3A_1122 = arith.constant 96 : index
    %get3A_1123 = tpu.vector_load %arg7[%get3A_1120, %get3A_1121, %get3A_1122] {strides = array<i32>} : memref<4x5x128xf32, #tpu.memory_space<vmem>>, vector<1x1x16xf32>,
    %get3A_1124 = vector.shape_cast %get3A_1123 : vector<1x1x16xf32> to vector<16xf32>
    %get3A_1125 = arith.constant 1 : i32
    %get3A_1126 = arith.constant 1 : i32
    %get3A_1127 = arith.index_cast %get3A_1125 : i32 to index
    %get3A_1128 = arith.index_cast %get3A_1126 : i32 to index
    %get3A_1129 = arith.constant 96 : index
    %get3A_1130 = tpu.vector_load %arg7[%get3A_1127, %get3A_1128, %get3A_1129] {strides = array<i32>} : memref<4x5x128xf32, #tpu.memory_space<vmem>>, vector<1x1x16xf32>,
    %get3A_1131 = vector.shape_cast %get3A_1130 : vector<1x1x16xf32> to vector<16xf32>
    %get3A_1132 = arith.constant 1 : i32
    %get3A_1133 = arith.constant 2 : i32
    %get3A_1134 = arith.index_cast %get3A_1132 : i32 to index
    %get3A_1135 = arith.index_cast %get3A_1133 : i32 to index
    %get3A_1136 = arith.constant 96 : index
    %get3A_1137 = tpu.vector_load %arg7[%get3A_1134, %get3A_1135, %get3A_1136] {strides = array<i32>} : memref<4x5x128xf32, #tpu.memory_space<vmem>>, vector<1x1x16xf32>,
    %get3A_1138 = vector.shape_cast %get3A_1137 : vector<1x1x16xf32> to vector<16xf32>
    %get3A_1139 = arith.constant 1 : i32
    %get3A_1140 = arith.constant 3 : i32
    %get3A_1141 = arith.index_cast %get3A_1139 : i32 to index
    %get3A_1142 = arith.index_cast %get3A_1140 : i32 to index
    %get3A_1143 = arith.constant 96 : index
    %get3A_1144 = tpu.vector_load %arg7[%get3A_1141, %get3A_1142, %get3A_1143] {strides = array<i32>} : memref<4x5x128xf32, #tpu.memory_space<vmem>>, vector<1x1x16xf32>,
    %get3A_1145 = vector.shape_cast %get3A_1144 : vector<1x1x16xf32> to vector<16xf32>
    %sub3A_1146 = arith.subf %get3A_1138, %get3A_1124 : vector<16xf32>
    %mul3A_1147 = arith.mulf %sub3A_1146, %add3A_735 : vector<16xf32>
    %sub3A_1148 = arith.subf %get3A_1145, %get3A_1131 : vector<16xf32>
    %mul3A_1149 = arith.mulf %sub3A_1148, %add3A_735 : vector<16xf32>
    %max3A_1150 = arith.maximumf %max3A_1087, %mul3A_1147 : vector<16xf32>
    %max3A_1151 = arith.maximumf %max3A_1088, %mul3A_1149 : vector<16xf32>
    %le3A_1152 = arith.constant 5.120000e+02 : f32
    %le3A_1153 = vector.broadcast %le3A_1152 : f32 to vector<16xf32>
    %le3A_1154 = arith.cmpf ole, %mul3A_1149, %le3A_1153 : vector<16xf32>
    %le3A_1155 = arith.constant 5.120000e+02 : f32
    %le3A_1156 = vector.broadcast %le3A_1155 : f32 to vector<16xf32>
    %le3A_1157 = arith.cmpf ole, %mul3A_1147, %le3A_1156 : vector<16xf32>
    %and3A_1158 = arith.andi %le3A_1154, %le3A_1157 : vector<16xi1>
    %get3A_1159 = arith.constant 1 : i32
    %get3A_1160 = arith.constant 4 : i32
    %get3A_1161 = arith.index_cast %get3A_1159 : i32 to index
    %get3A_1162 = arith.index_cast %get3A_1160 : i32 to index
    %get3A_1163 = arith.constant 96 : index
    %get3A_1164 = tpu.vector_load %arg7[%get3A_1161, %get3A_1162, %get3A_1163] {strides = array<i32>} : memref<4x5x128xf32, #tpu.memory_space<vmem>>, vector<1x1x16xf32>,
    %get3A_1165 = vector.shape_cast %get3A_1164 : vector<1x1x16xf32> to vector<16xf32>
    %gt3A_1166 = arith.constant 5.000000e-01 : f32
    %gt3A_1167 = vector.broadcast %gt3A_1166 : f32 to vector<16xf32>
    %gt3A_1168 = arith.cmpf ogt, %get3A_1165, %gt3A_1167 : vector<16xf32>
    %and3A_1169 = arith.andi %and3A_1158, %gt3A_1168 : vector<16xi1>
    %jit3A_1170 = arith.constant 1 : i32
    %jit3A_1171 = arith.constant 0 : i32
    %broadcast_in_dim3A_1172 = vector.broadcast %jit3A_1170 : i32 to vector<16xi32>
    %broadcast_in_dim3A_1173 = vector.broadcast %jit3A_1171 : i32 to vector<16xi32>
    %select_n3A_1174 = arith.select %and3A_1169, %broadcast_in_dim3A_1172, %broadcast_in_dim3A_1173 : vector<16xi1>, vector<16xi32>
    %swap3A_1175 = arith.constant 1 : i32
    %swap3A_1176 = arith.index_cast %swap3A_1175 : i32 to index
    %swap3A_1177 = arith.constant 96 : index
    %swap3A_1178 = tpu.vector_load %arg8[%swap3A_1176, %swap3A_1177] {strides = array<i32>} : memref<4x144xi32, #tpu.memory_space<vmem>>, vector<1x16xi32>,
    %swap3A_1179 = vector.shape_cast %swap3A_1178 : vector<1x16xi32> to vector<16xi32>
    %swap3A_1180 = vector.shape_cast %select_n3A_1174 : vector<16xi32> to vector<1x16xi32>
    tpu.vector_store %arg8[%swap3A_1176, %swap3A_1177], %swap3A_1180 {strides = array<i32>} : memref<4x144xi32, #tpu.memory_space<vmem>>, vector<1x16xi32>,
    %get3A_1181 = arith.constant 1 : i32
    %get3A_1182 = arith.constant 0 : i32
    %get3A_1183 = arith.index_cast %get3A_1181 : i32 to index
    %get3A_1184 = arith.index_cast %get3A_1182 : i32 to index
    %get3A_1185 = arith.constant 112 : index
    %get3A_1186 = tpu.vector_load %arg7[%get3A_1183, %get3A_1184, %get3A_1185] {strides = array<i32>} : memref<4x5x128xf32, #tpu.memory_space<vmem>>, vector<1x1x16xf32>,
    %get3A_1187 = vector.shape_cast %get3A_1186 : vector<1x1x16xf32> to vector<16xf32>
    %get3A_1188 = arith.constant 1 : i32
    %get3A_1189 = arith.constant 1 : i32
    %get3A_1190 = arith.index_cast %get3A_1188 : i32 to index
    %get3A_1191 = arith.index_cast %get3A_1189 : i32 to index
    %get3A_1192 = arith.constant 112 : index
    %get3A_1193 = tpu.vector_load %arg7[%get3A_1190, %get3A_1191, %get3A_1192] {strides = array<i32>} : memref<4x5x128xf32, #tpu.memory_space<vmem>>, vector<1x1x16xf32>,
    %get3A_1194 = vector.shape_cast %get3A_1193 : vector<1x1x16xf32> to vector<16xf32>
    %get3A_1195 = arith.constant 1 : i32
    %get3A_1196 = arith.constant 2 : i32
    %get3A_1197 = arith.index_cast %get3A_1195 : i32 to index
    %get3A_1198 = arith.index_cast %get3A_1196 : i32 to index
    %get3A_1199 = arith.constant 112 : index
    %get3A_1200 = tpu.vector_load %arg7[%get3A_1197, %get3A_1198, %get3A_1199] {strides = array<i32>} : memref<4x5x128xf32, #tpu.memory_space<vmem>>, vector<1x1x16xf32>,
    %get3A_1201 = vector.shape_cast %get3A_1200 : vector<1x1x16xf32> to vector<16xf32>
    %get3A_1202 = arith.constant 1 : i32
    %get3A_1203 = arith.constant 3 : i32
    %get3A_1204 = arith.index_cast %get3A_1202 : i32 to index
    %get3A_1205 = arith.index_cast %get3A_1203 : i32 to index
    %get3A_1206 = arith.constant 112 : index
    %get3A_1207 = tpu.vector_load %arg7[%get3A_1204, %get3A_1205, %get3A_1206] {strides = array<i32>} : memref<4x5x128xf32, #tpu.memory_space<vmem>>, vector<1x1x16xf32>,
    %get3A_1208 = vector.shape_cast %get3A_1207 : vector<1x1x16xf32> to vector<16xf32>
    %sub3A_1209 = arith.subf %get3A_1201, %get3A_1187 : vector<16xf32>
    %mul3A_1210 = arith.mulf %sub3A_1209, %add3A_735 : vector<16xf32>
    %sub3A_1211 = arith.subf %get3A_1208, %get3A_1194 : vector<16xf32>
    %mul3A_1212 = arith.mulf %sub3A_1211, %add3A_735 : vector<16xf32>
    %max3A_1213 = arith.maximumf %max3A_1150, %mul3A_1210 : vector<16xf32>
    %max3A_1214 = arith.maximumf %max3A_1151, %mul3A_1212 : vector<16xf32>
    %le3A_1215 = arith.constant 5.120000e+02 : f32
    %le3A_1216 = vector.broadcast %le3A_1215 : f32 to vector<16xf32>
    %le3A_1217 = arith.cmpf ole, %mul3A_1212, %le3A_1216 : vector<16xf32>
    %le3A_1218 = arith.constant 5.120000e+02 : f32
    %le3A_1219 = vector.broadcast %le3A_1218 : f32 to vector<16xf32>
    %le3A_1220 = arith.cmpf ole, %mul3A_1210, %le3A_1219 : vector<16xf32>
    %and3A_1221 = arith.andi %le3A_1217, %le3A_1220 : vector<16xi1>
    %get3A_1222 = arith.constant 1 : i32
    %get3A_1223 = arith.constant 4 : i32
    %get3A_1224 = arith.index_cast %get3A_1222 : i32 to index
    %get3A_1225 = arith.index_cast %get3A_1223 : i32 to index
    %get3A_1226 = arith.constant 112 : index
    %get3A_1227 = tpu.vector_load %arg7[%get3A_1224, %get3A_1225, %get3A_1226] {strides = array<i32>} : memref<4x5x128xf32, #tpu.memory_space<vmem>>, vector<1x1x16xf32>,
    %get3A_1228 = vector.shape_cast %get3A_1227 : vector<1x1x16xf32> to vector<16xf32>
    %gt3A_1229 = arith.constant 5.000000e-01 : f32
    %gt3A_1230 = vector.broadcast %gt3A_1229 : f32 to vector<16xf32>
    %gt3A_1231 = arith.cmpf ogt, %get3A_1228, %gt3A_1230 : vector<16xf32>
    %and3A_1232 = arith.andi %and3A_1221, %gt3A_1231 : vector<16xi1>
    %jit3A_1233 = arith.constant 1 : i32
    %jit3A_1234 = arith.constant 0 : i32
    %broadcast_in_dim3A_1235 = vector.broadcast %jit3A_1233 : i32 to vector<16xi32>
    %broadcast_in_dim3A_1236 = vector.broadcast %jit3A_1234 : i32 to vector<16xi32>
    %select_n3A_1237 = arith.select %and3A_1232, %broadcast_in_dim3A_1235, %broadcast_in_dim3A_1236 : vector<16xi1>, vector<16xi32>
    %swap3A_1238 = arith.constant 1 : i32
    %swap3A_1239 = arith.index_cast %swap3A_1238 : i32 to index
    %swap3A_1240 = arith.constant 112 : index
    %swap3A_1241 = tpu.vector_load %arg8[%swap3A_1239, %swap3A_1240] {strides = array<i32>} : memref<4x144xi32, #tpu.memory_space<vmem>>, vector<1x16xi32>,
    %swap3A_1242 = vector.shape_cast %swap3A_1241 : vector<1x16xi32> to vector<16xi32>
    %swap3A_1243 = vector.shape_cast %select_n3A_1237 : vector<16xi32> to vector<1x16xi32>
    tpu.vector_store %arg8[%swap3A_1239, %swap3A_1240], %swap3A_1243 {strides = array<i32>} : memref<4x144xi32, #tpu.memory_space<vmem>>, vector<1x16xi32>,
    %xor3A_1244 = arith.constant 1 : i32
    %xor3A_1245 = vector.broadcast %xor3A_1244 : i32 to vector<16xi32>
    %xor3A_1246 = arith.xori %iota3A, %xor3A_1245 : vector<16xi32>
    %broadcast_in_dim3A_1247 = vector.shape_cast %xor3A_1246 : vector<16xi32> to vector<16x1xi32>
    %gather3A_1248 = vector.shape_cast %broadcast_in_dim3A_1247 : vector<16x1xi32> to vector<16xi32>
    %gather3A_1249 = tpu.dynamic_gather %max3A_1214[%gather3A_1248] in [0] : vector<16xf32>, vector<16xi32> -> vector<16xf32>
    %max3A_1250 = arith.maximumf %max3A_1214, %gather3A_1249 : vector<16xf32>
    %xor3A_1251 = arith.constant 2 : i32
    %xor3A_1252 = vector.broadcast %xor3A_1251 : i32 to vector<16xi32>
    %xor3A_1253 = arith.xori %iota3A, %xor3A_1252 : vector<16xi32>
    %broadcast_in_dim3A_1254 = vector.shape_cast %xor3A_1253 : vector<16xi32> to vector<16x1xi32>
    %gather3A_1255 = vector.shape_cast %broadcast_in_dim3A_1254 : vector<16x1xi32> to vector<16xi32>
    %gather3A_1256 = tpu.dynamic_gather %max3A_1250[%gather3A_1255] in [0] : vector<16xf32>, vector<16xi32> -> vector<16xf32>
    %max3A_1257 = arith.maximumf %max3A_1250, %gather3A_1256 : vector<16xf32>
    %xor3A_1258 = arith.constant 4 : i32
    %xor3A_1259 = vector.broadcast %xor3A_1258 : i32 to vector<16xi32>
    %xor3A_1260 = arith.xori %iota3A, %xor3A_1259 : vector<16xi32>
    %broadcast_in_dim3A_1261 = vector.shape_cast %xor3A_1260 : vector<16xi32> to vector<16x1xi32>
    %gather3A_1262 = vector.shape_cast %broadcast_in_dim3A_1261 : vector<16x1xi32> to vector<16xi32>
    %gather3A_1263 = tpu.dynamic_gather %max3A_1257[%gather3A_1262] in [0] : vector<16xf32>, vector<16xi32> -> vector<16xf32>
    %max3A_1264 = arith.maximumf %max3A_1257, %gather3A_1263 : vector<16xf32>
    %xor3A_1265 = arith.constant 8 : i32
    %xor3A_1266 = vector.broadcast %xor3A_1265 : i32 to vector<16xi32>
    %xor3A_1267 = arith.xori %iota3A, %xor3A_1266 : vector<16xi32>
    %broadcast_in_dim3A_1268 = vector.shape_cast %xor3A_1267 : vector<16xi32> to vector<16x1xi32>
    %gather3A_1269 = vector.shape_cast %broadcast_in_dim3A_1268 : vector<16x1xi32> to vector<16xi32>
    %gather3A_1270 = tpu.dynamic_gather %max3A_1264[%gather3A_1269] in [0] : vector<16xf32>, vector<16xi32> -> vector<16xf32>
    %max3A_1271 = arith.maximumf %max3A_1264, %gather3A_1270 : vector<16xf32>
    %xor3A_1272 = arith.constant 1 : i32
    %xor3A_1273 = vector.broadcast %xor3A_1272 : i32 to vector<16xi32>
    %xor3A_1274 = arith.xori %iota3A, %xor3A_1273 : vector<16xi32>
    %broadcast_in_dim3A_1275 = vector.shape_cast %xor3A_1274 : vector<16xi32> to vector<16x1xi32>
    %gather3A_1276 = vector.shape_cast %broadcast_in_dim3A_1275 : vector<16x1xi32> to vector<16xi32>
    %gather3A_1277 = tpu.dynamic_gather %max3A_1213[%gather3A_1276] in [0] : vector<16xf32>, vector<16xi32> -> vector<16xf32>
    %max3A_1278 = arith.maximumf %max3A_1213, %gather3A_1277 : vector<16xf32>
    %xor3A_1279 = arith.constant 2 : i32
    %xor3A_1280 = vector.broadcast %xor3A_1279 : i32 to vector<16xi32>
    %xor3A_1281 = arith.xori %iota3A, %xor3A_1280 : vector<16xi32>
    %broadcast_in_dim3A_1282 = vector.shape_cast %xor3A_1281 : vector<16xi32> to vector<16x1xi32>
    %gather3A_1283 = vector.shape_cast %broadcast_in_dim3A_1282 : vector<16x1xi32> to vector<16xi32>
    %gather3A_1284 = tpu.dynamic_gather %max3A_1278[%gather3A_1283] in [0] : vector<16xf32>, vector<16xi32> -> vector<16xf32>
    %max3A_1285 = arith.maximumf %max3A_1278, %gather3A_1284 : vector<16xf32>
    %xor3A_1286 = arith.constant 4 : i32
    %xor3A_1287 = vector.broadcast %xor3A_1286 : i32 to vector<16xi32>
    %xor3A_1288 = arith.xori %iota3A, %xor3A_1287 : vector<16xi32>
    %broadcast_in_dim3A_1289 = vector.shape_cast %xor3A_1288 : vector<16xi32> to vector<16x1xi32>
    %gather3A_1290 = vector.shape_cast %broadcast_in_dim3A_1289 : vector<16x1xi32> to vector<16xi32>
    %gather3A_1291 = tpu.dynamic_gather %max3A_1285[%gather3A_1290] in [0] : vector<16xf32>, vector<16xi32> -> vector<16xf32>
    %max3A_1292 = arith.maximumf %max3A_1285, %gather3A_1291 : vector<16xf32>
    %xor3A_1293 = arith.constant 8 : i32
    %xor3A_1294 = vector.broadcast %xor3A_1293 : i32 to vector<16xi32>
    %xor3A_1295 = arith.xori %iota3A, %xor3A_1294 : vector<16xi32>
    %broadcast_in_dim3A_1296 = vector.shape_cast %xor3A_1295 : vector<16xi32> to vector<16x1xi32>
    %gather3A_1297 = vector.shape_cast %broadcast_in_dim3A_1296 : vector<16x1xi32> to vector<16xi32>
    %gather3A_1298 = tpu.dynamic_gather %max3A_1292[%gather3A_1297] in [0] : vector<16xf32>, vector<16xi32> -> vector<16xf32>
    %max3A_1299 = arith.maximumf %max3A_1292, %gather3A_1298 : vector<16xf32>
    %slice3A_1300 = vector.extract_strided_slice %get3A_726 {offsets = [2], sizes = [1], strides = [1]} : vector<16xf32> to vector<1xf32>
    %squeeze3A_1301 = vector.extract %slice3A_1300[0] : f32 from vector<1xf32>
    %broadcast_in_dim3A_1302 = vector.broadcast %squeeze3A_1301 : f32 to vector<16xf32>
    %sub3A_1303 = arith.constant 5.120000e+02 : f32
    %sub3A_1304 = vector.broadcast %sub3A_1303 : f32 to vector<16xf32>
    %sub3A_1305 = arith.subf %sub3A_1304, %max3A_1271 : vector<16xf32>
    %max3A_1306 = arith.constant 0.000000e+00 : f32
    %max3A_1307 = vector.broadcast %max3A_1306 : f32 to vector<16xf32>
    %max3A_1308 = arith.maximumf %sub3A_1305, %max3A_1307 : vector<16xf32>
    %mul3A_1309 = arith.mulf %broadcast_in_dim3A_1302, %max3A_1308 : vector<16xf32>
    %slice3A_1310 = vector.extract_strided_slice %get3A_726 {offsets = [3], sizes = [1], strides = [1]} : vector<16xf32> to vector<1xf32>
    %squeeze3A_1311 = vector.extract %slice3A_1310[0] : f32 from vector<1xf32>
    %broadcast_in_dim3A_1312 = vector.broadcast %squeeze3A_1311 : f32 to vector<16xf32>
    %sub3A_1313 = arith.constant 5.120000e+02 : f32
    %sub3A_1314 = vector.broadcast %sub3A_1313 : f32 to vector<16xf32>
    %sub3A_1315 = arith.subf %sub3A_1314, %max3A_1299 : vector<16xf32>
    %max3A_1316 = arith.constant 0.000000e+00 : f32
    %max3A_1317 = vector.broadcast %max3A_1316 : f32 to vector<16xf32>
    %max3A_1318 = arith.maximumf %sub3A_1315, %max3A_1317 : vector<16xf32>
    %mul3A_1319 = arith.mulf %broadcast_in_dim3A_1312, %max3A_1318 : vector<16xf32>
    %slice3A_1320 = vector.extract_strided_slice %get3A_726 {offsets = [4], sizes = [1], strides = [1]} : vector<16xf32> to vector<1xf32>
    %squeeze3A_1321 = vector.extract %slice3A_1320[0] : f32 from vector<1xf32>
    %broadcast_in_dim3A_1322 = vector.broadcast %squeeze3A_1321 : f32 to vector<16xf32>
    %lt3A_1323 = arith.constant 5.000000e-01 : f32
    %lt3A_1324 = vector.broadcast %lt3A_1323 : f32 to vector<16xf32>
    %lt3A_1325 = arith.cmpf olt, %broadcast_in_dim3A_1322, %lt3A_1324 : vector<16xf32>
    %jit3A_1326 = arith.constant 1.000000e+00 : f32
    %jit3A_1327 = arith.constant 0.000000e+00 : f32
    %broadcast_in_dim3A_1328 = vector.broadcast %jit3A_1326 : f32 to vector<16xf32>
    %broadcast_in_dim3A_1329 = vector.broadcast %jit3A_1327 : f32 to vector<16xf32>
    %select_n3A_1330 = arith.select %lt3A_1325, %broadcast_in_dim3A_1328, %broadcast_in_dim3A_1329 : vector<16xi1>, vector<16xf32>
    %broadcast_in_dim3A_1331 = arith.constant 0.000000e+00 : f32
    %broadcast_in_dim3A_1332 = vector.broadcast %broadcast_in_dim3A_1331 : f32 to vector<16xf32>
    %eq3A_1333 = arith.constant 0 : i32
    %eq3A_1334 = vector.broadcast %eq3A_1333 : i32 to vector<16xi32>
    %eq3A_1335 = arith.cmpi eq, %iota3A, %eq3A_1334 : vector<16xi32>
    %eq3A_1336 = arith.constant 1 : i32
    %eq3A_1337 = vector.broadcast %eq3A_1336 : i32 to vector<16xi32>
    %eq3A_1338 = arith.cmpi eq, %iota3A, %eq3A_1337 : vector<16xi32>
    %eq3A_1339 = arith.constant 2 : i32
    %eq3A_1340 = vector.broadcast %eq3A_1339 : i32 to vector<16xi32>
    %eq3A_1341 = arith.cmpi eq, %iota3A, %eq3A_1340 : vector<16xi32>
    %eq3A_1342 = arith.constant 3 : i32
    %eq3A_1343 = vector.broadcast %eq3A_1342 : i32 to vector<16xi32>
    %eq3A_1344 = arith.cmpi eq, %iota3A, %eq3A_1343 : vector<16xi32>
    %eq3A_1345 = arith.constant 4 : i32
    %eq3A_1346 = vector.broadcast %eq3A_1345 : i32 to vector<16xi32>
    %eq3A_1347 = arith.cmpi eq, %iota3A, %eq3A_1346 : vector<16xi32>
    %select_n3A_1348 = arith.select %eq3A_1347, %select_n3A_1330, %broadcast_in_dim3A_1332 : vector<16xi1>, vector<16xf32>
    %select_n3A_1349 = arith.select %eq3A_1344, %add3A_29, %select_n3A_1348 : vector<16xi1>, vector<16xf32>
    %select_n3A_1350 = arith.select %eq3A_1341, %add3A_735, %select_n3A_1349 : vector<16xi1>, vector<16xf32>
    %select_n3A_1351 = arith.select %eq3A_1338, %mul3A_1319, %select_n3A_1350 : vector<16xi1>, vector<16xf32>
    %select_n3A_1352 = arith.select %eq3A_1335, %mul3A_1309, %select_n3A_1351 : vector<16xi1>, vector<16xf32>
    %bitcast_convert_type3A_1353 = tpu.bitcast %select_n3A_1352 : vector<16xf32> -> vector<16xi32>
    %swap3A_1354 = arith.constant 1 : i32
    %swap3A_1355 = arith.index_cast %swap3A_1354 : i32 to index
    %swap3A_1356 = arith.constant 128 : index
    %swap3A_1357 = tpu.vector_load %arg8[%swap3A_1355, %swap3A_1356] {strides = array<i32>} : memref<4x144xi32, #tpu.memory_space<vmem>>, vector<1x16xi32>,
    %swap3A_1358 = vector.shape_cast %swap3A_1357 : vector<1x16xi32> to vector<16xi32>
    %swap3A_1359 = vector.shape_cast %bitcast_convert_type3A_1353 : vector<16xi32> to vector<1x16xi32>
    tpu.vector_store %arg8[%swap3A_1355, %swap3A_1356], %swap3A_1359 {strides = array<i32>} : memref<4x144xi32, #tpu.memory_space<vmem>>, vector<1x16xi32>,
    %get3A_1360 = arith.constant 2 : i32
    %get3A_1361 = arith.index_cast %get3A_1360 : i32 to index
    %get3A_1362 = arith.constant 0 : index
    %get3A_1363 = tpu.vector_load %arg5[%get3A_1361, %get3A_1362] {strides = array<i32>} : memref<4x16xf32, #tpu.memory_space<vmem>>, vector<1x16xf32>,
    %get3A_1364 = vector.shape_cast %get3A_1363 : vector<1x16xf32> to vector<16xf32>
    %slice3A_1365 = vector.extract_strided_slice %get3A_1364 {offsets = [1], sizes = [1], strides = [1]} : vector<16xf32> to vector<1xf32>
    %squeeze3A_1366 = vector.extract %slice3A_1365[0] : f32 from vector<1xf32>
    %broadcast_in_dim3A_1367 = vector.broadcast %squeeze3A_1366 : f32 to vector<16xf32>
    %mul3A_1368 = arith.constant 1.500000e+00 : f32
    %mul3A_1369 = vector.broadcast %mul3A_1368 : f32 to vector<16xf32>
    %mul3A_1370 = arith.mulf %broadcast_in_dim3A_1367, %mul3A_1369 : vector<16xf32>
    %add3A_1371 = arith.constant 5.000000e-01 : f32
    %add3A_1372 = vector.broadcast %add3A_1371 : f32 to vector<16xf32>
    %add3A_1373 = arith.addf %mul3A_1370, %add3A_1372 : vector<16xf32>
    %broadcast_in_dim3A_1374 = arith.constant 0.000000e+00 : f32
    %broadcast_in_dim3A_1375 = vector.broadcast %broadcast_in_dim3A_1374 : f32 to vector<16xf32>
    %broadcast_in_dim3A_1376 = arith.constant 0.000000e+00 : f32
    %broadcast_in_dim3A_1377 = vector.broadcast %broadcast_in_dim3A_1376 : f32 to vector<16xf32>
    %get3A_1378 = arith.constant 2 : i32
    %get3A_1379 = arith.constant 0 : i32
    %get3A_1380 = arith.index_cast %get3A_1378 : i32 to index
    %get3A_1381 = arith.index_cast %get3A_1379 : i32 to index
    %get3A_1382 = arith.constant 0 : index
    %get3A_1383 = tpu.vector_load %arg7[%get3A_1380, %get3A_1381, %get3A_1382] {strides = array<i32>} : memref<4x5x128xf32, #tpu.memory_space<vmem>>, vector<1x1x16xf32>,
    %get3A_1384 = vector.shape_cast %get3A_1383 : vector<1x1x16xf32> to vector<16xf32>
    %get3A_1385 = arith.constant 2 : i32
    %get3A_1386 = arith.constant 1 : i32
    %get3A_1387 = arith.index_cast %get3A_1385 : i32 to index
    %get3A_1388 = arith.index_cast %get3A_1386 : i32 to index
    %get3A_1389 = arith.constant 0 : index
    %get3A_1390 = tpu.vector_load %arg7[%get3A_1387, %get3A_1388, %get3A_1389] {strides = array<i32>} : memref<4x5x128xf32, #tpu.memory_space<vmem>>, vector<1x1x16xf32>,
    %get3A_1391 = vector.shape_cast %get3A_1390 : vector<1x1x16xf32> to vector<16xf32>
    %get3A_1392 = arith.constant 2 : i32
    %get3A_1393 = arith.constant 2 : i32
    %get3A_1394 = arith.index_cast %get3A_1392 : i32 to index
    %get3A_1395 = arith.index_cast %get3A_1393 : i32 to index
    %get3A_1396 = arith.constant 0 : index
    %get3A_1397 = tpu.vector_load %arg7[%get3A_1394, %get3A_1395, %get3A_1396] {strides = array<i32>} : memref<4x5x128xf32, #tpu.memory_space<vmem>>, vector<1x1x16xf32>,
    %get3A_1398 = vector.shape_cast %get3A_1397 : vector<1x1x16xf32> to vector<16xf32>
    %get3A_1399 = arith.constant 2 : i32
    %get3A_1400 = arith.constant 3 : i32
    %get3A_1401 = arith.index_cast %get3A_1399 : i32 to index
    %get3A_1402 = arith.index_cast %get3A_1400 : i32 to index
    %get3A_1403 = arith.constant 0 : index
    %get3A_1404 = tpu.vector_load %arg7[%get3A_1401, %get3A_1402, %get3A_1403] {strides = array<i32>} : memref<4x5x128xf32, #tpu.memory_space<vmem>>, vector<1x1x16xf32>,
    %get3A_1405 = vector.shape_cast %get3A_1404 : vector<1x1x16xf32> to vector<16xf32>
    %sub3A_1406 = arith.subf %get3A_1398, %get3A_1384 : vector<16xf32>
    %mul3A_1407 = arith.mulf %sub3A_1406, %add3A_1373 : vector<16xf32>
    %sub3A_1408 = arith.subf %get3A_1405, %get3A_1391 : vector<16xf32>
    %mul3A_1409 = arith.mulf %sub3A_1408, %add3A_1373 : vector<16xf32>
    %max3A_1410 = arith.maximumf %broadcast_in_dim3A_1375, %mul3A_1407 : vector<16xf32>
    %max3A_1411 = arith.maximumf %broadcast_in_dim3A_1377, %mul3A_1409 : vector<16xf32>
    %le3A_1412 = arith.constant 5.120000e+02 : f32
    %le3A_1413 = vector.broadcast %le3A_1412 : f32 to vector<16xf32>
    %le3A_1414 = arith.cmpf ole, %mul3A_1409, %le3A_1413 : vector<16xf32>
    %le3A_1415 = arith.constant 5.120000e+02 : f32
    %le3A_1416 = vector.broadcast %le3A_1415 : f32 to vector<16xf32>
    %le3A_1417 = arith.cmpf ole, %mul3A_1407, %le3A_1416 : vector<16xf32>
    %and3A_1418 = arith.andi %le3A_1414, %le3A_1417 : vector<16xi1>
    %get3A_1419 = arith.constant 2 : i32
    %get3A_1420 = arith.constant 4 : i32
    %get3A_1421 = arith.index_cast %get3A_1419 : i32 to index
    %get3A_1422 = arith.index_cast %get3A_1420 : i32 to index
    %get3A_1423 = arith.constant 0 : index
    %get3A_1424 = tpu.vector_load %arg7[%get3A_1421, %get3A_1422, %get3A_1423] {strides = array<i32>} : memref<4x5x128xf32, #tpu.memory_space<vmem>>, vector<1x1x16xf32>,
    %get3A_1425 = vector.shape_cast %get3A_1424 : vector<1x1x16xf32> to vector<16xf32>
    %gt3A_1426 = arith.constant 5.000000e-01 : f32
    %gt3A_1427 = vector.broadcast %gt3A_1426 : f32 to vector<16xf32>
    %gt3A_1428 = arith.cmpf ogt, %get3A_1425, %gt3A_1427 : vector<16xf32>
    %and3A_1429 = arith.andi %and3A_1418, %gt3A_1428 : vector<16xi1>
    %jit3A_1430 = arith.constant 1 : i32
    %jit3A_1431 = arith.constant 0 : i32
    %broadcast_in_dim3A_1432 = vector.broadcast %jit3A_1430 : i32 to vector<16xi32>
    %broadcast_in_dim3A_1433 = vector.broadcast %jit3A_1431 : i32 to vector<16xi32>
    %select_n3A_1434 = arith.select %and3A_1429, %broadcast_in_dim3A_1432, %broadcast_in_dim3A_1433 : vector<16xi1>, vector<16xi32>
    %swap3A_1435 = arith.constant 2 : i32
    %swap3A_1436 = arith.index_cast %swap3A_1435 : i32 to index
    %swap3A_1437 = arith.constant 0 : index
    %swap3A_1438 = tpu.vector_load %arg8[%swap3A_1436, %swap3A_1437] {strides = array<i32>} : memref<4x144xi32, #tpu.memory_space<vmem>>, vector<1x16xi32>,
    %swap3A_1439 = vector.shape_cast %swap3A_1438 : vector<1x16xi32> to vector<16xi32>
    %swap3A_1440 = vector.shape_cast %select_n3A_1434 : vector<16xi32> to vector<1x16xi32>
    tpu.vector_store %arg8[%swap3A_1436, %swap3A_1437], %swap3A_1440 {strides = array<i32>} : memref<4x144xi32, #tpu.memory_space<vmem>>, vector<1x16xi32>,
    %get3A_1441 = arith.constant 2 : i32
    %get3A_1442 = arith.constant 0 : i32
    %get3A_1443 = arith.index_cast %get3A_1441 : i32 to index
    %get3A_1444 = arith.index_cast %get3A_1442 : i32 to index
    %get3A_1445 = arith.constant 16 : index
    %get3A_1446 = tpu.vector_load %arg7[%get3A_1443, %get3A_1444, %get3A_1445] {strides = array<i32>} : memref<4x5x128xf32, #tpu.memory_space<vmem>>, vector<1x1x16xf32>,
    %get3A_1447 = vector.shape_cast %get3A_1446 : vector<1x1x16xf32> to vector<16xf32>
    %get3A_1448 = arith.constant 2 : i32
    %get3A_1449 = arith.constant 1 : i32
    %get3A_1450 = arith.index_cast %get3A_1448 : i32 to index
    %get3A_1451 = arith.index_cast %get3A_1449 : i32 to index
    %get3A_1452 = arith.constant 16 : index
    %get3A_1453 = tpu.vector_load %arg7[%get3A_1450, %get3A_1451, %get3A_1452] {strides = array<i32>} : memref<4x5x128xf32, #tpu.memory_space<vmem>>, vector<1x1x16xf32>,
    %get3A_1454 = vector.shape_cast %get3A_1453 : vector<1x1x16xf32> to vector<16xf32>
    %get3A_1455 = arith.constant 2 : i32
    %get3A_1456 = arith.constant 2 : i32
    %get3A_1457 = arith.index_cast %get3A_1455 : i32 to index
    %get3A_1458 = arith.index_cast %get3A_1456 : i32 to index
    %get3A_1459 = arith.constant 16 : index
    %get3A_1460 = tpu.vector_load %arg7[%get3A_1457, %get3A_1458, %get3A_1459] {strides = array<i32>} : memref<4x5x128xf32, #tpu.memory_space<vmem>>, vector<1x1x16xf32>,
    %get3A_1461 = vector.shape_cast %get3A_1460 : vector<1x1x16xf32> to vector<16xf32>
    %get3A_1462 = arith.constant 2 : i32
    %get3A_1463 = arith.constant 3 : i32
    %get3A_1464 = arith.index_cast %get3A_1462 : i32 to index
    %get3A_1465 = arith.index_cast %get3A_1463 : i32 to index
    %get3A_1466 = arith.constant 16 : index
    %get3A_1467 = tpu.vector_load %arg7[%get3A_1464, %get3A_1465, %get3A_1466] {strides = array<i32>} : memref<4x5x128xf32, #tpu.memory_space<vmem>>, vector<1x1x16xf32>,
    %get3A_1468 = vector.shape_cast %get3A_1467 : vector<1x1x16xf32> to vector<16xf32>
    %sub3A_1469 = arith.subf %get3A_1461, %get3A_1447 : vector<16xf32>
    %mul3A_1470 = arith.mulf %sub3A_1469, %add3A_1373 : vector<16xf32>
    %sub3A_1471 = arith.subf %get3A_1468, %get3A_1454 : vector<16xf32>
    %mul3A_1472 = arith.mulf %sub3A_1471, %add3A_1373 : vector<16xf32>
    %max3A_1473 = arith.maximumf %max3A_1410, %mul3A_1470 : vector<16xf32>
    %max3A_1474 = arith.maximumf %max3A_1411, %mul3A_1472 : vector<16xf32>
    %le3A_1475 = arith.constant 5.120000e+02 : f32
    %le3A_1476 = vector.broadcast %le3A_1475 : f32 to vector<16xf32>
    %le3A_1477 = arith.cmpf ole, %mul3A_1472, %le3A_1476 : vector<16xf32>
    %le3A_1478 = arith.constant 5.120000e+02 : f32
    %le3A_1479 = vector.broadcast %le3A_1478 : f32 to vector<16xf32>
    %le3A_1480 = arith.cmpf ole, %mul3A_1470, %le3A_1479 : vector<16xf32>
    %and3A_1481 = arith.andi %le3A_1477, %le3A_1480 : vector<16xi1>
    %get3A_1482 = arith.constant 2 : i32
    %get3A_1483 = arith.constant 4 : i32
    %get3A_1484 = arith.index_cast %get3A_1482 : i32 to index
    %get3A_1485 = arith.index_cast %get3A_1483 : i32 to index
    %get3A_1486 = arith.constant 16 : index
    %get3A_1487 = tpu.vector_load %arg7[%get3A_1484, %get3A_1485, %get3A_1486] {strides = array<i32>} : memref<4x5x128xf32, #tpu.memory_space<vmem>>, vector<1x1x16xf32>,
    %get3A_1488 = vector.shape_cast %get3A_1487 : vector<1x1x16xf32> to vector<16xf32>
    %gt3A_1489 = arith.constant 5.000000e-01 : f32
    %gt3A_1490 = vector.broadcast %gt3A_1489 : f32 to vector<16xf32>
    %gt3A_1491 = arith.cmpf ogt, %get3A_1488, %gt3A_1490 : vector<16xf32>
    %and3A_1492 = arith.andi %and3A_1481, %gt3A_1491 : vector<16xi1>
    %jit3A_1493 = arith.constant 1 : i32
    %jit3A_1494 = arith.constant 0 : i32
    %broadcast_in_dim3A_1495 = vector.broadcast %jit3A_1493 : i32 to vector<16xi32>
    %broadcast_in_dim3A_1496 = vector.broadcast %jit3A_1494 : i32 to vector<16xi32>
    %select_n3A_1497 = arith.select %and3A_1492, %broadcast_in_dim3A_1495, %broadcast_in_dim3A_1496 : vector<16xi1>, vector<16xi32>
    %swap3A_1498 = arith.constant 2 : i32
    %swap3A_1499 = arith.index_cast %swap3A_1498 : i32 to index
    %swap3A_1500 = arith.constant 16 : index
    %swap3A_1501 = tpu.vector_load %arg8[%swap3A_1499, %swap3A_1500] {strides = array<i32>} : memref<4x144xi32, #tpu.memory_space<vmem>>, vector<1x16xi32>,
    %swap3A_1502 = vector.shape_cast %swap3A_1501 : vector<1x16xi32> to vector<16xi32>
    %swap3A_1503 = vector.shape_cast %select_n3A_1497 : vector<16xi32> to vector<1x16xi32>
    tpu.vector_store %arg8[%swap3A_1499, %swap3A_1500], %swap3A_1503 {strides = array<i32>} : memref<4x144xi32, #tpu.memory_space<vmem>>, vector<1x16xi32>,
    %get3A_1504 = arith.constant 2 : i32
    %get3A_1505 = arith.constant 0 : i32
    %get3A_1506 = arith.index_cast %get3A_1504 : i32 to index
    %get3A_1507 = arith.index_cast %get3A_1505 : i32 to index
    %get3A_1508 = arith.constant 32 : index
    %get3A_1509 = tpu.vector_load %arg7[%get3A_1506, %get3A_1507, %get3A_1508] {strides = array<i32>} : memref<4x5x128xf32, #tpu.memory_space<vmem>>, vector<1x1x16xf32>,
    %get3A_1510 = vector.shape_cast %get3A_1509 : vector<1x1x16xf32> to vector<16xf32>
    %get3A_1511 = arith.constant 2 : i32
    %get3A_1512 = arith.constant 1 : i32
    %get3A_1513 = arith.index_cast %get3A_1511 : i32 to index
    %get3A_1514 = arith.index_cast %get3A_1512 : i32 to index
    %get3A_1515 = arith.constant 32 : index
    %get3A_1516 = tpu.vector_load %arg7[%get3A_1513, %get3A_1514, %get3A_1515] {strides = array<i32>} : memref<4x5x128xf32, #tpu.memory_space<vmem>>, vector<1x1x16xf32>,
    %get3A_1517 = vector.shape_cast %get3A_1516 : vector<1x1x16xf32> to vector<16xf32>
    %get3A_1518 = arith.constant 2 : i32
    %get3A_1519 = arith.constant 2 : i32
    %get3A_1520 = arith.index_cast %get3A_1518 : i32 to index
    %get3A_1521 = arith.index_cast %get3A_1519 : i32 to index
    %get3A_1522 = arith.constant 32 : index
    %get3A_1523 = tpu.vector_load %arg7[%get3A_1520, %get3A_1521, %get3A_1522] {strides = array<i32>} : memref<4x5x128xf32, #tpu.memory_space<vmem>>, vector<1x1x16xf32>,
    %get3A_1524 = vector.shape_cast %get3A_1523 : vector<1x1x16xf32> to vector<16xf32>
    %get3A_1525 = arith.constant 2 : i32
    %get3A_1526 = arith.constant 3 : i32
    %get3A_1527 = arith.index_cast %get3A_1525 : i32 to index
    %get3A_1528 = arith.index_cast %get3A_1526 : i32 to index
    %get3A_1529 = arith.constant 32 : index
    %get3A_1530 = tpu.vector_load %arg7[%get3A_1527, %get3A_1528, %get3A_1529] {strides = array<i32>} : memref<4x5x128xf32, #tpu.memory_space<vmem>>, vector<1x1x16xf32>,
    %get3A_1531 = vector.shape_cast %get3A_1530 : vector<1x1x16xf32> to vector<16xf32>
    %sub3A_1532 = arith.subf %get3A_1524, %get3A_1510 : vector<16xf32>
    %mul3A_1533 = arith.mulf %sub3A_1532, %add3A_1373 : vector<16xf32>
    %sub3A_1534 = arith.subf %get3A_1531, %get3A_1517 : vector<16xf32>
    %mul3A_1535 = arith.mulf %sub3A_1534, %add3A_1373 : vector<16xf32>
    %max3A_1536 = arith.maximumf %max3A_1473, %mul3A_1533 : vector<16xf32>
    %max3A_1537 = arith.maximumf %max3A_1474, %mul3A_1535 : vector<16xf32>
    %le3A_1538 = arith.constant 5.120000e+02 : f32
    %le3A_1539 = vector.broadcast %le3A_1538 : f32 to vector<16xf32>
    %le3A_1540 = arith.cmpf ole, %mul3A_1535, %le3A_1539 : vector<16xf32>
    %le3A_1541 = arith.constant 5.120000e+02 : f32
    %le3A_1542 = vector.broadcast %le3A_1541 : f32 to vector<16xf32>
    %le3A_1543 = arith.cmpf ole, %mul3A_1533, %le3A_1542 : vector<16xf32>
    %and3A_1544 = arith.andi %le3A_1540, %le3A_1543 : vector<16xi1>
    %get3A_1545 = arith.constant 2 : i32
    %get3A_1546 = arith.constant 4 : i32
    %get3A_1547 = arith.index_cast %get3A_1545 : i32 to index
    %get3A_1548 = arith.index_cast %get3A_1546 : i32 to index
    %get3A_1549 = arith.constant 32 : index
    %get3A_1550 = tpu.vector_load %arg7[%get3A_1547, %get3A_1548, %get3A_1549] {strides = array<i32>} : memref<4x5x128xf32, #tpu.memory_space<vmem>>, vector<1x1x16xf32>,
    %get3A_1551 = vector.shape_cast %get3A_1550 : vector<1x1x16xf32> to vector<16xf32>
    %gt3A_1552 = arith.constant 5.000000e-01 : f32
    %gt3A_1553 = vector.broadcast %gt3A_1552 : f32 to vector<16xf32>
    %gt3A_1554 = arith.cmpf ogt, %get3A_1551, %gt3A_1553 : vector<16xf32>
    %and3A_1555 = arith.andi %and3A_1544, %gt3A_1554 : vector<16xi1>
    %jit3A_1556 = arith.constant 1 : i32
    %jit3A_1557 = arith.constant 0 : i32
    %broadcast_in_dim3A_1558 = vector.broadcast %jit3A_1556 : i32 to vector<16xi32>
    %broadcast_in_dim3A_1559 = vector.broadcast %jit3A_1557 : i32 to vector<16xi32>
    %select_n3A_1560 = arith.select %and3A_1555, %broadcast_in_dim3A_1558, %broadcast_in_dim3A_1559 : vector<16xi1>, vector<16xi32>
    %swap3A_1561 = arith.constant 2 : i32
    %swap3A_1562 = arith.index_cast %swap3A_1561 : i32 to index
    %swap3A_1563 = arith.constant 32 : index
    %swap3A_1564 = tpu.vector_load %arg8[%swap3A_1562, %swap3A_1563] {strides = array<i32>} : memref<4x144xi32, #tpu.memory_space<vmem>>, vector<1x16xi32>,
    %swap3A_1565 = vector.shape_cast %swap3A_1564 : vector<1x16xi32> to vector<16xi32>
    %swap3A_1566 = vector.shape_cast %select_n3A_1560 : vector<16xi32> to vector<1x16xi32>
    tpu.vector_store %arg8[%swap3A_1562, %swap3A_1563], %swap3A_1566 {strides = array<i32>} : memref<4x144xi32, #tpu.memory_space<vmem>>, vector<1x16xi32>,
    %get3A_1567 = arith.constant 2 : i32
    %get3A_1568 = arith.constant 0 : i32
    %get3A_1569 = arith.index_cast %get3A_1567 : i32 to index
    %get3A_1570 = arith.index_cast %get3A_1568 : i32 to index
    %get3A_1571 = arith.constant 48 : index
    %get3A_1572 = tpu.vector_load %arg7[%get3A_1569, %get3A_1570, %get3A_1571] {strides = array<i32>} : memref<4x5x128xf32, #tpu.memory_space<vmem>>, vector<1x1x16xf32>,
    %get3A_1573 = vector.shape_cast %get3A_1572 : vector<1x1x16xf32> to vector<16xf32>
    %get3A_1574 = arith.constant 2 : i32
    %get3A_1575 = arith.constant 1 : i32
    %get3A_1576 = arith.index_cast %get3A_1574 : i32 to index
    %get3A_1577 = arith.index_cast %get3A_1575 : i32 to index
    %get3A_1578 = arith.constant 48 : index
    %get3A_1579 = tpu.vector_load %arg7[%get3A_1576, %get3A_1577, %get3A_1578] {strides = array<i32>} : memref<4x5x128xf32, #tpu.memory_space<vmem>>, vector<1x1x16xf32>,
    %get3A_1580 = vector.shape_cast %get3A_1579 : vector<1x1x16xf32> to vector<16xf32>
    %get3A_1581 = arith.constant 2 : i32
    %get3A_1582 = arith.constant 2 : i32
    %get3A_1583 = arith.index_cast %get3A_1581 : i32 to index
    %get3A_1584 = arith.index_cast %get3A_1582 : i32 to index
    %get3A_1585 = arith.constant 48 : index
    %get3A_1586 = tpu.vector_load %arg7[%get3A_1583, %get3A_1584, %get3A_1585] {strides = array<i32>} : memref<4x5x128xf32, #tpu.memory_space<vmem>>, vector<1x1x16xf32>,
    %get3A_1587 = vector.shape_cast %get3A_1586 : vector<1x1x16xf32> to vector<16xf32>
    %get3A_1588 = arith.constant 2 : i32
    %get3A_1589 = arith.constant 3 : i32
    %get3A_1590 = arith.index_cast %get3A_1588 : i32 to index
    %get3A_1591 = arith.index_cast %get3A_1589 : i32 to index
    %get3A_1592 = arith.constant 48 : index
    %get3A_1593 = tpu.vector_load %arg7[%get3A_1590, %get3A_1591, %get3A_1592] {strides = array<i32>} : memref<4x5x128xf32, #tpu.memory_space<vmem>>, vector<1x1x16xf32>,
    %get3A_1594 = vector.shape_cast %get3A_1593 : vector<1x1x16xf32> to vector<16xf32>
    %sub3A_1595 = arith.subf %get3A_1587, %get3A_1573 : vector<16xf32>
    %mul3A_1596 = arith.mulf %sub3A_1595, %add3A_1373 : vector<16xf32>
    %sub3A_1597 = arith.subf %get3A_1594, %get3A_1580 : vector<16xf32>
    %mul3A_1598 = arith.mulf %sub3A_1597, %add3A_1373 : vector<16xf32>
    %max3A_1599 = arith.maximumf %max3A_1536, %mul3A_1596 : vector<16xf32>
    %max3A_1600 = arith.maximumf %max3A_1537, %mul3A_1598 : vector<16xf32>
    %le3A_1601 = arith.constant 5.120000e+02 : f32
    %le3A_1602 = vector.broadcast %le3A_1601 : f32 to vector<16xf32>
    %le3A_1603 = arith.cmpf ole, %mul3A_1598, %le3A_1602 : vector<16xf32>
    %le3A_1604 = arith.constant 5.120000e+02 : f32
    %le3A_1605 = vector.broadcast %le3A_1604 : f32 to vector<16xf32>
    %le3A_1606 = arith.cmpf ole, %mul3A_1596, %le3A_1605 : vector<16xf32>
    %and3A_1607 = arith.andi %le3A_1603, %le3A_1606 : vector<16xi1>
    %get3A_1608 = arith.constant 2 : i32
    %get3A_1609 = arith.constant 4 : i32
    %get3A_1610 = arith.index_cast %get3A_1608 : i32 to index
    %get3A_1611 = arith.index_cast %get3A_1609 : i32 to index
    %get3A_1612 = arith.constant 48 : index
    %get3A_1613 = tpu.vector_load %arg7[%get3A_1610, %get3A_1611, %get3A_1612] {strides = array<i32>} : memref<4x5x128xf32, #tpu.memory_space<vmem>>, vector<1x1x16xf32>,
    %get3A_1614 = vector.shape_cast %get3A_1613 : vector<1x1x16xf32> to vector<16xf32>
    %gt3A_1615 = arith.constant 5.000000e-01 : f32
    %gt3A_1616 = vector.broadcast %gt3A_1615 : f32 to vector<16xf32>
    %gt3A_1617 = arith.cmpf ogt, %get3A_1614, %gt3A_1616 : vector<16xf32>
    %and3A_1618 = arith.andi %and3A_1607, %gt3A_1617 : vector<16xi1>
    %jit3A_1619 = arith.constant 1 : i32
    %jit3A_1620 = arith.constant 0 : i32
    %broadcast_in_dim3A_1621 = vector.broadcast %jit3A_1619 : i32 to vector<16xi32>
    %broadcast_in_dim3A_1622 = vector.broadcast %jit3A_1620 : i32 to vector<16xi32>
    %select_n3A_1623 = arith.select %and3A_1618, %broadcast_in_dim3A_1621, %broadcast_in_dim3A_1622 : vector<16xi1>, vector<16xi32>
    %swap3A_1624 = arith.constant 2 : i32
    %swap3A_1625 = arith.index_cast %swap3A_1624 : i32 to index
    %swap3A_1626 = arith.constant 48 : index
    %swap3A_1627 = tpu.vector_load %arg8[%swap3A_1625, %swap3A_1626] {strides = array<i32>} : memref<4x144xi32, #tpu.memory_space<vmem>>, vector<1x16xi32>,
    %swap3A_1628 = vector.shape_cast %swap3A_1627 : vector<1x16xi32> to vector<16xi32>
    %swap3A_1629 = vector.shape_cast %select_n3A_1623 : vector<16xi32> to vector<1x16xi32>
    tpu.vector_store %arg8[%swap3A_1625, %swap3A_1626], %swap3A_1629 {strides = array<i32>} : memref<4x144xi32, #tpu.memory_space<vmem>>, vector<1x16xi32>,
    %get3A_1630 = arith.constant 2 : i32
    %get3A_1631 = arith.constant 0 : i32
    %get3A_1632 = arith.index_cast %get3A_1630 : i32 to index
    %get3A_1633 = arith.index_cast %get3A_1631 : i32 to index
    %get3A_1634 = arith.constant 64 : index
    %get3A_1635 = tpu.vector_load %arg7[%get3A_1632, %get3A_1633, %get3A_1634] {strides = array<i32>} : memref<4x5x128xf32, #tpu.memory_space<vmem>>, vector<1x1x16xf32>,
    %get3A_1636 = vector.shape_cast %get3A_1635 : vector<1x1x16xf32> to vector<16xf32>
    %get3A_1637 = arith.constant 2 : i32
    %get3A_1638 = arith.constant 1 : i32
    %get3A_1639 = arith.index_cast %get3A_1637 : i32 to index
    %get3A_1640 = arith.index_cast %get3A_1638 : i32 to index
    %get3A_1641 = arith.constant 64 : index
    %get3A_1642 = tpu.vector_load %arg7[%get3A_1639, %get3A_1640, %get3A_1641] {strides = array<i32>} : memref<4x5x128xf32, #tpu.memory_space<vmem>>, vector<1x1x16xf32>,
    %get3A_1643 = vector.shape_cast %get3A_1642 : vector<1x1x16xf32> to vector<16xf32>
    %get3A_1644 = arith.constant 2 : i32
    %get3A_1645 = arith.constant 2 : i32
    %get3A_1646 = arith.index_cast %get3A_1644 : i32 to index
    %get3A_1647 = arith.index_cast %get3A_1645 : i32 to index
    %get3A_1648 = arith.constant 64 : index
    %get3A_1649 = tpu.vector_load %arg7[%get3A_1646, %get3A_1647, %get3A_1648] {strides = array<i32>} : memref<4x5x128xf32, #tpu.memory_space<vmem>>, vector<1x1x16xf32>,
    %get3A_1650 = vector.shape_cast %get3A_1649 : vector<1x1x16xf32> to vector<16xf32>
    %get3A_1651 = arith.constant 2 : i32
    %get3A_1652 = arith.constant 3 : i32
    %get3A_1653 = arith.index_cast %get3A_1651 : i32 to index
    %get3A_1654 = arith.index_cast %get3A_1652 : i32 to index
    %get3A_1655 = arith.constant 64 : index
    %get3A_1656 = tpu.vector_load %arg7[%get3A_1653, %get3A_1654, %get3A_1655] {strides = array<i32>} : memref<4x5x128xf32, #tpu.memory_space<vmem>>, vector<1x1x16xf32>,
    %get3A_1657 = vector.shape_cast %get3A_1656 : vector<1x1x16xf32> to vector<16xf32>
    %sub3A_1658 = arith.subf %get3A_1650, %get3A_1636 : vector<16xf32>
    %mul3A_1659 = arith.mulf %sub3A_1658, %add3A_1373 : vector<16xf32>
    %sub3A_1660 = arith.subf %get3A_1657, %get3A_1643 : vector<16xf32>
    %mul3A_1661 = arith.mulf %sub3A_1660, %add3A_1373 : vector<16xf32>
    %max3A_1662 = arith.maximumf %max3A_1599, %mul3A_1659 : vector<16xf32>
    %max3A_1663 = arith.maximumf %max3A_1600, %mul3A_1661 : vector<16xf32>
    %le3A_1664 = arith.constant 5.120000e+02 : f32
    %le3A_1665 = vector.broadcast %le3A_1664 : f32 to vector<16xf32>
    %le3A_1666 = arith.cmpf ole, %mul3A_1661, %le3A_1665 : vector<16xf32>
    %le3A_1667 = arith.constant 5.120000e+02 : f32
    %le3A_1668 = vector.broadcast %le3A_1667 : f32 to vector<16xf32>
    %le3A_1669 = arith.cmpf ole, %mul3A_1659, %le3A_1668 : vector<16xf32>
    %and3A_1670 = arith.andi %le3A_1666, %le3A_1669 : vector<16xi1>
    %get3A_1671 = arith.constant 2 : i32
    %get3A_1672 = arith.constant 4 : i32
    %get3A_1673 = arith.index_cast %get3A_1671 : i32 to index
    %get3A_1674 = arith.index_cast %get3A_1672 : i32 to index
    %get3A_1675 = arith.constant 64 : index
    %get3A_1676 = tpu.vector_load %arg7[%get3A_1673, %get3A_1674, %get3A_1675] {strides = array<i32>} : memref<4x5x128xf32, #tpu.memory_space<vmem>>, vector<1x1x16xf32>,
    %get3A_1677 = vector.shape_cast %get3A_1676 : vector<1x1x16xf32> to vector<16xf32>
    %gt3A_1678 = arith.constant 5.000000e-01 : f32
    %gt3A_1679 = vector.broadcast %gt3A_1678 : f32 to vector<16xf32>
    %gt3A_1680 = arith.cmpf ogt, %get3A_1677, %gt3A_1679 : vector<16xf32>
    %and3A_1681 = arith.andi %and3A_1670, %gt3A_1680 : vector<16xi1>
    %jit3A_1682 = arith.constant 1 : i32
    %jit3A_1683 = arith.constant 0 : i32
    %broadcast_in_dim3A_1684 = vector.broadcast %jit3A_1682 : i32 to vector<16xi32>
    %broadcast_in_dim3A_1685 = vector.broadcast %jit3A_1683 : i32 to vector<16xi32>
    %select_n3A_1686 = arith.select %and3A_1681, %broadcast_in_dim3A_1684, %broadcast_in_dim3A_1685 : vector<16xi1>, vector<16xi32>
    %swap3A_1687 = arith.constant 2 : i32
    %swap3A_1688 = arith.index_cast %swap3A_1687 : i32 to index
    %swap3A_1689 = arith.constant 64 : index
    %swap3A_1690 = tpu.vector_load %arg8[%swap3A_1688, %swap3A_1689] {strides = array<i32>} : memref<4x144xi32, #tpu.memory_space<vmem>>, vector<1x16xi32>,
    %swap3A_1691 = vector.shape_cast %swap3A_1690 : vector<1x16xi32> to vector<16xi32>
    %swap3A_1692 = vector.shape_cast %select_n3A_1686 : vector<16xi32> to vector<1x16xi32>
    tpu.vector_store %arg8[%swap3A_1688, %swap3A_1689], %swap3A_1692 {strides = array<i32>} : memref<4x144xi32, #tpu.memory_space<vmem>>, vector<1x16xi32>,
    %get3A_1693 = arith.constant 2 : i32
    %get3A_1694 = arith.constant 0 : i32
    %get3A_1695 = arith.index_cast %get3A_1693 : i32 to index
    %get3A_1696 = arith.index_cast %get3A_1694 : i32 to index
    %get3A_1697 = arith.constant 80 : index
    %get3A_1698 = tpu.vector_load %arg7[%get3A_1695, %get3A_1696, %get3A_1697] {strides = array<i32>} : memref<4x5x128xf32, #tpu.memory_space<vmem>>, vector<1x1x16xf32>,
    %get3A_1699 = vector.shape_cast %get3A_1698 : vector<1x1x16xf32> to vector<16xf32>
    %get3A_1700 = arith.constant 2 : i32
    %get3A_1701 = arith.constant 1 : i32
    %get3A_1702 = arith.index_cast %get3A_1700 : i32 to index
    %get3A_1703 = arith.index_cast %get3A_1701 : i32 to index
    %get3A_1704 = arith.constant 80 : index
    %get3A_1705 = tpu.vector_load %arg7[%get3A_1702, %get3A_1703, %get3A_1704] {strides = array<i32>} : memref<4x5x128xf32, #tpu.memory_space<vmem>>, vector<1x1x16xf32>,
    %get3A_1706 = vector.shape_cast %get3A_1705 : vector<1x1x16xf32> to vector<16xf32>
    %get3A_1707 = arith.constant 2 : i32
    %get3A_1708 = arith.constant 2 : i32
    %get3A_1709 = arith.index_cast %get3A_1707 : i32 to index
    %get3A_1710 = arith.index_cast %get3A_1708 : i32 to index
    %get3A_1711 = arith.constant 80 : index
    %get3A_1712 = tpu.vector_load %arg7[%get3A_1709, %get3A_1710, %get3A_1711] {strides = array<i32>} : memref<4x5x128xf32, #tpu.memory_space<vmem>>, vector<1x1x16xf32>,
    %get3A_1713 = vector.shape_cast %get3A_1712 : vector<1x1x16xf32> to vector<16xf32>
    %get3A_1714 = arith.constant 2 : i32
    %get3A_1715 = arith.constant 3 : i32
    %get3A_1716 = arith.index_cast %get3A_1714 : i32 to index
    %get3A_1717 = arith.index_cast %get3A_1715 : i32 to index
    %get3A_1718 = arith.constant 80 : index
    %get3A_1719 = tpu.vector_load %arg7[%get3A_1716, %get3A_1717, %get3A_1718] {strides = array<i32>} : memref<4x5x128xf32, #tpu.memory_space<vmem>>, vector<1x1x16xf32>,
    %get3A_1720 = vector.shape_cast %get3A_1719 : vector<1x1x16xf32> to vector<16xf32>
    %sub3A_1721 = arith.subf %get3A_1713, %get3A_1699 : vector<16xf32>
    %mul3A_1722 = arith.mulf %sub3A_1721, %add3A_1373 : vector<16xf32>
    %sub3A_1723 = arith.subf %get3A_1720, %get3A_1706 : vector<16xf32>
    %mul3A_1724 = arith.mulf %sub3A_1723, %add3A_1373 : vector<16xf32>
    %max3A_1725 = arith.maximumf %max3A_1662, %mul3A_1722 : vector<16xf32>
    %max3A_1726 = arith.maximumf %max3A_1663, %mul3A_1724 : vector<16xf32>
    %le3A_1727 = arith.constant 5.120000e+02 : f32
    %le3A_1728 = vector.broadcast %le3A_1727 : f32 to vector<16xf32>
    %le3A_1729 = arith.cmpf ole, %mul3A_1724, %le3A_1728 : vector<16xf32>
    %le3A_1730 = arith.constant 5.120000e+02 : f32
    %le3A_1731 = vector.broadcast %le3A_1730 : f32 to vector<16xf32>
    %le3A_1732 = arith.cmpf ole, %mul3A_1722, %le3A_1731 : vector<16xf32>
    %and3A_1733 = arith.andi %le3A_1729, %le3A_1732 : vector<16xi1>
    %get3A_1734 = arith.constant 2 : i32
    %get3A_1735 = arith.constant 4 : i32
    %get3A_1736 = arith.index_cast %get3A_1734 : i32 to index
    %get3A_1737 = arith.index_cast %get3A_1735 : i32 to index
    %get3A_1738 = arith.constant 80 : index
    %get3A_1739 = tpu.vector_load %arg7[%get3A_1736, %get3A_1737, %get3A_1738] {strides = array<i32>} : memref<4x5x128xf32, #tpu.memory_space<vmem>>, vector<1x1x16xf32>,
    %get3A_1740 = vector.shape_cast %get3A_1739 : vector<1x1x16xf32> to vector<16xf32>
    %gt3A_1741 = arith.constant 5.000000e-01 : f32
    %gt3A_1742 = vector.broadcast %gt3A_1741 : f32 to vector<16xf32>
    %gt3A_1743 = arith.cmpf ogt, %get3A_1740, %gt3A_1742 : vector<16xf32>
    %and3A_1744 = arith.andi %and3A_1733, %gt3A_1743 : vector<16xi1>
    %jit3A_1745 = arith.constant 1 : i32
    %jit3A_1746 = arith.constant 0 : i32
    %broadcast_in_dim3A_1747 = vector.broadcast %jit3A_1745 : i32 to vector<16xi32>
    %broadcast_in_dim3A_1748 = vector.broadcast %jit3A_1746 : i32 to vector<16xi32>
    %select_n3A_1749 = arith.select %and3A_1744, %broadcast_in_dim3A_1747, %broadcast_in_dim3A_1748 : vector<16xi1>, vector<16xi32>
    %swap3A_1750 = arith.constant 2 : i32
    %swap3A_1751 = arith.index_cast %swap3A_1750 : i32 to index
    %swap3A_1752 = arith.constant 80 : index
    %swap3A_1753 = tpu.vector_load %arg8[%swap3A_1751, %swap3A_1752] {strides = array<i32>} : memref<4x144xi32, #tpu.memory_space<vmem>>, vector<1x16xi32>,
    %swap3A_1754 = vector.shape_cast %swap3A_1753 : vector<1x16xi32> to vector<16xi32>
    %swap3A_1755 = vector.shape_cast %select_n3A_1749 : vector<16xi32> to vector<1x16xi32>
    tpu.vector_store %arg8[%swap3A_1751, %swap3A_1752], %swap3A_1755 {strides = array<i32>} : memref<4x144xi32, #tpu.memory_space<vmem>>, vector<1x16xi32>,
    %get3A_1756 = arith.constant 2 : i32
    %get3A_1757 = arith.constant 0 : i32
    %get3A_1758 = arith.index_cast %get3A_1756 : i32 to index
    %get3A_1759 = arith.index_cast %get3A_1757 : i32 to index
    %get3A_1760 = arith.constant 96 : index
    %get3A_1761 = tpu.vector_load %arg7[%get3A_1758, %get3A_1759, %get3A_1760] {strides = array<i32>} : memref<4x5x128xf32, #tpu.memory_space<vmem>>, vector<1x1x16xf32>,
    %get3A_1762 = vector.shape_cast %get3A_1761 : vector<1x1x16xf32> to vector<16xf32>
    %get3A_1763 = arith.constant 2 : i32
    %get3A_1764 = arith.constant 1 : i32
    %get3A_1765 = arith.index_cast %get3A_1763 : i32 to index
    %get3A_1766 = arith.index_cast %get3A_1764 : i32 to index
    %get3A_1767 = arith.constant 96 : index
    %get3A_1768 = tpu.vector_load %arg7[%get3A_1765, %get3A_1766, %get3A_1767] {strides = array<i32>} : memref<4x5x128xf32, #tpu.memory_space<vmem>>, vector<1x1x16xf32>,
    %get3A_1769 = vector.shape_cast %get3A_1768 : vector<1x1x16xf32> to vector<16xf32>
    %get3A_1770 = arith.constant 2 : i32
    %get3A_1771 = arith.constant 2 : i32
    %get3A_1772 = arith.index_cast %get3A_1770 : i32 to index
    %get3A_1773 = arith.index_cast %get3A_1771 : i32 to index
    %get3A_1774 = arith.constant 96 : index
    %get3A_1775 = tpu.vector_load %arg7[%get3A_1772, %get3A_1773, %get3A_1774] {strides = array<i32>} : memref<4x5x128xf32, #tpu.memory_space<vmem>>, vector<1x1x16xf32>,
    %get3A_1776 = vector.shape_cast %get3A_1775 : vector<1x1x16xf32> to vector<16xf32>
    %get3A_1777 = arith.constant 2 : i32
    %get3A_1778 = arith.constant 3 : i32
    %get3A_1779 = arith.index_cast %get3A_1777 : i32 to index
    %get3A_1780 = arith.index_cast %get3A_1778 : i32 to index
    %get3A_1781 = arith.constant 96 : index
    %get3A_1782 = tpu.vector_load %arg7[%get3A_1779, %get3A_1780, %get3A_1781] {strides = array<i32>} : memref<4x5x128xf32, #tpu.memory_space<vmem>>, vector<1x1x16xf32>,
    %get3A_1783 = vector.shape_cast %get3A_1782 : vector<1x1x16xf32> to vector<16xf32>
    %sub3A_1784 = arith.subf %get3A_1776, %get3A_1762 : vector<16xf32>
    %mul3A_1785 = arith.mulf %sub3A_1784, %add3A_1373 : vector<16xf32>
    %sub3A_1786 = arith.subf %get3A_1783, %get3A_1769 : vector<16xf32>
    %mul3A_1787 = arith.mulf %sub3A_1786, %add3A_1373 : vector<16xf32>
    %max3A_1788 = arith.maximumf %max3A_1725, %mul3A_1785 : vector<16xf32>
    %max3A_1789 = arith.maximumf %max3A_1726, %mul3A_1787 : vector<16xf32>
    %le3A_1790 = arith.constant 5.120000e+02 : f32
    %le3A_1791 = vector.broadcast %le3A_1790 : f32 to vector<16xf32>
    %le3A_1792 = arith.cmpf ole, %mul3A_1787, %le3A_1791 : vector<16xf32>
    %le3A_1793 = arith.constant 5.120000e+02 : f32
    %le3A_1794 = vector.broadcast %le3A_1793 : f32 to vector<16xf32>
    %le3A_1795 = arith.cmpf ole, %mul3A_1785, %le3A_1794 : vector<16xf32>
    %and3A_1796 = arith.andi %le3A_1792, %le3A_1795 : vector<16xi1>
    %get3A_1797 = arith.constant 2 : i32
    %get3A_1798 = arith.constant 4 : i32
    %get3A_1799 = arith.index_cast %get3A_1797 : i32 to index
    %get3A_1800 = arith.index_cast %get3A_1798 : i32 to index
    %get3A_1801 = arith.constant 96 : index
    %get3A_1802 = tpu.vector_load %arg7[%get3A_1799, %get3A_1800, %get3A_1801] {strides = array<i32>} : memref<4x5x128xf32, #tpu.memory_space<vmem>>, vector<1x1x16xf32>,
    %get3A_1803 = vector.shape_cast %get3A_1802 : vector<1x1x16xf32> to vector<16xf32>
    %gt3A_1804 = arith.constant 5.000000e-01 : f32
    %gt3A_1805 = vector.broadcast %gt3A_1804 : f32 to vector<16xf32>
    %gt3A_1806 = arith.cmpf ogt, %get3A_1803, %gt3A_1805 : vector<16xf32>
    %and3A_1807 = arith.andi %and3A_1796, %gt3A_1806 : vector<16xi1>
    %jit3A_1808 = arith.constant 1 : i32
    %jit3A_1809 = arith.constant 0 : i32
    %broadcast_in_dim3A_1810 = vector.broadcast %jit3A_1808 : i32 to vector<16xi32>
    %broadcast_in_dim3A_1811 = vector.broadcast %jit3A_1809 : i32 to vector<16xi32>
    %select_n3A_1812 = arith.select %and3A_1807, %broadcast_in_dim3A_1810, %broadcast_in_dim3A_1811 : vector<16xi1>, vector<16xi32>
    %swap3A_1813 = arith.constant 2 : i32
    %swap3A_1814 = arith.index_cast %swap3A_1813 : i32 to index
    %swap3A_1815 = arith.constant 96 : index
    %swap3A_1816 = tpu.vector_load %arg8[%swap3A_1814, %swap3A_1815] {strides = array<i32>} : memref<4x144xi32, #tpu.memory_space<vmem>>, vector<1x16xi32>,
    %swap3A_1817 = vector.shape_cast %swap3A_1816 : vector<1x16xi32> to vector<16xi32>
    %swap3A_1818 = vector.shape_cast %select_n3A_1812 : vector<16xi32> to vector<1x16xi32>
    tpu.vector_store %arg8[%swap3A_1814, %swap3A_1815], %swap3A_1818 {strides = array<i32>} : memref<4x144xi32, #tpu.memory_space<vmem>>, vector<1x16xi32>,
    %get3A_1819 = arith.constant 2 : i32
    %get3A_1820 = arith.constant 0 : i32
    %get3A_1821 = arith.index_cast %get3A_1819 : i32 to index
    %get3A_1822 = arith.index_cast %get3A_1820 : i32 to index
    %get3A_1823 = arith.constant 112 : index
    %get3A_1824 = tpu.vector_load %arg7[%get3A_1821, %get3A_1822, %get3A_1823] {strides = array<i32>} : memref<4x5x128xf32, #tpu.memory_space<vmem>>, vector<1x1x16xf32>,
    %get3A_1825 = vector.shape_cast %get3A_1824 : vector<1x1x16xf32> to vector<16xf32>
    %get3A_1826 = arith.constant 2 : i32
    %get3A_1827 = arith.constant 1 : i32
    %get3A_1828 = arith.index_cast %get3A_1826 : i32 to index
    %get3A_1829 = arith.index_cast %get3A_1827 : i32 to index
    %get3A_1830 = arith.constant 112 : index
    %get3A_1831 = tpu.vector_load %arg7[%get3A_1828, %get3A_1829, %get3A_1830] {strides = array<i32>} : memref<4x5x128xf32, #tpu.memory_space<vmem>>, vector<1x1x16xf32>,
    %get3A_1832 = vector.shape_cast %get3A_1831 : vector<1x1x16xf32> to vector<16xf32>
    %get3A_1833 = arith.constant 2 : i32
    %get3A_1834 = arith.constant 2 : i32
    %get3A_1835 = arith.index_cast %get3A_1833 : i32 to index
    %get3A_1836 = arith.index_cast %get3A_1834 : i32 to index
    %get3A_1837 = arith.constant 112 : index
    %get3A_1838 = tpu.vector_load %arg7[%get3A_1835, %get3A_1836, %get3A_1837] {strides = array<i32>} : memref<4x5x128xf32, #tpu.memory_space<vmem>>, vector<1x1x16xf32>,
    %get3A_1839 = vector.shape_cast %get3A_1838 : vector<1x1x16xf32> to vector<16xf32>
    %get3A_1840 = arith.constant 2 : i32
    %get3A_1841 = arith.constant 3 : i32
    %get3A_1842 = arith.index_cast %get3A_1840 : i32 to index
    %get3A_1843 = arith.index_cast %get3A_1841 : i32 to index
    %get3A_1844 = arith.constant 112 : index
    %get3A_1845 = tpu.vector_load %arg7[%get3A_1842, %get3A_1843, %get3A_1844] {strides = array<i32>} : memref<4x5x128xf32, #tpu.memory_space<vmem>>, vector<1x1x16xf32>,
    %get3A_1846 = vector.shape_cast %get3A_1845 : vector<1x1x16xf32> to vector<16xf32>
    %sub3A_1847 = arith.subf %get3A_1839, %get3A_1825 : vector<16xf32>
    %mul3A_1848 = arith.mulf %sub3A_1847, %add3A_1373 : vector<16xf32>
    %sub3A_1849 = arith.subf %get3A_1846, %get3A_1832 : vector<16xf32>
    %mul3A_1850 = arith.mulf %sub3A_1849, %add3A_1373 : vector<16xf32>
    %max3A_1851 = arith.maximumf %max3A_1788, %mul3A_1848 : vector<16xf32>
    %max3A_1852 = arith.maximumf %max3A_1789, %mul3A_1850 : vector<16xf32>
    %le3A_1853 = arith.constant 5.120000e+02 : f32
    %le3A_1854 = vector.broadcast %le3A_1853 : f32 to vector<16xf32>
    %le3A_1855 = arith.cmpf ole, %mul3A_1850, %le3A_1854 : vector<16xf32>
    %le3A_1856 = arith.constant 5.120000e+02 : f32
    %le3A_1857 = vector.broadcast %le3A_1856 : f32 to vector<16xf32>
    %le3A_1858 = arith.cmpf ole, %mul3A_1848, %le3A_1857 : vector<16xf32>
    %and3A_1859 = arith.andi %le3A_1855, %le3A_1858 : vector<16xi1>
    %get3A_1860 = arith.constant 2 : i32
    %get3A_1861 = arith.constant 4 : i32
    %get3A_1862 = arith.index_cast %get3A_1860 : i32 to index
    %get3A_1863 = arith.index_cast %get3A_1861 : i32 to index
    %get3A_1864 = arith.constant 112 : index
    %get3A_1865 = tpu.vector_load %arg7[%get3A_1862, %get3A_1863, %get3A_1864] {strides = array<i32>} : memref<4x5x128xf32, #tpu.memory_space<vmem>>, vector<1x1x16xf32>,
    %get3A_1866 = vector.shape_cast %get3A_1865 : vector<1x1x16xf32> to vector<16xf32>
    %gt3A_1867 = arith.constant 5.000000e-01 : f32
    %gt3A_1868 = vector.broadcast %gt3A_1867 : f32 to vector<16xf32>
    %gt3A_1869 = arith.cmpf ogt, %get3A_1866, %gt3A_1868 : vector<16xf32>
    %and3A_1870 = arith.andi %and3A_1859, %gt3A_1869 : vector<16xi1>
    %jit3A_1871 = arith.constant 1 : i32
    %jit3A_1872 = arith.constant 0 : i32
    %broadcast_in_dim3A_1873 = vector.broadcast %jit3A_1871 : i32 to vector<16xi32>
    %broadcast_in_dim3A_1874 = vector.broadcast %jit3A_1872 : i32 to vector<16xi32>
    %select_n3A_1875 = arith.select %and3A_1870, %broadcast_in_dim3A_1873, %broadcast_in_dim3A_1874 : vector<16xi1>, vector<16xi32>
    %swap3A_1876 = arith.constant 2 : i32
    %swap3A_1877 = arith.index_cast %swap3A_1876 : i32 to index
    %swap3A_1878 = arith.constant 112 : index
    %swap3A_1879 = tpu.vector_load %arg8[%swap3A_1877, %swap3A_1878] {strides = array<i32>} : memref<4x144xi32, #tpu.memory_space<vmem>>, vector<1x16xi32>,
    %swap3A_1880 = vector.shape_cast %swap3A_1879 : vector<1x16xi32> to vector<16xi32>
    %swap3A_1881 = vector.shape_cast %select_n3A_1875 : vector<16xi32> to vector<1x16xi32>
    tpu.vector_store %arg8[%swap3A_1877, %swap3A_1878], %swap3A_1881 {strides = array<i32>} : memref<4x144xi32, #tpu.memory_space<vmem>>, vector<1x16xi32>,
    %xor3A_1882 = arith.constant 1 : i32
    %xor3A_1883 = vector.broadcast %xor3A_1882 : i32 to vector<16xi32>
    %xor3A_1884 = arith.xori %iota3A, %xor3A_1883 : vector<16xi32>
    %broadcast_in_dim3A_1885 = vector.shape_cast %xor3A_1884 : vector<16xi32> to vector<16x1xi32>
    %gather3A_1886 = vector.shape_cast %broadcast_in_dim3A_1885 : vector<16x1xi32> to vector<16xi32>
    %gather3A_1887 = tpu.dynamic_gather %max3A_1852[%gather3A_1886] in [0] : vector<16xf32>, vector<16xi32> -> vector<16xf32>
    %max3A_1888 = arith.maximumf %max3A_1852, %gather3A_1887 : vector<16xf32>
    %xor3A_1889 = arith.constant 2 : i32
    %xor3A_1890 = vector.broadcast %xor3A_1889 : i32 to vector<16xi32>
    %xor3A_1891 = arith.xori %iota3A, %xor3A_1890 : vector<16xi32>
    %broadcast_in_dim3A_1892 = vector.shape_cast %xor3A_1891 : vector<16xi32> to vector<16x1xi32>
    %gather3A_1893 = vector.shape_cast %broadcast_in_dim3A_1892 : vector<16x1xi32> to vector<16xi32>
    %gather3A_1894 = tpu.dynamic_gather %max3A_1888[%gather3A_1893] in [0] : vector<16xf32>, vector<16xi32> -> vector<16xf32>
    %max3A_1895 = arith.maximumf %max3A_1888, %gather3A_1894 : vector<16xf32>
    %xor3A_1896 = arith.constant 4 : i32
    %xor3A_1897 = vector.broadcast %xor3A_1896 : i32 to vector<16xi32>
    %xor3A_1898 = arith.xori %iota3A, %xor3A_1897 : vector<16xi32>
    %broadcast_in_dim3A_1899 = vector.shape_cast %xor3A_1898 : vector<16xi32> to vector<16x1xi32>
    %gather3A_1900 = vector.shape_cast %broadcast_in_dim3A_1899 : vector<16x1xi32> to vector<16xi32>
    %gather3A_1901 = tpu.dynamic_gather %max3A_1895[%gather3A_1900] in [0] : vector<16xf32>, vector<16xi32> -> vector<16xf32>
    %max3A_1902 = arith.maximumf %max3A_1895, %gather3A_1901 : vector<16xf32>
    %xor3A_1903 = arith.constant 8 : i32
    %xor3A_1904 = vector.broadcast %xor3A_1903 : i32 to vector<16xi32>
    %xor3A_1905 = arith.xori %iota3A, %xor3A_1904 : vector<16xi32>
    %broadcast_in_dim3A_1906 = vector.shape_cast %xor3A_1905 : vector<16xi32> to vector<16x1xi32>
    %gather3A_1907 = vector.shape_cast %broadcast_in_dim3A_1906 : vector<16x1xi32> to vector<16xi32>
    %gather3A_1908 = tpu.dynamic_gather %max3A_1902[%gather3A_1907] in [0] : vector<16xf32>, vector<16xi32> -> vector<16xf32>
    %max3A_1909 = arith.maximumf %max3A_1902, %gather3A_1908 : vector<16xf32>
    %xor3A_1910 = arith.constant 1 : i32
    %xor3A_1911 = vector.broadcast %xor3A_1910 : i32 to vector<16xi32>
    %xor3A_1912 = arith.xori %iota3A, %xor3A_1911 : vector<16xi32>
    %broadcast_in_dim3A_1913 = vector.shape_cast %xor3A_1912 : vector<16xi32> to vector<16x1xi32>
    %gather3A_1914 = vector.shape_cast %broadcast_in_dim3A_1913 : vector<16x1xi32> to vector<16xi32>
    %gather3A_1915 = tpu.dynamic_gather %max3A_1851[%gather3A_1914] in [0] : vector<16xf32>, vector<16xi32> -> vector<16xf32>
    %max3A_1916 = arith.maximumf %max3A_1851, %gather3A_1915 : vector<16xf32>
    %xor3A_1917 = arith.constant 2 : i32
    %xor3A_1918 = vector.broadcast %xor3A_1917 : i32 to vector<16xi32>
    %xor3A_1919 = arith.xori %iota3A, %xor3A_1918 : vector<16xi32>
    %broadcast_in_dim3A_1920 = vector.shape_cast %xor3A_1919 : vector<16xi32> to vector<16x1xi32>
    %gather3A_1921 = vector.shape_cast %broadcast_in_dim3A_1920 : vector<16x1xi32> to vector<16xi32>
    %gather3A_1922 = tpu.dynamic_gather %max3A_1916[%gather3A_1921] in [0] : vector<16xf32>, vector<16xi32> -> vector<16xf32>
    %max3A_1923 = arith.maximumf %max3A_1916, %gather3A_1922 : vector<16xf32>
    %xor3A_1924 = arith.constant 4 : i32
    %xor3A_1925 = vector.broadcast %xor3A_1924 : i32 to vector<16xi32>
    %xor3A_1926 = arith.xori %iota3A, %xor3A_1925 : vector<16xi32>
    %broadcast_in_dim3A_1927 = vector.shape_cast %xor3A_1926 : vector<16xi32> to vector<16x1xi32>
    %gather3A_1928 = vector.shape_cast %broadcast_in_dim3A_1927 : vector<16x1xi32> to vector<16xi32>
    %gather3A_1929 = tpu.dynamic_gather %max3A_1923[%gather3A_1928] in [0] : vector<16xf32>, vector<16xi32> -> vector<16xf32>
    %max3A_1930 = arith.maximumf %max3A_1923, %gather3A_1929 : vector<16xf32>
    %xor3A_1931 = arith.constant 8 : i32
    %xor3A_1932 = vector.broadcast %xor3A_1931 : i32 to vector<16xi32>
    %xor3A_1933 = arith.xori %iota3A, %xor3A_1932 : vector<16xi32>
    %broadcast_in_dim3A_1934 = vector.shape_cast %xor3A_1933 : vector<16xi32> to vector<16x1xi32>
    %gather3A_1935 = vector.shape_cast %broadcast_in_dim3A_1934 : vector<16x1xi32> to vector<16xi32>
    %gather3A_1936 = tpu.dynamic_gather %max3A_1930[%gather3A_1935] in [0] : vector<16xf32>, vector<16xi32> -> vector<16xf32>
    %max3A_1937 = arith.maximumf %max3A_1930, %gather3A_1936 : vector<16xf32>
    %slice3A_1938 = vector.extract_strided_slice %get3A_1364 {offsets = [2], sizes = [1], strides = [1]} : vector<16xf32> to vector<1xf32>
    %squeeze3A_1939 = vector.extract %slice3A_1938[0] : f32 from vector<1xf32>
    %broadcast_in_dim3A_1940 = vector.broadcast %squeeze3A_1939 : f32 to vector<16xf32>
    %sub3A_1941 = arith.constant 5.120000e+02 : f32
    %sub3A_1942 = vector.broadcast %sub3A_1941 : f32 to vector<16xf32>
    %sub3A_1943 = arith.subf %sub3A_1942, %max3A_1909 : vector<16xf32>
    %max3A_1944 = arith.constant 0.000000e+00 : f32
    %max3A_1945 = vector.broadcast %max3A_1944 : f32 to vector<16xf32>
    %max3A_1946 = arith.maximumf %sub3A_1943, %max3A_1945 : vector<16xf32>
    %mul3A_1947 = arith.mulf %broadcast_in_dim3A_1940, %max3A_1946 : vector<16xf32>
    %slice3A_1948 = vector.extract_strided_slice %get3A_1364 {offsets = [3], sizes = [1], strides = [1]} : vector<16xf32> to vector<1xf32>
    %squeeze3A_1949 = vector.extract %slice3A_1948[0] : f32 from vector<1xf32>
    %broadcast_in_dim3A_1950 = vector.broadcast %squeeze3A_1949 : f32 to vector<16xf32>
    %sub3A_1951 = arith.constant 5.120000e+02 : f32
    %sub3A_1952 = vector.broadcast %sub3A_1951 : f32 to vector<16xf32>
    %sub3A_1953 = arith.subf %sub3A_1952, %max3A_1937 : vector<16xf32>
    %max3A_1954 = arith.constant 0.000000e+00 : f32
    %max3A_1955 = vector.broadcast %max3A_1954 : f32 to vector<16xf32>
    %max3A_1956 = arith.maximumf %sub3A_1953, %max3A_1955 : vector<16xf32>
    %mul3A_1957 = arith.mulf %broadcast_in_dim3A_1950, %max3A_1956 : vector<16xf32>
    %slice3A_1958 = vector.extract_strided_slice %get3A_1364 {offsets = [4], sizes = [1], strides = [1]} : vector<16xf32> to vector<1xf32>
    %squeeze3A_1959 = vector.extract %slice3A_1958[0] : f32 from vector<1xf32>
    %broadcast_in_dim3A_1960 = vector.broadcast %squeeze3A_1959 : f32 to vector<16xf32>
    %lt3A_1961 = arith.constant 5.000000e-01 : f32
    %lt3A_1962 = vector.broadcast %lt3A_1961 : f32 to vector<16xf32>
    %lt3A_1963 = arith.cmpf olt, %broadcast_in_dim3A_1960, %lt3A_1962 : vector<16xf32>
    %jit3A_1964 = arith.constant 1.000000e+00 : f32
    %jit3A_1965 = arith.constant 0.000000e+00 : f32
    %broadcast_in_dim3A_1966 = vector.broadcast %jit3A_1964 : f32 to vector<16xf32>
    %broadcast_in_dim3A_1967 = vector.broadcast %jit3A_1965 : f32 to vector<16xf32>
    %select_n3A_1968 = arith.select %lt3A_1963, %broadcast_in_dim3A_1966, %broadcast_in_dim3A_1967 : vector<16xi1>, vector<16xf32>
    %broadcast_in_dim3A_1969 = arith.constant 0.000000e+00 : f32
    %broadcast_in_dim3A_1970 = vector.broadcast %broadcast_in_dim3A_1969 : f32 to vector<16xf32>
    %eq3A_1971 = arith.constant 0 : i32
    %eq3A_1972 = vector.broadcast %eq3A_1971 : i32 to vector<16xi32>
    %eq3A_1973 = arith.cmpi eq, %iota3A, %eq3A_1972 : vector<16xi32>
    %eq3A_1974 = arith.constant 1 : i32
    %eq3A_1975 = vector.broadcast %eq3A_1974 : i32 to vector<16xi32>
    %eq3A_1976 = arith.cmpi eq, %iota3A, %eq3A_1975 : vector<16xi32>
    %eq3A_1977 = arith.constant 2 : i32
    %eq3A_1978 = vector.broadcast %eq3A_1977 : i32 to vector<16xi32>
    %eq3A_1979 = arith.cmpi eq, %iota3A, %eq3A_1978 : vector<16xi32>
    %eq3A_1980 = arith.constant 3 : i32
    %eq3A_1981 = vector.broadcast %eq3A_1980 : i32 to vector<16xi32>
    %eq3A_1982 = arith.cmpi eq, %iota3A, %eq3A_1981 : vector<16xi32>
    %eq3A_1983 = arith.constant 4 : i32
    %eq3A_1984 = vector.broadcast %eq3A_1983 : i32 to vector<16xi32>
    %eq3A_1985 = arith.cmpi eq, %iota3A, %eq3A_1984 : vector<16xi32>
    %select_n3A_1986 = arith.select %eq3A_1985, %select_n3A_1968, %broadcast_in_dim3A_1970 : vector<16xi1>, vector<16xf32>
    %select_n3A_1987 = arith.select %eq3A_1982, %add3A_48, %select_n3A_1986 : vector<16xi1>, vector<16xf32>
    %select_n3A_1988 = arith.select %eq3A_1979, %add3A_1373, %select_n3A_1987 : vector<16xi1>, vector<16xf32>
    %select_n3A_1989 = arith.select %eq3A_1976, %mul3A_1957, %select_n3A_1988 : vector<16xi1>, vector<16xf32>
    %select_n3A_1990 = arith.select %eq3A_1973, %mul3A_1947, %select_n3A_1989 : vector<16xi1>, vector<16xf32>
    %bitcast_convert_type3A_1991 = tpu.bitcast %select_n3A_1990 : vector<16xf32> -> vector<16xi32>
    %swap3A_1992 = arith.constant 2 : i32
    %swap3A_1993 = arith.index_cast %swap3A_1992 : i32 to index
    %swap3A_1994 = arith.constant 128 : index
    %swap3A_1995 = tpu.vector_load %arg8[%swap3A_1993, %swap3A_1994] {strides = array<i32>} : memref<4x144xi32, #tpu.memory_space<vmem>>, vector<1x16xi32>,
    %swap3A_1996 = vector.shape_cast %swap3A_1995 : vector<1x16xi32> to vector<16xi32>
    %swap3A_1997 = vector.shape_cast %bitcast_convert_type3A_1991 : vector<16xi32> to vector<1x16xi32>
    tpu.vector_store %arg8[%swap3A_1993, %swap3A_1994], %swap3A_1997 {strides = array<i32>} : memref<4x144xi32, #tpu.memory_space<vmem>>, vector<1x16xi32>,
    %get3A_1998 = arith.constant 3 : i32
    %get3A_1999 = arith.index_cast %get3A_1998 : i32 to index
    %get3A_2000 = arith.constant 0 : index
    %get3A_2001 = tpu.vector_load %arg5[%get3A_1999, %get3A_2000] {strides = array<i32>} : memref<4x16xf32, #tpu.memory_space<vmem>>, vector<1x16xf32>,
    %get3A_2002 = vector.shape_cast %get3A_2001 : vector<1x16xf32> to vector<16xf32>
    %slice3A_2003 = vector.extract_strided_slice %get3A_2002 {offsets = [1], sizes = [1], strides = [1]} : vector<16xf32> to vector<1xf32>
    %squeeze3A_2004 = vector.extract %slice3A_2003[0] : f32 from vector<1xf32>
    %broadcast_in_dim3A_2005 = vector.broadcast %squeeze3A_2004 : f32 to vector<16xf32>
    %mul3A_2006 = arith.constant 1.500000e+00 : f32
    %mul3A_2007 = vector.broadcast %mul3A_2006 : f32 to vector<16xf32>
    %mul3A_2008 = arith.mulf %broadcast_in_dim3A_2005, %mul3A_2007 : vector<16xf32>
    %add3A_2009 = arith.constant 5.000000e-01 : f32
    %add3A_2010 = vector.broadcast %add3A_2009 : f32 to vector<16xf32>
    %add3A_2011 = arith.addf %mul3A_2008, %add3A_2010 : vector<16xf32>
    %broadcast_in_dim3A_2012 = arith.constant 0.000000e+00 : f32
    %broadcast_in_dim3A_2013 = vector.broadcast %broadcast_in_dim3A_2012 : f32 to vector<16xf32>
    %broadcast_in_dim3A_2014 = arith.constant 0.000000e+00 : f32
    %broadcast_in_dim3A_2015 = vector.broadcast %broadcast_in_dim3A_2014 : f32 to vector<16xf32>
    %get3A_2016 = arith.constant 3 : i32
    %get3A_2017 = arith.constant 0 : i32
    %get3A_2018 = arith.index_cast %get3A_2016 : i32 to index
    %get3A_2019 = arith.index_cast %get3A_2017 : i32 to index
    %get3A_2020 = arith.constant 0 : index
    %get3A_2021 = tpu.vector_load %arg7[%get3A_2018, %get3A_2019, %get3A_2020] {strides = array<i32>} : memref<4x5x128xf32, #tpu.memory_space<vmem>>, vector<1x1x16xf32>,
    %get3A_2022 = vector.shape_cast %get3A_2021 : vector<1x1x16xf32> to vector<16xf32>
    %get3A_2023 = arith.constant 3 : i32
    %get3A_2024 = arith.constant 1 : i32
    %get3A_2025 = arith.index_cast %get3A_2023 : i32 to index
    %get3A_2026 = arith.index_cast %get3A_2024 : i32 to index
    %get3A_2027 = arith.constant 0 : index
    %get3A_2028 = tpu.vector_load %arg7[%get3A_2025, %get3A_2026, %get3A_2027] {strides = array<i32>} : memref<4x5x128xf32, #tpu.memory_space<vmem>>, vector<1x1x16xf32>,
    %get3A_2029 = vector.shape_cast %get3A_2028 : vector<1x1x16xf32> to vector<16xf32>
    %get3A_2030 = arith.constant 3 : i32
    %get3A_2031 = arith.constant 2 : i32
    %get3A_2032 = arith.index_cast %get3A_2030 : i32 to index
    %get3A_2033 = arith.index_cast %get3A_2031 : i32 to index
    %get3A_2034 = arith.constant 0 : index
    %get3A_2035 = tpu.vector_load %arg7[%get3A_2032, %get3A_2033, %get3A_2034] {strides = array<i32>} : memref<4x5x128xf32, #tpu.memory_space<vmem>>, vector<1x1x16xf32>,
    %get3A_2036 = vector.shape_cast %get3A_2035 : vector<1x1x16xf32> to vector<16xf32>
    %get3A_2037 = arith.constant 3 : i32
    %get3A_2038 = arith.constant 3 : i32
    %get3A_2039 = arith.index_cast %get3A_2037 : i32 to index
    %get3A_2040 = arith.index_cast %get3A_2038 : i32 to index
    %get3A_2041 = arith.constant 0 : index
    %get3A_2042 = tpu.vector_load %arg7[%get3A_2039, %get3A_2040, %get3A_2041] {strides = array<i32>} : memref<4x5x128xf32, #tpu.memory_space<vmem>>, vector<1x1x16xf32>,
    %get3A_2043 = vector.shape_cast %get3A_2042 : vector<1x1x16xf32> to vector<16xf32>
    %sub3A_2044 = arith.subf %get3A_2036, %get3A_2022 : vector<16xf32>
    %mul3A_2045 = arith.mulf %sub3A_2044, %add3A_2011 : vector<16xf32>
    %sub3A_2046 = arith.subf %get3A_2043, %get3A_2029 : vector<16xf32>
    %mul3A_2047 = arith.mulf %sub3A_2046, %add3A_2011 : vector<16xf32>
    %max3A_2048 = arith.maximumf %broadcast_in_dim3A_2013, %mul3A_2045 : vector<16xf32>
    %max3A_2049 = arith.maximumf %broadcast_in_dim3A_2015, %mul3A_2047 : vector<16xf32>
    %le3A_2050 = arith.constant 5.120000e+02 : f32
    %le3A_2051 = vector.broadcast %le3A_2050 : f32 to vector<16xf32>
    %le3A_2052 = arith.cmpf ole, %mul3A_2047, %le3A_2051 : vector<16xf32>
    %le3A_2053 = arith.constant 5.120000e+02 : f32
    %le3A_2054 = vector.broadcast %le3A_2053 : f32 to vector<16xf32>
    %le3A_2055 = arith.cmpf ole, %mul3A_2045, %le3A_2054 : vector<16xf32>
    %and3A_2056 = arith.andi %le3A_2052, %le3A_2055 : vector<16xi1>
    %get3A_2057 = arith.constant 3 : i32
    %get3A_2058 = arith.constant 4 : i32
    %get3A_2059 = arith.index_cast %get3A_2057 : i32 to index
    %get3A_2060 = arith.index_cast %get3A_2058 : i32 to index
    %get3A_2061 = arith.constant 0 : index
    %get3A_2062 = tpu.vector_load %arg7[%get3A_2059, %get3A_2060, %get3A_2061] {strides = array<i32>} : memref<4x5x128xf32, #tpu.memory_space<vmem>>, vector<1x1x16xf32>,
    %get3A_2063 = vector.shape_cast %get3A_2062 : vector<1x1x16xf32> to vector<16xf32>
    %gt3A_2064 = arith.constant 5.000000e-01 : f32
    %gt3A_2065 = vector.broadcast %gt3A_2064 : f32 to vector<16xf32>
    %gt3A_2066 = arith.cmpf ogt, %get3A_2063, %gt3A_2065 : vector<16xf32>
    %and3A_2067 = arith.andi %and3A_2056, %gt3A_2066 : vector<16xi1>
    %jit3A_2068 = arith.constant 1 : i32
    %jit3A_2069 = arith.constant 0 : i32
    %broadcast_in_dim3A_2070 = vector.broadcast %jit3A_2068 : i32 to vector<16xi32>
    %broadcast_in_dim3A_2071 = vector.broadcast %jit3A_2069 : i32 to vector<16xi32>
    %select_n3A_2072 = arith.select %and3A_2067, %broadcast_in_dim3A_2070, %broadcast_in_dim3A_2071 : vector<16xi1>, vector<16xi32>
    %swap3A_2073 = arith.constant 3 : i32
    %swap3A_2074 = arith.index_cast %swap3A_2073 : i32 to index
    %swap3A_2075 = arith.constant 0 : index
    %swap3A_2076 = tpu.vector_load %arg8[%swap3A_2074, %swap3A_2075] {strides = array<i32>} : memref<4x144xi32, #tpu.memory_space<vmem>>, vector<1x16xi32>,
    %swap3A_2077 = vector.shape_cast %swap3A_2076 : vector<1x16xi32> to vector<16xi32>
    %swap3A_2078 = vector.shape_cast %select_n3A_2072 : vector<16xi32> to vector<1x16xi32>
    tpu.vector_store %arg8[%swap3A_2074, %swap3A_2075], %swap3A_2078 {strides = array<i32>} : memref<4x144xi32, #tpu.memory_space<vmem>>, vector<1x16xi32>,
    %get3A_2079 = arith.constant 3 : i32
    %get3A_2080 = arith.constant 0 : i32
    %get3A_2081 = arith.index_cast %get3A_2079 : i32 to index
    %get3A_2082 = arith.index_cast %get3A_2080 : i32 to index
    %get3A_2083 = arith.constant 16 : index
    %get3A_2084 = tpu.vector_load %arg7[%get3A_2081, %get3A_2082, %get3A_2083] {strides = array<i32>} : memref<4x5x128xf32, #tpu.memory_space<vmem>>, vector<1x1x16xf32>,
    %get3A_2085 = vector.shape_cast %get3A_2084 : vector<1x1x16xf32> to vector<16xf32>
    %get3A_2086 = arith.constant 3 : i32
    %get3A_2087 = arith.constant 1 : i32
    %get3A_2088 = arith.index_cast %get3A_2086 : i32 to index
    %get3A_2089 = arith.index_cast %get3A_2087 : i32 to index
    %get3A_2090 = arith.constant 16 : index
    %get3A_2091 = tpu.vector_load %arg7[%get3A_2088, %get3A_2089, %get3A_2090] {strides = array<i32>} : memref<4x5x128xf32, #tpu.memory_space<vmem>>, vector<1x1x16xf32>,
    %get3A_2092 = vector.shape_cast %get3A_2091 : vector<1x1x16xf32> to vector<16xf32>
    %get3A_2093 = arith.constant 3 : i32
    %get3A_2094 = arith.constant 2 : i32
    %get3A_2095 = arith.index_cast %get3A_2093 : i32 to index
    %get3A_2096 = arith.index_cast %get3A_2094 : i32 to index
    %get3A_2097 = arith.constant 16 : index
    %get3A_2098 = tpu.vector_load %arg7[%get3A_2095, %get3A_2096, %get3A_2097] {strides = array<i32>} : memref<4x5x128xf32, #tpu.memory_space<vmem>>, vector<1x1x16xf32>,
    %get3A_2099 = vector.shape_cast %get3A_2098 : vector<1x1x16xf32> to vector<16xf32>
    %get3A_2100 = arith.constant 3 : i32
    %get3A_2101 = arith.constant 3 : i32
    %get3A_2102 = arith.index_cast %get3A_2100 : i32 to index
    %get3A_2103 = arith.index_cast %get3A_2101 : i32 to index
    %get3A_2104 = arith.constant 16 : index
    %get3A_2105 = tpu.vector_load %arg7[%get3A_2102, %get3A_2103, %get3A_2104] {strides = array<i32>} : memref<4x5x128xf32, #tpu.memory_space<vmem>>, vector<1x1x16xf32>,
    %get3A_2106 = vector.shape_cast %get3A_2105 : vector<1x1x16xf32> to vector<16xf32>
    %sub3A_2107 = arith.subf %get3A_2099, %get3A_2085 : vector<16xf32>
    %mul3A_2108 = arith.mulf %sub3A_2107, %add3A_2011 : vector<16xf32>
    %sub3A_2109 = arith.subf %get3A_2106, %get3A_2092 : vector<16xf32>
    %mul3A_2110 = arith.mulf %sub3A_2109, %add3A_2011 : vector<16xf32>
    %max3A_2111 = arith.maximumf %max3A_2048, %mul3A_2108 : vector<16xf32>
    %max3A_2112 = arith.maximumf %max3A_2049, %mul3A_2110 : vector<16xf32>
    %le3A_2113 = arith.constant 5.120000e+02 : f32
    %le3A_2114 = vector.broadcast %le3A_2113 : f32 to vector<16xf32>
    %le3A_2115 = arith.cmpf ole, %mul3A_2110, %le3A_2114 : vector<16xf32>
    %le3A_2116 = arith.constant 5.120000e+02 : f32
    %le3A_2117 = vector.broadcast %le3A_2116 : f32 to vector<16xf32>
    %le3A_2118 = arith.cmpf ole, %mul3A_2108, %le3A_2117 : vector<16xf32>
    %and3A_2119 = arith.andi %le3A_2115, %le3A_2118 : vector<16xi1>
    %get3A_2120 = arith.constant 3 : i32
    %get3A_2121 = arith.constant 4 : i32
    %get3A_2122 = arith.index_cast %get3A_2120 : i32 to index
    %get3A_2123 = arith.index_cast %get3A_2121 : i32 to index
    %get3A_2124 = arith.constant 16 : index
    %get3A_2125 = tpu.vector_load %arg7[%get3A_2122, %get3A_2123, %get3A_2124] {strides = array<i32>} : memref<4x5x128xf32, #tpu.memory_space<vmem>>, vector<1x1x16xf32>,
    %get3A_2126 = vector.shape_cast %get3A_2125 : vector<1x1x16xf32> to vector<16xf32>
    %gt3A_2127 = arith.constant 5.000000e-01 : f32
    %gt3A_2128 = vector.broadcast %gt3A_2127 : f32 to vector<16xf32>
    %gt3A_2129 = arith.cmpf ogt, %get3A_2126, %gt3A_2128 : vector<16xf32>
    %and3A_2130 = arith.andi %and3A_2119, %gt3A_2129 : vector<16xi1>
    %jit3A_2131 = arith.constant 1 : i32
    %jit3A_2132 = arith.constant 0 : i32
    %broadcast_in_dim3A_2133 = vector.broadcast %jit3A_2131 : i32 to vector<16xi32>
    %broadcast_in_dim3A_2134 = vector.broadcast %jit3A_2132 : i32 to vector<16xi32>
    %select_n3A_2135 = arith.select %and3A_2130, %broadcast_in_dim3A_2133, %broadcast_in_dim3A_2134 : vector<16xi1>, vector<16xi32>
    %swap3A_2136 = arith.constant 3 : i32
    %swap3A_2137 = arith.index_cast %swap3A_2136 : i32 to index
    %swap3A_2138 = arith.constant 16 : index
    %swap3A_2139 = tpu.vector_load %arg8[%swap3A_2137, %swap3A_2138] {strides = array<i32>} : memref<4x144xi32, #tpu.memory_space<vmem>>, vector<1x16xi32>,
    %swap3A_2140 = vector.shape_cast %swap3A_2139 : vector<1x16xi32> to vector<16xi32>
    %swap3A_2141 = vector.shape_cast %select_n3A_2135 : vector<16xi32> to vector<1x16xi32>
    tpu.vector_store %arg8[%swap3A_2137, %swap3A_2138], %swap3A_2141 {strides = array<i32>} : memref<4x144xi32, #tpu.memory_space<vmem>>, vector<1x16xi32>,
    %get3A_2142 = arith.constant 3 : i32
    %get3A_2143 = arith.constant 0 : i32
    %get3A_2144 = arith.index_cast %get3A_2142 : i32 to index
    %get3A_2145 = arith.index_cast %get3A_2143 : i32 to index
    %get3A_2146 = arith.constant 32 : index
    %get3A_2147 = tpu.vector_load %arg7[%get3A_2144, %get3A_2145, %get3A_2146] {strides = array<i32>} : memref<4x5x128xf32, #tpu.memory_space<vmem>>, vector<1x1x16xf32>,
    %get3A_2148 = vector.shape_cast %get3A_2147 : vector<1x1x16xf32> to vector<16xf32>
    %get3A_2149 = arith.constant 3 : i32
    %get3A_2150 = arith.constant 1 : i32
    %get3A_2151 = arith.index_cast %get3A_2149 : i32 to index
    %get3A_2152 = arith.index_cast %get3A_2150 : i32 to index
    %get3A_2153 = arith.constant 32 : index
    %get3A_2154 = tpu.vector_load %arg7[%get3A_2151, %get3A_2152, %get3A_2153] {strides = array<i32>} : memref<4x5x128xf32, #tpu.memory_space<vmem>>, vector<1x1x16xf32>,
    %get3A_2155 = vector.shape_cast %get3A_2154 : vector<1x1x16xf32> to vector<16xf32>
    %get3A_2156 = arith.constant 3 : i32
    %get3A_2157 = arith.constant 2 : i32
    %get3A_2158 = arith.index_cast %get3A_2156 : i32 to index
    %get3A_2159 = arith.index_cast %get3A_2157 : i32 to index
    %get3A_2160 = arith.constant 32 : index
    %get3A_2161 = tpu.vector_load %arg7[%get3A_2158, %get3A_2159, %get3A_2160] {strides = array<i32>} : memref<4x5x128xf32, #tpu.memory_space<vmem>>, vector<1x1x16xf32>,
    %get3A_2162 = vector.shape_cast %get3A_2161 : vector<1x1x16xf32> to vector<16xf32>
    %get3A_2163 = arith.constant 3 : i32
    %get3A_2164 = arith.constant 3 : i32
    %get3A_2165 = arith.index_cast %get3A_2163 : i32 to index
    %get3A_2166 = arith.index_cast %get3A_2164 : i32 to index
    %get3A_2167 = arith.constant 32 : index
    %get3A_2168 = tpu.vector_load %arg7[%get3A_2165, %get3A_2166, %get3A_2167] {strides = array<i32>} : memref<4x5x128xf32, #tpu.memory_space<vmem>>, vector<1x1x16xf32>,
    %get3A_2169 = vector.shape_cast %get3A_2168 : vector<1x1x16xf32> to vector<16xf32>
    %sub3A_2170 = arith.subf %get3A_2162, %get3A_2148 : vector<16xf32>
    %mul3A_2171 = arith.mulf %sub3A_2170, %add3A_2011 : vector<16xf32>
    %sub3A_2172 = arith.subf %get3A_2169, %get3A_2155 : vector<16xf32>
    %mul3A_2173 = arith.mulf %sub3A_2172, %add3A_2011 : vector<16xf32>
    %max3A_2174 = arith.maximumf %max3A_2111, %mul3A_2171 : vector<16xf32>
    %max3A_2175 = arith.maximumf %max3A_2112, %mul3A_2173 : vector<16xf32>
    %le3A_2176 = arith.constant 5.120000e+02 : f32
    %le3A_2177 = vector.broadcast %le3A_2176 : f32 to vector<16xf32>
    %le3A_2178 = arith.cmpf ole, %mul3A_2173, %le3A_2177 : vector<16xf32>
    %le3A_2179 = arith.constant 5.120000e+02 : f32
    %le3A_2180 = vector.broadcast %le3A_2179 : f32 to vector<16xf32>
    %le3A_2181 = arith.cmpf ole, %mul3A_2171, %le3A_2180 : vector<16xf32>
    %and3A_2182 = arith.andi %le3A_2178, %le3A_2181 : vector<16xi1>
    %get3A_2183 = arith.constant 3 : i32
    %get3A_2184 = arith.constant 4 : i32
    %get3A_2185 = arith.index_cast %get3A_2183 : i32 to index
    %get3A_2186 = arith.index_cast %get3A_2184 : i32 to index
    %get3A_2187 = arith.constant 32 : index
    %get3A_2188 = tpu.vector_load %arg7[%get3A_2185, %get3A_2186, %get3A_2187] {strides = array<i32>} : memref<4x5x128xf32, #tpu.memory_space<vmem>>, vector<1x1x16xf32>,
    %get3A_2189 = vector.shape_cast %get3A_2188 : vector<1x1x16xf32> to vector<16xf32>
    %gt3A_2190 = arith.constant 5.000000e-01 : f32
    %gt3A_2191 = vector.broadcast %gt3A_2190 : f32 to vector<16xf32>
    %gt3A_2192 = arith.cmpf ogt, %get3A_2189, %gt3A_2191 : vector<16xf32>
    %and3A_2193 = arith.andi %and3A_2182, %gt3A_2192 : vector<16xi1>
    %jit3A_2194 = arith.constant 1 : i32
    %jit3A_2195 = arith.constant 0 : i32
    %broadcast_in_dim3A_2196 = vector.broadcast %jit3A_2194 : i32 to vector<16xi32>
    %broadcast_in_dim3A_2197 = vector.broadcast %jit3A_2195 : i32 to vector<16xi32>
    %select_n3A_2198 = arith.select %and3A_2193, %broadcast_in_dim3A_2196, %broadcast_in_dim3A_2197 : vector<16xi1>, vector<16xi32>
    %swap3A_2199 = arith.constant 3 : i32
    %swap3A_2200 = arith.index_cast %swap3A_2199 : i32 to index
    %swap3A_2201 = arith.constant 32 : index
    %swap3A_2202 = tpu.vector_load %arg8[%swap3A_2200, %swap3A_2201] {strides = array<i32>} : memref<4x144xi32, #tpu.memory_space<vmem>>, vector<1x16xi32>,
    %swap3A_2203 = vector.shape_cast %swap3A_2202 : vector<1x16xi32> to vector<16xi32>
    %swap3A_2204 = vector.shape_cast %select_n3A_2198 : vector<16xi32> to vector<1x16xi32>
    tpu.vector_store %arg8[%swap3A_2200, %swap3A_2201], %swap3A_2204 {strides = array<i32>} : memref<4x144xi32, #tpu.memory_space<vmem>>, vector<1x16xi32>,
    %get3A_2205 = arith.constant 3 : i32
    %get3A_2206 = arith.constant 0 : i32
    %get3A_2207 = arith.index_cast %get3A_2205 : i32 to index
    %get3A_2208 = arith.index_cast %get3A_2206 : i32 to index
    %get3A_2209 = arith.constant 48 : index
    %get3A_2210 = tpu.vector_load %arg7[%get3A_2207, %get3A_2208, %get3A_2209] {strides = array<i32>} : memref<4x5x128xf32, #tpu.memory_space<vmem>>, vector<1x1x16xf32>,
    %get3A_2211 = vector.shape_cast %get3A_2210 : vector<1x1x16xf32> to vector<16xf32>
    %get3A_2212 = arith.constant 3 : i32
    %get3A_2213 = arith.constant 1 : i32
    %get3A_2214 = arith.index_cast %get3A_2212 : i32 to index
    %get3A_2215 = arith.index_cast %get3A_2213 : i32 to index
    %get3A_2216 = arith.constant 48 : index
    %get3A_2217 = tpu.vector_load %arg7[%get3A_2214, %get3A_2215, %get3A_2216] {strides = array<i32>} : memref<4x5x128xf32, #tpu.memory_space<vmem>>, vector<1x1x16xf32>,
    %get3A_2218 = vector.shape_cast %get3A_2217 : vector<1x1x16xf32> to vector<16xf32>
    %get3A_2219 = arith.constant 3 : i32
    %get3A_2220 = arith.constant 2 : i32
    %get3A_2221 = arith.index_cast %get3A_2219 : i32 to index
    %get3A_2222 = arith.index_cast %get3A_2220 : i32 to index
    %get3A_2223 = arith.constant 48 : index
    %get3A_2224 = tpu.vector_load %arg7[%get3A_2221, %get3A_2222, %get3A_2223] {strides = array<i32>} : memref<4x5x128xf32, #tpu.memory_space<vmem>>, vector<1x1x16xf32>,
    %get3A_2225 = vector.shape_cast %get3A_2224 : vector<1x1x16xf32> to vector<16xf32>
    %get3A_2226 = arith.constant 3 : i32
    %get3A_2227 = arith.constant 3 : i32
    %get3A_2228 = arith.index_cast %get3A_2226 : i32 to index
    %get3A_2229 = arith.index_cast %get3A_2227 : i32 to index
    %get3A_2230 = arith.constant 48 : index
    %get3A_2231 = tpu.vector_load %arg7[%get3A_2228, %get3A_2229, %get3A_2230] {strides = array<i32>} : memref<4x5x128xf32, #tpu.memory_space<vmem>>, vector<1x1x16xf32>,
    %get3A_2232 = vector.shape_cast %get3A_2231 : vector<1x1x16xf32> to vector<16xf32>
    %sub3A_2233 = arith.subf %get3A_2225, %get3A_2211 : vector<16xf32>
    %mul3A_2234 = arith.mulf %sub3A_2233, %add3A_2011 : vector<16xf32>
    %sub3A_2235 = arith.subf %get3A_2232, %get3A_2218 : vector<16xf32>
    %mul3A_2236 = arith.mulf %sub3A_2235, %add3A_2011 : vector<16xf32>
    %max3A_2237 = arith.maximumf %max3A_2174, %mul3A_2234 : vector<16xf32>
    %max3A_2238 = arith.maximumf %max3A_2175, %mul3A_2236 : vector<16xf32>
    %le3A_2239 = arith.constant 5.120000e+02 : f32
    %le3A_2240 = vector.broadcast %le3A_2239 : f32 to vector<16xf32>
    %le3A_2241 = arith.cmpf ole, %mul3A_2236, %le3A_2240 : vector<16xf32>
    %le3A_2242 = arith.constant 5.120000e+02 : f32
    %le3A_2243 = vector.broadcast %le3A_2242 : f32 to vector<16xf32>
    %le3A_2244 = arith.cmpf ole, %mul3A_2234, %le3A_2243 : vector<16xf32>
    %and3A_2245 = arith.andi %le3A_2241, %le3A_2244 : vector<16xi1>
    %get3A_2246 = arith.constant 3 : i32
    %get3A_2247 = arith.constant 4 : i32
    %get3A_2248 = arith.index_cast %get3A_2246 : i32 to index
    %get3A_2249 = arith.index_cast %get3A_2247 : i32 to index
    %get3A_2250 = arith.constant 48 : index
    %get3A_2251 = tpu.vector_load %arg7[%get3A_2248, %get3A_2249, %get3A_2250] {strides = array<i32>} : memref<4x5x128xf32, #tpu.memory_space<vmem>>, vector<1x1x16xf32>,
    %get3A_2252 = vector.shape_cast %get3A_2251 : vector<1x1x16xf32> to vector<16xf32>
    %gt3A_2253 = arith.constant 5.000000e-01 : f32
    %gt3A_2254 = vector.broadcast %gt3A_2253 : f32 to vector<16xf32>
    %gt3A_2255 = arith.cmpf ogt, %get3A_2252, %gt3A_2254 : vector<16xf32>
    %and3A_2256 = arith.andi %and3A_2245, %gt3A_2255 : vector<16xi1>
    %jit3A_2257 = arith.constant 1 : i32
    %jit3A_2258 = arith.constant 0 : i32
    %broadcast_in_dim3A_2259 = vector.broadcast %jit3A_2257 : i32 to vector<16xi32>
    %broadcast_in_dim3A_2260 = vector.broadcast %jit3A_2258 : i32 to vector<16xi32>
    %select_n3A_2261 = arith.select %and3A_2256, %broadcast_in_dim3A_2259, %broadcast_in_dim3A_2260 : vector<16xi1>, vector<16xi32>
    %swap3A_2262 = arith.constant 3 : i32
    %swap3A_2263 = arith.index_cast %swap3A_2262 : i32 to index
    %swap3A_2264 = arith.constant 48 : index
    %swap3A_2265 = tpu.vector_load %arg8[%swap3A_2263, %swap3A_2264] {strides = array<i32>} : memref<4x144xi32, #tpu.memory_space<vmem>>, vector<1x16xi32>,
    %swap3A_2266 = vector.shape_cast %swap3A_2265 : vector<1x16xi32> to vector<16xi32>
    %swap3A_2267 = vector.shape_cast %select_n3A_2261 : vector<16xi32> to vector<1x16xi32>
    tpu.vector_store %arg8[%swap3A_2263, %swap3A_2264], %swap3A_2267 {strides = array<i32>} : memref<4x144xi32, #tpu.memory_space<vmem>>, vector<1x16xi32>,
    %get3A_2268 = arith.constant 3 : i32
    %get3A_2269 = arith.constant 0 : i32
    %get3A_2270 = arith.index_cast %get3A_2268 : i32 to index
    %get3A_2271 = arith.index_cast %get3A_2269 : i32 to index
    %get3A_2272 = arith.constant 64 : index
    %get3A_2273 = tpu.vector_load %arg7[%get3A_2270, %get3A_2271, %get3A_2272] {strides = array<i32>} : memref<4x5x128xf32, #tpu.memory_space<vmem>>, vector<1x1x16xf32>,
    %get3A_2274 = vector.shape_cast %get3A_2273 : vector<1x1x16xf32> to vector<16xf32>
    %get3A_2275 = arith.constant 3 : i32
    %get3A_2276 = arith.constant 1 : i32
    %get3A_2277 = arith.index_cast %get3A_2275 : i32 to index
    %get3A_2278 = arith.index_cast %get3A_2276 : i32 to index
    %get3A_2279 = arith.constant 64 : index
    %get3A_2280 = tpu.vector_load %arg7[%get3A_2277, %get3A_2278, %get3A_2279] {strides = array<i32>} : memref<4x5x128xf32, #tpu.memory_space<vmem>>, vector<1x1x16xf32>,
    %get3A_2281 = vector.shape_cast %get3A_2280 : vector<1x1x16xf32> to vector<16xf32>
    %get3A_2282 = arith.constant 3 : i32
    %get3A_2283 = arith.constant 2 : i32
    %get3A_2284 = arith.index_cast %get3A_2282 : i32 to index
    %get3A_2285 = arith.index_cast %get3A_2283 : i32 to index
    %get3A_2286 = arith.constant 64 : index
    %get3A_2287 = tpu.vector_load %arg7[%get3A_2284, %get3A_2285, %get3A_2286] {strides = array<i32>} : memref<4x5x128xf32, #tpu.memory_space<vmem>>, vector<1x1x16xf32>,
    %get3A_2288 = vector.shape_cast %get3A_2287 : vector<1x1x16xf32> to vector<16xf32>
    %get3A_2289 = arith.constant 3 : i32
    %get3A_2290 = arith.constant 3 : i32
    %get3A_2291 = arith.index_cast %get3A_2289 : i32 to index
    %get3A_2292 = arith.index_cast %get3A_2290 : i32 to index
    %get3A_2293 = arith.constant 64 : index
    %get3A_2294 = tpu.vector_load %arg7[%get3A_2291, %get3A_2292, %get3A_2293] {strides = array<i32>} : memref<4x5x128xf32, #tpu.memory_space<vmem>>, vector<1x1x16xf32>,
    %get3A_2295 = vector.shape_cast %get3A_2294 : vector<1x1x16xf32> to vector<16xf32>
    %sub3A_2296 = arith.subf %get3A_2288, %get3A_2274 : vector<16xf32>
    %mul3A_2297 = arith.mulf %sub3A_2296, %add3A_2011 : vector<16xf32>
    %sub3A_2298 = arith.subf %get3A_2295, %get3A_2281 : vector<16xf32>
    %mul3A_2299 = arith.mulf %sub3A_2298, %add3A_2011 : vector<16xf32>
    %max3A_2300 = arith.maximumf %max3A_2237, %mul3A_2297 : vector<16xf32>
    %max3A_2301 = arith.maximumf %max3A_2238, %mul3A_2299 : vector<16xf32>
    %le3A_2302 = arith.constant 5.120000e+02 : f32
    %le3A_2303 = vector.broadcast %le3A_2302 : f32 to vector<16xf32>
    %le3A_2304 = arith.cmpf ole, %mul3A_2299, %le3A_2303 : vector<16xf32>
    %le3A_2305 = arith.constant 5.120000e+02 : f32
    %le3A_2306 = vector.broadcast %le3A_2305 : f32 to vector<16xf32>
    %le3A_2307 = arith.cmpf ole, %mul3A_2297, %le3A_2306 : vector<16xf32>
    %and3A_2308 = arith.andi %le3A_2304, %le3A_2307 : vector<16xi1>
    %get3A_2309 = arith.constant 3 : i32
    %get3A_2310 = arith.constant 4 : i32
    %get3A_2311 = arith.index_cast %get3A_2309 : i32 to index
    %get3A_2312 = arith.index_cast %get3A_2310 : i32 to index
    %get3A_2313 = arith.constant 64 : index
    %get3A_2314 = tpu.vector_load %arg7[%get3A_2311, %get3A_2312, %get3A_2313] {strides = array<i32>} : memref<4x5x128xf32, #tpu.memory_space<vmem>>, vector<1x1x16xf32>,
    %get3A_2315 = vector.shape_cast %get3A_2314 : vector<1x1x16xf32> to vector<16xf32>
    %gt3A_2316 = arith.constant 5.000000e-01 : f32
    %gt3A_2317 = vector.broadcast %gt3A_2316 : f32 to vector<16xf32>
    %gt3A_2318 = arith.cmpf ogt, %get3A_2315, %gt3A_2317 : vector<16xf32>
    %and3A_2319 = arith.andi %and3A_2308, %gt3A_2318 : vector<16xi1>
    %jit3A_2320 = arith.constant 1 : i32
    %jit3A_2321 = arith.constant 0 : i32
    %broadcast_in_dim3A_2322 = vector.broadcast %jit3A_2320 : i32 to vector<16xi32>
    %broadcast_in_dim3A_2323 = vector.broadcast %jit3A_2321 : i32 to vector<16xi32>
    %select_n3A_2324 = arith.select %and3A_2319, %broadcast_in_dim3A_2322, %broadcast_in_dim3A_2323 : vector<16xi1>, vector<16xi32>
    %swap3A_2325 = arith.constant 3 : i32
    %swap3A_2326 = arith.index_cast %swap3A_2325 : i32 to index
    %swap3A_2327 = arith.constant 64 : index
    %swap3A_2328 = tpu.vector_load %arg8[%swap3A_2326, %swap3A_2327] {strides = array<i32>} : memref<4x144xi32, #tpu.memory_space<vmem>>, vector<1x16xi32>,
    %swap3A_2329 = vector.shape_cast %swap3A_2328 : vector<1x16xi32> to vector<16xi32>
    %swap3A_2330 = vector.shape_cast %select_n3A_2324 : vector<16xi32> to vector<1x16xi32>
    tpu.vector_store %arg8[%swap3A_2326, %swap3A_2327], %swap3A_2330 {strides = array<i32>} : memref<4x144xi32, #tpu.memory_space<vmem>>, vector<1x16xi32>,
    %get3A_2331 = arith.constant 3 : i32
    %get3A_2332 = arith.constant 0 : i32
    %get3A_2333 = arith.index_cast %get3A_2331 : i32 to index
    %get3A_2334 = arith.index_cast %get3A_2332 : i32 to index
    %get3A_2335 = arith.constant 80 : index
    %get3A_2336 = tpu.vector_load %arg7[%get3A_2333, %get3A_2334, %get3A_2335] {strides = array<i32>} : memref<4x5x128xf32, #tpu.memory_space<vmem>>, vector<1x1x16xf32>,
    %get3A_2337 = vector.shape_cast %get3A_2336 : vector<1x1x16xf32> to vector<16xf32>
    %get3A_2338 = arith.constant 3 : i32
    %get3A_2339 = arith.constant 1 : i32
    %get3A_2340 = arith.index_cast %get3A_2338 : i32 to index
    %get3A_2341 = arith.index_cast %get3A_2339 : i32 to index
    %get3A_2342 = arith.constant 80 : index
    %get3A_2343 = tpu.vector_load %arg7[%get3A_2340, %get3A_2341, %get3A_2342] {strides = array<i32>} : memref<4x5x128xf32, #tpu.memory_space<vmem>>, vector<1x1x16xf32>,
    %get3A_2344 = vector.shape_cast %get3A_2343 : vector<1x1x16xf32> to vector<16xf32>
    %get3A_2345 = arith.constant 3 : i32
    %get3A_2346 = arith.constant 2 : i32
    %get3A_2347 = arith.index_cast %get3A_2345 : i32 to index
    %get3A_2348 = arith.index_cast %get3A_2346 : i32 to index
    %get3A_2349 = arith.constant 80 : index
    %get3A_2350 = tpu.vector_load %arg7[%get3A_2347, %get3A_2348, %get3A_2349] {strides = array<i32>} : memref<4x5x128xf32, #tpu.memory_space<vmem>>, vector<1x1x16xf32>,
    %get3A_2351 = vector.shape_cast %get3A_2350 : vector<1x1x16xf32> to vector<16xf32>
    %get3A_2352 = arith.constant 3 : i32
    %get3A_2353 = arith.constant 3 : i32
    %get3A_2354 = arith.index_cast %get3A_2352 : i32 to index
    %get3A_2355 = arith.index_cast %get3A_2353 : i32 to index
    %get3A_2356 = arith.constant 80 : index
    %get3A_2357 = tpu.vector_load %arg7[%get3A_2354, %get3A_2355, %get3A_2356] {strides = array<i32>} : memref<4x5x128xf32, #tpu.memory_space<vmem>>, vector<1x1x16xf32>,
    %get3A_2358 = vector.shape_cast %get3A_2357 : vector<1x1x16xf32> to vector<16xf32>
    %sub3A_2359 = arith.subf %get3A_2351, %get3A_2337 : vector<16xf32>
    %mul3A_2360 = arith.mulf %sub3A_2359, %add3A_2011 : vector<16xf32>
    %sub3A_2361 = arith.subf %get3A_2358, %get3A_2344 : vector<16xf32>
    %mul3A_2362 = arith.mulf %sub3A_2361, %add3A_2011 : vector<16xf32>
    %max3A_2363 = arith.maximumf %max3A_2300, %mul3A_2360 : vector<16xf32>
    %max3A_2364 = arith.maximumf %max3A_2301, %mul3A_2362 : vector<16xf32>
    %le3A_2365 = arith.constant 5.120000e+02 : f32
    %le3A_2366 = vector.broadcast %le3A_2365 : f32 to vector<16xf32>
    %le3A_2367 = arith.cmpf ole, %mul3A_2362, %le3A_2366 : vector<16xf32>
    %le3A_2368 = arith.constant 5.120000e+02 : f32
    %le3A_2369 = vector.broadcast %le3A_2368 : f32 to vector<16xf32>
    %le3A_2370 = arith.cmpf ole, %mul3A_2360, %le3A_2369 : vector<16xf32>
    %and3A_2371 = arith.andi %le3A_2367, %le3A_2370 : vector<16xi1>
    %get3A_2372 = arith.constant 3 : i32
    %get3A_2373 = arith.constant 4 : i32
    %get3A_2374 = arith.index_cast %get3A_2372 : i32 to index
    %get3A_2375 = arith.index_cast %get3A_2373 : i32 to index
    %get3A_2376 = arith.constant 80 : index
    %get3A_2377 = tpu.vector_load %arg7[%get3A_2374, %get3A_2375, %get3A_2376] {strides = array<i32>} : memref<4x5x128xf32, #tpu.memory_space<vmem>>, vector<1x1x16xf32>,
    %get3A_2378 = vector.shape_cast %get3A_2377 : vector<1x1x16xf32> to vector<16xf32>
    %gt3A_2379 = arith.constant 5.000000e-01 : f32
    %gt3A_2380 = vector.broadcast %gt3A_2379 : f32 to vector<16xf32>
    %gt3A_2381 = arith.cmpf ogt, %get3A_2378, %gt3A_2380 : vector<16xf32>
    %and3A_2382 = arith.andi %and3A_2371, %gt3A_2381 : vector<16xi1>
    %jit3A_2383 = arith.constant 1 : i32
    %jit3A_2384 = arith.constant 0 : i32
    %broadcast_in_dim3A_2385 = vector.broadcast %jit3A_2383 : i32 to vector<16xi32>
    %broadcast_in_dim3A_2386 = vector.broadcast %jit3A_2384 : i32 to vector<16xi32>
    %select_n3A_2387 = arith.select %and3A_2382, %broadcast_in_dim3A_2385, %broadcast_in_dim3A_2386 : vector<16xi1>, vector<16xi32>
    %swap3A_2388 = arith.constant 3 : i32
    %swap3A_2389 = arith.index_cast %swap3A_2388 : i32 to index
    %swap3A_2390 = arith.constant 80 : index
    %swap3A_2391 = tpu.vector_load %arg8[%swap3A_2389, %swap3A_2390] {strides = array<i32>} : memref<4x144xi32, #tpu.memory_space<vmem>>, vector<1x16xi32>,
    %swap3A_2392 = vector.shape_cast %swap3A_2391 : vector<1x16xi32> to vector<16xi32>
    %swap3A_2393 = vector.shape_cast %select_n3A_2387 : vector<16xi32> to vector<1x16xi32>
    tpu.vector_store %arg8[%swap3A_2389, %swap3A_2390], %swap3A_2393 {strides = array<i32>} : memref<4x144xi32, #tpu.memory_space<vmem>>, vector<1x16xi32>,
    %get3A_2394 = arith.constant 3 : i32
    %get3A_2395 = arith.constant 0 : i32
    %get3A_2396 = arith.index_cast %get3A_2394 : i32 to index
    %get3A_2397 = arith.index_cast %get3A_2395 : i32 to index
    %get3A_2398 = arith.constant 96 : index
    %get3A_2399 = tpu.vector_load %arg7[%get3A_2396, %get3A_2397, %get3A_2398] {strides = array<i32>} : memref<4x5x128xf32, #tpu.memory_space<vmem>>, vector<1x1x16xf32>,
    %get3A_2400 = vector.shape_cast %get3A_2399 : vector<1x1x16xf32> to vector<16xf32>
    %get3A_2401 = arith.constant 3 : i32
    %get3A_2402 = arith.constant 1 : i32
    %get3A_2403 = arith.index_cast %get3A_2401 : i32 to index
    %get3A_2404 = arith.index_cast %get3A_2402 : i32 to index
    %get3A_2405 = arith.constant 96 : index
    %get3A_2406 = tpu.vector_load %arg7[%get3A_2403, %get3A_2404, %get3A_2405] {strides = array<i32>} : memref<4x5x128xf32, #tpu.memory_space<vmem>>, vector<1x1x16xf32>,
    %get3A_2407 = vector.shape_cast %get3A_2406 : vector<1x1x16xf32> to vector<16xf32>
    %get3A_2408 = arith.constant 3 : i32
    %get3A_2409 = arith.constant 2 : i32
    %get3A_2410 = arith.index_cast %get3A_2408 : i32 to index
    %get3A_2411 = arith.index_cast %get3A_2409 : i32 to index
    %get3A_2412 = arith.constant 96 : index
    %get3A_2413 = tpu.vector_load %arg7[%get3A_2410, %get3A_2411, %get3A_2412] {strides = array<i32>} : memref<4x5x128xf32, #tpu.memory_space<vmem>>, vector<1x1x16xf32>,
    %get3A_2414 = vector.shape_cast %get3A_2413 : vector<1x1x16xf32> to vector<16xf32>
    %get3A_2415 = arith.constant 3 : i32
    %get3A_2416 = arith.constant 3 : i32
    %get3A_2417 = arith.index_cast %get3A_2415 : i32 to index
    %get3A_2418 = arith.index_cast %get3A_2416 : i32 to index
    %get3A_2419 = arith.constant 96 : index
    %get3A_2420 = tpu.vector_load %arg7[%get3A_2417, %get3A_2418, %get3A_2419] {strides = array<i32>} : memref<4x5x128xf32, #tpu.memory_space<vmem>>, vector<1x1x16xf32>,
    %get3A_2421 = vector.shape_cast %get3A_2420 : vector<1x1x16xf32> to vector<16xf32>
    %sub3A_2422 = arith.subf %get3A_2414, %get3A_2400 : vector<16xf32>
    %mul3A_2423 = arith.mulf %sub3A_2422, %add3A_2011 : vector<16xf32>
    %sub3A_2424 = arith.subf %get3A_2421, %get3A_2407 : vector<16xf32>
    %mul3A_2425 = arith.mulf %sub3A_2424, %add3A_2011 : vector<16xf32>
    %max3A_2426 = arith.maximumf %max3A_2363, %mul3A_2423 : vector<16xf32>
    %max3A_2427 = arith.maximumf %max3A_2364, %mul3A_2425 : vector<16xf32>
    %le3A_2428 = arith.constant 5.120000e+02 : f32
    %le3A_2429 = vector.broadcast %le3A_2428 : f32 to vector<16xf32>
    %le3A_2430 = arith.cmpf ole, %mul3A_2425, %le3A_2429 : vector<16xf32>
    %le3A_2431 = arith.constant 5.120000e+02 : f32
    %le3A_2432 = vector.broadcast %le3A_2431 : f32 to vector<16xf32>
    %le3A_2433 = arith.cmpf ole, %mul3A_2423, %le3A_2432 : vector<16xf32>
    %and3A_2434 = arith.andi %le3A_2430, %le3A_2433 : vector<16xi1>
    %get3A_2435 = arith.constant 3 : i32
    %get3A_2436 = arith.constant 4 : i32
    %get3A_2437 = arith.index_cast %get3A_2435 : i32 to index
    %get3A_2438 = arith.index_cast %get3A_2436 : i32 to index
    %get3A_2439 = arith.constant 96 : index
    %get3A_2440 = tpu.vector_load %arg7[%get3A_2437, %get3A_2438, %get3A_2439] {strides = array<i32>} : memref<4x5x128xf32, #tpu.memory_space<vmem>>, vector<1x1x16xf32>,
    %get3A_2441 = vector.shape_cast %get3A_2440 : vector<1x1x16xf32> to vector<16xf32>
    %gt3A_2442 = arith.constant 5.000000e-01 : f32
    %gt3A_2443 = vector.broadcast %gt3A_2442 : f32 to vector<16xf32>
    %gt3A_2444 = arith.cmpf ogt, %get3A_2441, %gt3A_2443 : vector<16xf32>
    %and3A_2445 = arith.andi %and3A_2434, %gt3A_2444 : vector<16xi1>
    %jit3A_2446 = arith.constant 1 : i32
    %jit3A_2447 = arith.constant 0 : i32
    %broadcast_in_dim3A_2448 = vector.broadcast %jit3A_2446 : i32 to vector<16xi32>
    %broadcast_in_dim3A_2449 = vector.broadcast %jit3A_2447 : i32 to vector<16xi32>
    %select_n3A_2450 = arith.select %and3A_2445, %broadcast_in_dim3A_2448, %broadcast_in_dim3A_2449 : vector<16xi1>, vector<16xi32>
    %swap3A_2451 = arith.constant 3 : i32
    %swap3A_2452 = arith.index_cast %swap3A_2451 : i32 to index
    %swap3A_2453 = arith.constant 96 : index
    %swap3A_2454 = tpu.vector_load %arg8[%swap3A_2452, %swap3A_2453] {strides = array<i32>} : memref<4x144xi32, #tpu.memory_space<vmem>>, vector<1x16xi32>,
    %swap3A_2455 = vector.shape_cast %swap3A_2454 : vector<1x16xi32> to vector<16xi32>
    %swap3A_2456 = vector.shape_cast %select_n3A_2450 : vector<16xi32> to vector<1x16xi32>
    tpu.vector_store %arg8[%swap3A_2452, %swap3A_2453], %swap3A_2456 {strides = array<i32>} : memref<4x144xi32, #tpu.memory_space<vmem>>, vector<1x16xi32>,
    %get3A_2457 = arith.constant 3 : i32
    %get3A_2458 = arith.constant 0 : i32
    %get3A_2459 = arith.index_cast %get3A_2457 : i32 to index
    %get3A_2460 = arith.index_cast %get3A_2458 : i32 to index
    %get3A_2461 = arith.constant 112 : index
    %get3A_2462 = tpu.vector_load %arg7[%get3A_2459, %get3A_2460, %get3A_2461] {strides = array<i32>} : memref<4x5x128xf32, #tpu.memory_space<vmem>>, vector<1x1x16xf32>,
    %get3A_2463 = vector.shape_cast %get3A_2462 : vector<1x1x16xf32> to vector<16xf32>
    %get3A_2464 = arith.constant 3 : i32
    %get3A_2465 = arith.constant 1 : i32
    %get3A_2466 = arith.index_cast %get3A_2464 : i32 to index
    %get3A_2467 = arith.index_cast %get3A_2465 : i32 to index
    %get3A_2468 = arith.constant 112 : index
    %get3A_2469 = tpu.vector_load %arg7[%get3A_2466, %get3A_2467, %get3A_2468] {strides = array<i32>} : memref<4x5x128xf32, #tpu.memory_space<vmem>>, vector<1x1x16xf32>,
    %get3A_2470 = vector.shape_cast %get3A_2469 : vector<1x1x16xf32> to vector<16xf32>
    %get3A_2471 = arith.constant 3 : i32
    %get3A_2472 = arith.constant 2 : i32
    %get3A_2473 = arith.index_cast %get3A_2471 : i32 to index
    %get3A_2474 = arith.index_cast %get3A_2472 : i32 to index
    %get3A_2475 = arith.constant 112 : index
    %get3A_2476 = tpu.vector_load %arg7[%get3A_2473, %get3A_2474, %get3A_2475] {strides = array<i32>} : memref<4x5x128xf32, #tpu.memory_space<vmem>>, vector<1x1x16xf32>,
    %get3A_2477 = vector.shape_cast %get3A_2476 : vector<1x1x16xf32> to vector<16xf32>
    %get3A_2478 = arith.constant 3 : i32
    %get3A_2479 = arith.constant 3 : i32
    %get3A_2480 = arith.index_cast %get3A_2478 : i32 to index
    %get3A_2481 = arith.index_cast %get3A_2479 : i32 to index
    %get3A_2482 = arith.constant 112 : index
    %get3A_2483 = tpu.vector_load %arg7[%get3A_2480, %get3A_2481, %get3A_2482] {strides = array<i32>} : memref<4x5x128xf32, #tpu.memory_space<vmem>>, vector<1x1x16xf32>,
    %get3A_2484 = vector.shape_cast %get3A_2483 : vector<1x1x16xf32> to vector<16xf32>
    %sub3A_2485 = arith.subf %get3A_2477, %get3A_2463 : vector<16xf32>
    %mul3A_2486 = arith.mulf %sub3A_2485, %add3A_2011 : vector<16xf32>
    %sub3A_2487 = arith.subf %get3A_2484, %get3A_2470 : vector<16xf32>
    %mul3A_2488 = arith.mulf %sub3A_2487, %add3A_2011 : vector<16xf32>
    %max3A_2489 = arith.maximumf %max3A_2426, %mul3A_2486 : vector<16xf32>
    %max3A_2490 = arith.maximumf %max3A_2427, %mul3A_2488 : vector<16xf32>
    %le3A_2491 = arith.constant 5.120000e+02 : f32
    %le3A_2492 = vector.broadcast %le3A_2491 : f32 to vector<16xf32>
    %le3A_2493 = arith.cmpf ole, %mul3A_2488, %le3A_2492 : vector<16xf32>
    %le3A_2494 = arith.constant 5.120000e+02 : f32
    %le3A_2495 = vector.broadcast %le3A_2494 : f32 to vector<16xf32>
    %le3A_2496 = arith.cmpf ole, %mul3A_2486, %le3A_2495 : vector<16xf32>
    %and3A_2497 = arith.andi %le3A_2493, %le3A_2496 : vector<16xi1>
    %get3A_2498 = arith.constant 3 : i32
    %get3A_2499 = arith.constant 4 : i32
    %get3A_2500 = arith.index_cast %get3A_2498 : i32 to index
    %get3A_2501 = arith.index_cast %get3A_2499 : i32 to index
    %get3A_2502 = arith.constant 112 : index
    %get3A_2503 = tpu.vector_load %arg7[%get3A_2500, %get3A_2501, %get3A_2502] {strides = array<i32>} : memref<4x5x128xf32, #tpu.memory_space<vmem>>, vector<1x1x16xf32>,
    %get3A_2504 = vector.shape_cast %get3A_2503 : vector<1x1x16xf32> to vector<16xf32>
    %gt3A_2505 = arith.constant 5.000000e-01 : f32
    %gt3A_2506 = vector.broadcast %gt3A_2505 : f32 to vector<16xf32>
    %gt3A_2507 = arith.cmpf ogt, %get3A_2504, %gt3A_2506 : vector<16xf32>
    %and3A_2508 = arith.andi %and3A_2497, %gt3A_2507 : vector<16xi1>
    %jit3A_2509 = arith.constant 1 : i32
    %jit3A_2510 = arith.constant 0 : i32
    %broadcast_in_dim3A_2511 = vector.broadcast %jit3A_2509 : i32 to vector<16xi32>
    %broadcast_in_dim3A_2512 = vector.broadcast %jit3A_2510 : i32 to vector<16xi32>
    %select_n3A_2513 = arith.select %and3A_2508, %broadcast_in_dim3A_2511, %broadcast_in_dim3A_2512 : vector<16xi1>, vector<16xi32>
    %swap3A_2514 = arith.constant 3 : i32
    %swap3A_2515 = arith.index_cast %swap3A_2514 : i32 to index
    %swap3A_2516 = arith.constant 112 : index
    %swap3A_2517 = tpu.vector_load %arg8[%swap3A_2515, %swap3A_2516] {strides = array<i32>} : memref<4x144xi32, #tpu.memory_space<vmem>>, vector<1x16xi32>,
    %swap3A_2518 = vector.shape_cast %swap3A_2517 : vector<1x16xi32> to vector<16xi32>
    %swap3A_2519 = vector.shape_cast %select_n3A_2513 : vector<16xi32> to vector<1x16xi32>
    tpu.vector_store %arg8[%swap3A_2515, %swap3A_2516], %swap3A_2519 {strides = array<i32>} : memref<4x144xi32, #tpu.memory_space<vmem>>, vector<1x16xi32>,
    %xor3A_2520 = arith.constant 1 : i32
    %xor3A_2521 = vector.broadcast %xor3A_2520 : i32 to vector<16xi32>
    %xor3A_2522 = arith.xori %iota3A, %xor3A_2521 : vector<16xi32>
    %broadcast_in_dim3A_2523 = vector.shape_cast %xor3A_2522 : vector<16xi32> to vector<16x1xi32>
    %gather3A_2524 = vector.shape_cast %broadcast_in_dim3A_2523 : vector<16x1xi32> to vector<16xi32>
    %gather3A_2525 = tpu.dynamic_gather %max3A_2490[%gather3A_2524] in [0] : vector<16xf32>, vector<16xi32> -> vector<16xf32>
    %max3A_2526 = arith.maximumf %max3A_2490, %gather3A_2525 : vector<16xf32>
    %xor3A_2527 = arith.constant 2 : i32
    %xor3A_2528 = vector.broadcast %xor3A_2527 : i32 to vector<16xi32>
    %xor3A_2529 = arith.xori %iota3A, %xor3A_2528 : vector<16xi32>
    %broadcast_in_dim3A_2530 = vector.shape_cast %xor3A_2529 : vector<16xi32> to vector<16x1xi32>
    %gather3A_2531 = vector.shape_cast %broadcast_in_dim3A_2530 : vector<16x1xi32> to vector<16xi32>
    %gather3A_2532 = tpu.dynamic_gather %max3A_2526[%gather3A_2531] in [0] : vector<16xf32>, vector<16xi32> -> vector<16xf32>
    %max3A_2533 = arith.maximumf %max3A_2526, %gather3A_2532 : vector<16xf32>
    %xor3A_2534 = arith.constant 4 : i32
    %xor3A_2535 = vector.broadcast %xor3A_2534 : i32 to vector<16xi32>
    %xor3A_2536 = arith.xori %iota3A, %xor3A_2535 : vector<16xi32>
    %broadcast_in_dim3A_2537 = vector.shape_cast %xor3A_2536 : vector<16xi32> to vector<16x1xi32>
    %gather3A_2538 = vector.shape_cast %broadcast_in_dim3A_2537 : vector<16x1xi32> to vector<16xi32>
    %gather3A_2539 = tpu.dynamic_gather %max3A_2533[%gather3A_2538] in [0] : vector<16xf32>, vector<16xi32> -> vector<16xf32>
    %max3A_2540 = arith.maximumf %max3A_2533, %gather3A_2539 : vector<16xf32>
    %xor3A_2541 = arith.constant 8 : i32
    %xor3A_2542 = vector.broadcast %xor3A_2541 : i32 to vector<16xi32>
    %xor3A_2543 = arith.xori %iota3A, %xor3A_2542 : vector<16xi32>
    %broadcast_in_dim3A_2544 = vector.shape_cast %xor3A_2543 : vector<16xi32> to vector<16x1xi32>
    %gather3A_2545 = vector.shape_cast %broadcast_in_dim3A_2544 : vector<16x1xi32> to vector<16xi32>
    %gather3A_2546 = tpu.dynamic_gather %max3A_2540[%gather3A_2545] in [0] : vector<16xf32>, vector<16xi32> -> vector<16xf32>
    %max3A_2547 = arith.maximumf %max3A_2540, %gather3A_2546 : vector<16xf32>
    %xor3A_2548 = arith.constant 1 : i32
    %xor3A_2549 = vector.broadcast %xor3A_2548 : i32 to vector<16xi32>
    %xor3A_2550 = arith.xori %iota3A, %xor3A_2549 : vector<16xi32>
    %broadcast_in_dim3A_2551 = vector.shape_cast %xor3A_2550 : vector<16xi32> to vector<16x1xi32>
    %gather3A_2552 = vector.shape_cast %broadcast_in_dim3A_2551 : vector<16x1xi32> to vector<16xi32>
    %gather3A_2553 = tpu.dynamic_gather %max3A_2489[%gather3A_2552] in [0] : vector<16xf32>, vector<16xi32> -> vector<16xf32>
    %max3A_2554 = arith.maximumf %max3A_2489, %gather3A_2553 : vector<16xf32>
    %xor3A_2555 = arith.constant 2 : i32
    %xor3A_2556 = vector.broadcast %xor3A_2555 : i32 to vector<16xi32>
    %xor3A_2557 = arith.xori %iota3A, %xor3A_2556 : vector<16xi32>
    %broadcast_in_dim3A_2558 = vector.shape_cast %xor3A_2557 : vector<16xi32> to vector<16x1xi32>
    %gather3A_2559 = vector.shape_cast %broadcast_in_dim3A_2558 : vector<16x1xi32> to vector<16xi32>
    %gather3A_2560 = tpu.dynamic_gather %max3A_2554[%gather3A_2559] in [0] : vector<16xf32>, vector<16xi32> -> vector<16xf32>
    %max3A_2561 = arith.maximumf %max3A_2554, %gather3A_2560 : vector<16xf32>
    %xor3A_2562 = arith.constant 4 : i32
    %xor3A_2563 = vector.broadcast %xor3A_2562 : i32 to vector<16xi32>
    %xor3A_2564 = arith.xori %iota3A, %xor3A_2563 : vector<16xi32>
    %broadcast_in_dim3A_2565 = vector.shape_cast %xor3A_2564 : vector<16xi32> to vector<16x1xi32>
    %gather3A_2566 = vector.shape_cast %broadcast_in_dim3A_2565 : vector<16x1xi32> to vector<16xi32>
    %gather3A_2567 = tpu.dynamic_gather %max3A_2561[%gather3A_2566] in [0] : vector<16xf32>, vector<16xi32> -> vector<16xf32>
    %max3A_2568 = arith.maximumf %max3A_2561, %gather3A_2567 : vector<16xf32>
    %xor3A_2569 = arith.constant 8 : i32
    %xor3A_2570 = vector.broadcast %xor3A_2569 : i32 to vector<16xi32>
    %xor3A_2571 = arith.xori %iota3A, %xor3A_2570 : vector<16xi32>
    %broadcast_in_dim3A_2572 = vector.shape_cast %xor3A_2571 : vector<16xi32> to vector<16x1xi32>
    %gather3A_2573 = vector.shape_cast %broadcast_in_dim3A_2572 : vector<16x1xi32> to vector<16xi32>
    %gather3A_2574 = tpu.dynamic_gather %max3A_2568[%gather3A_2573] in [0] : vector<16xf32>, vector<16xi32> -> vector<16xf32>
    %max3A_2575 = arith.maximumf %max3A_2568, %gather3A_2574 : vector<16xf32>
    %slice3A_2576 = vector.extract_strided_slice %get3A_2002 {offsets = [2], sizes = [1], strides = [1]} : vector<16xf32> to vector<1xf32>
    %squeeze3A_2577 = vector.extract %slice3A_2576[0] : f32 from vector<1xf32>
    %broadcast_in_dim3A_2578 = vector.broadcast %squeeze3A_2577 : f32 to vector<16xf32>
    %sub3A_2579 = arith.constant 5.120000e+02 : f32
    %sub3A_2580 = vector.broadcast %sub3A_2579 : f32 to vector<16xf32>
    %sub3A_2581 = arith.subf %sub3A_2580, %max3A_2547 : vector<16xf32>
    %max3A_2582 = arith.constant 0.000000e+00 : f32
    %max3A_2583 = vector.broadcast %max3A_2582 : f32 to vector<16xf32>
    %max3A_2584 = arith.maximumf %sub3A_2581, %max3A_2583 : vector<16xf32>
    %mul3A_2585 = arith.mulf %broadcast_in_dim3A_2578, %max3A_2584 : vector<16xf32>
    %slice3A_2586 = vector.extract_strided_slice %get3A_2002 {offsets = [3], sizes = [1], strides = [1]} : vector<16xf32> to vector<1xf32>
    %squeeze3A_2587 = vector.extract %slice3A_2586[0] : f32 from vector<1xf32>
    %broadcast_in_dim3A_2588 = vector.broadcast %squeeze3A_2587 : f32 to vector<16xf32>
    %sub3A_2589 = arith.constant 5.120000e+02 : f32
    %sub3A_2590 = vector.broadcast %sub3A_2589 : f32 to vector<16xf32>
    %sub3A_2591 = arith.subf %sub3A_2590, %max3A_2575 : vector<16xf32>
    %max3A_2592 = arith.constant 0.000000e+00 : f32
    %max3A_2593 = vector.broadcast %max3A_2592 : f32 to vector<16xf32>
    %max3A_2594 = arith.maximumf %sub3A_2591, %max3A_2593 : vector<16xf32>
    %mul3A_2595 = arith.mulf %broadcast_in_dim3A_2588, %max3A_2594 : vector<16xf32>
    %slice3A_2596 = vector.extract_strided_slice %get3A_2002 {offsets = [4], sizes = [1], strides = [1]} : vector<16xf32> to vector<1xf32>
    %squeeze3A_2597 = vector.extract %slice3A_2596[0] : f32 from vector<1xf32>
    %broadcast_in_dim3A_2598 = vector.broadcast %squeeze3A_2597 : f32 to vector<16xf32>
    %lt3A_2599 = arith.constant 5.000000e-01 : f32
    %lt3A_2600 = vector.broadcast %lt3A_2599 : f32 to vector<16xf32>
    %lt3A_2601 = arith.cmpf olt, %broadcast_in_dim3A_2598, %lt3A_2600 : vector<16xf32>
    %jit3A_2602 = arith.constant 1.000000e+00 : f32
    %jit3A_2603 = arith.constant 0.000000e+00 : f32
    %broadcast_in_dim3A_2604 = vector.broadcast %jit3A_2602 : f32 to vector<16xf32>
    %broadcast_in_dim3A_2605 = vector.broadcast %jit3A_2603 : f32 to vector<16xf32>
    %select_n3A_2606 = arith.select %lt3A_2601, %broadcast_in_dim3A_2604, %broadcast_in_dim3A_2605 : vector<16xi1>, vector<16xf32>
    %broadcast_in_dim3A_2607 = arith.constant 0.000000e+00 : f32
    %broadcast_in_dim3A_2608 = vector.broadcast %broadcast_in_dim3A_2607 : f32 to vector<16xf32>
    %eq3A_2609 = arith.constant 0 : i32
    %eq3A_2610 = vector.broadcast %eq3A_2609 : i32 to vector<16xi32>
    %eq3A_2611 = arith.cmpi eq, %iota3A, %eq3A_2610 : vector<16xi32>
    %eq3A_2612 = arith.constant 1 : i32
    %eq3A_2613 = vector.broadcast %eq3A_2612 : i32 to vector<16xi32>
    %eq3A_2614 = arith.cmpi eq, %iota3A, %eq3A_2613 : vector<16xi32>
    %eq3A_2615 = arith.constant 2 : i32
    %eq3A_2616 = vector.broadcast %eq3A_2615 : i32 to vector<16xi32>
    %eq3A_2617 = arith.cmpi eq, %iota3A, %eq3A_2616 : vector<16xi32>
    %eq3A_2618 = arith.constant 3 : i32
    %eq3A_2619 = vector.broadcast %eq3A_2618 : i32 to vector<16xi32>
    %eq3A_2620 = arith.cmpi eq, %iota3A, %eq3A_2619 : vector<16xi32>
    %eq3A_2621 = arith.constant 4 : i32
    %eq3A_2622 = vector.broadcast %eq3A_2621 : i32 to vector<16xi32>
    %eq3A_2623 = arith.cmpi eq, %iota3A, %eq3A_2622 : vector<16xi32>
    %select_n3A_2624 = arith.select %eq3A_2623, %select_n3A_2606, %broadcast_in_dim3A_2608 : vector<16xi1>, vector<16xf32>
    %select_n3A_2625 = arith.select %eq3A_2620, %add3A_67, %select_n3A_2624 : vector<16xi1>, vector<16xf32>
    %select_n3A_2626 = arith.select %eq3A_2617, %add3A_2011, %select_n3A_2625 : vector<16xi1>, vector<16xf32>
    %select_n3A_2627 = arith.select %eq3A_2614, %mul3A_2595, %select_n3A_2626 : vector<16xi1>, vector<16xf32>
    %select_n3A_2628 = arith.select %eq3A_2611, %mul3A_2585, %select_n3A_2627 : vector<16xi1>, vector<16xf32>
    %bitcast_convert_type3A_2629 = tpu.bitcast %select_n3A_2628 : vector<16xf32> -> vector<16xi32>
    %swap3A_2630 = arith.constant 3 : i32
    %swap3A_2631 = arith.index_cast %swap3A_2630 : i32 to index
    %swap3A_2632 = arith.constant 128 : index
    %swap3A_2633 = tpu.vector_load %arg8[%swap3A_2631, %swap3A_2632] {strides = array<i32>} : memref<4x144xi32, #tpu.memory_space<vmem>>, vector<1x16xi32>,
    %swap3A_2634 = vector.shape_cast %swap3A_2633 : vector<1x16xi32> to vector<16xi32>
    %swap3A_2635 = vector.shape_cast %bitcast_convert_type3A_2629 : vector<16xi32> to vector<1x16xi32>
    tpu.vector_store %arg8[%swap3A_2631, %swap3A_2632], %swap3A_2635 {strides = array<i32>} : memref<4x144xi32, #tpu.memory_space<vmem>>, vector<1x16xi32>,
    "tpu.region"() ({
      %run_scoped3A = tpu.sem_alloc : memref<!tpu.dma_semaphore, #tpu.memory_space<semaphore_mem>>
      %dma_start3A_2636 = arith.constant 0 : i32
      %dma_start3A_2637 = tpu.memref_slice %arg4[%mul3A_0, %dma_start3A_2636] : memref<64x144xi32, #tpu.memory_space<hbm>> -> memref<4x144xi32, #tpu.memory_space<hbm>>
      %dma_start3A_2638 = arith.constant 0 : i32
      %dma_start3A_2639 = tpu.memref_slice %arg4[%mul3A_0, %dma_start3A_2638] : memref<64x144xi32, #tpu.memory_space<hbm>> -> memref<4x144xi32, #tpu.memory_space<hbm>>
      tpu.enqueue_dma source(%arg8 : memref<4x144xi32, #tpu.memory_space<vmem>>) target(%dma_start3A_2639 : memref<4x144xi32, #tpu.memory_space<hbm>>) target_semaphore(%run_scoped3A : memref<!tpu.dma_semaphore, #tpu.memory_space<semaphore_mem>>)
      %dma_wait3A_2640 = arith.constant 0 : i32
      %dma_wait3A_2641 = tpu.memref_slice %arg4[%mul3A_0, %dma_wait3A_2640] : memref<64x144xi32, #tpu.memory_space<hbm>> -> memref<4x144xi32, #tpu.memory_space<hbm>>
      %dma_wait3A_2642 = arith.constant 0 : i32
      %dma_wait3A_2643 = tpu.memref_slice %arg4[%mul3A_0, %dma_wait3A_2642] : memref<64x144xi32, #tpu.memory_space<hbm>> -> memref<4x144xi32, #tpu.memory_space<hbm>>
      tpu.wait_dma2 semaphore(%run_scoped3A : memref<!tpu.dma_semaphore, #tpu.memory_space<semaphore_mem>>) src(%arg8 : memref<4x144xi32, #tpu.memory_space<vmem>>) dst(%dma_wait3A_2643 : memref<4x144xi32, #tpu.memory_space<hbm>>)
      tpu.yield
    }) : () -> ()
    return
  }
}

</mosaic_0001>

<sc_bundles>
// kernel: kernel.5.cloned.1.call-start
scs
__scs_entry_jumppad:
0x0: {  	(pc) =	sbr.rel $0x88, $3  }
0x1: {  	(tag) =	ssettag $0x0;
	lr =	simm.s32 $0x1  }
0x2: {  	[smem:$0x3F9F] =	sst lr;
	_ =	strace $0xD0000000  }
0x3: {  	_ = 	snop  }
0x4: {  	_ = 	snop  }
0x5: {  	_ = 	snop  }
0x6: {  	_ = 	snop  }
0x7: {  	_ = 	snop  }
__scs_overlays_trampoline_lowered:
0x8: {  	[smem:$0x3FAE] =	sst s0  }
0x9: {  	[smem:$0x3FAF] =	sst s1  }
0xa: {  	[smem:$0x3FB0] =	sst s2  }
0xb: {  	[smem:$0x3FB1] =	sst s3  }
0xc: {  	[smem:$0x3FB2] =	sst s4  }
0xd: {  	[smem:$0x3FB3] =	sst s5  }
0xe: {  	[smem:$0x3FB4] =	sst s6  }
0xf: {  	[smem:$0x3FB5] =	sst s7  }
0x10: {  	[smem:$0x3FB6] =	sst s8  }
0x11: {  	[smem:$0x3FB7] =	sst s9;
	s0 =	simm.s32 @!p0 $0x0  }
0x12: {  	s1 =	sld [smem:$0x3F9D];
	s0 =	simm.s32 @p0 $0x1  }
0x13: {  	[smem:$0x3FB8] =	sst s0;
	s0 =	simm.s32 @!p1 $0x0  }
0x14: {  	s2 =	sld [smem:$0x3F9C];
	s0 =	simm.s32 @p1 $0x1  }
0x15: {  	[smem:$0x3FB9] =	sst s0;
	s0 =	simm.s32 @!p2 $0x0  }
0x16: {  	s3 =	sld [smem:$0x3FDB];
	s0 =	simm.s32 @p2 $0x1  }
0x17: {  	s4 =	simm.s32 $0x1BF5;
	[smem:$0x3FBB] =	sst s0  }
0x18: {  	s0 =	sld [smem:$0x3F9E];
	_ =	swait.ge [sflag:s4], $0x0  }
0x19: {  	s7 =	sld [smem:$0x3F9F]  }
0x1a: {  	s8 =	sadd.s32 $0xFFFFE003, lr  }
0x1b: {  	s9 =	sadd.s32 $0xFFFFFEF7, lr;
	s5 =	simm.s32 $0xFFFFFFFF;
	p2 =	slt.u32 s8, $0xFFFFF086  }
0x1c: {  	p1 =	slt.u32 s9, $0xF7A;
	s5 =	simm.s32 @!p2 $0x0  }
0x1d: {  	s5 =	simm.s32 @p1 $0x1;
	p0 =	seq.s32 s7, s2  }
0x1e: {  	s7 =	smul.u32 @!p0 $0xF7A, s2;
	p2 =	seq.s32 @!p0 s5, $0x0  }
0x1f: {  	s9 =	smul.u32 $0xF7A, s1;
	s8 =	simm.s32 @!p0 $0x1BF5;
	p2 =	por !p2, p0  }
0x20: {  	[sflag:s8] =	ssyncset.s32 @!p0 $0xFFFFF086;
	s6 =	sadd.s32 @!p0 s3, s7;
	s7 =	simm.s32 @!p0 $0x108  }
0x21: {  	s3 =	sadd.s32 s3, s9;
	s6 =	sadd.s32 @!p0 $0x88, s6;
	s7 =	simm.s32 @p2 $0x1082  }
0x22: {  	[simem:s7], [sflag:s8] =	dma.local @!p0 [hbm:s6], $0xF7A  }
0x23: {  	s9 =	sor.u32 $0xD0000000, s2;
	s6 =	simm.s32 $0x108;
	_ =	swait.ge @!p0 [sflag:s8], $0x0  }
0x24: {  	s3 =	sadd.s32 $0x88, s3;
	s6 =	simm.s32 @!p1 $0x1082;
	[sflag:s4] =	ssyncset.s32 $0xFFFFF086  }
0x25: {  	[simem:s6], [sflag:s4] =	dma.local [hbm:s3], $0xF7A  }
0x26: {  	[smem:$0x3F9F] =	sst s1;
	(tag) =	ssettag s2;
	_ =	strace s9  }
0x27: {  	s1 =	sld [smem:$0x3FAF]  }
0x28: {  	s2 =	sld [smem:$0x3FB0]  }
0x29: {  	s4 =	sld [smem:$0x3FB2]  }
0x2a: {  	p0 =	seq.s32 s5, $0x0;
	s5 =	sld [smem:$0x3FB3]  }
0x2b: {  	s6 =	sld [smem:$0x3FB4]  }
0x2c: {  	s7 =	sld [smem:$0x3FB5]  }
0x2d: {  	s3 =	simm.s32 $0x108;
	s8 =	sld [smem:$0x3FB6]  }
0x2e: {  	s3 =	simm.s32 @!p0 $0x1082;
	s9 =	sld [smem:$0x3FB7]  }
0x2f: {  	lr =	sadd.s32 s0, s3;
	s0 =	sld [smem:$0x3FAE]  }
0x30: {  	s3 =	sld [smem:$0x3FB1]  }
0x31: {  	[smem:$0x3FBA] =	sst s10  }
0x32: {  	s10 =	sld [smem:$0x3FB8];
	_ =	sdelay $0x3  }
0x33: {  	p0 =	seq.s32 s10, $0x1;
	s10 =	sld [smem:$0x3FBA];
	_ =	sdelay $0x3  }
0x34: {  	[smem:$0x3FBA] =	sst s10  }
0x35: {  	s10 =	sld [smem:$0x3FB9];
	_ =	sdelay $0x3  }
0x36: {  	p1 =	seq.s32 s10, $0x1;
	s10 =	sld [smem:$0x3FBA];
	_ =	sdelay $0x3  }
0x37: {  	[smem:$0x3FBA] =	sst s10  }
0x38: {  	s10 =	sld [smem:$0x3FBB]  }
0x39: {  	_ = 	snop;
	(pc) =	sbr.ind lr, $3  }
0x3a: {  	_ = 	snop  }
0x3b: {  	_ = 	snop  }
0x3c: {  	p2 =	seq.s32 s10, $0x1;
	s10 =	sld [smem:$0x3FBA]  }
0x3d: {  	_ =	shalt  }
0x3e: {  	_ =	shalt  }
0x3f: {  	_ =	shalt  }
0x40: {  	_ =	shalt  }
0x41: {  	_ =	shalt  }
0x42: {  	_ =	shalt  }
0x43: {  	_ =	shalt  }
0x44: {  	_ =	shalt  }
0x45: {  	_ =	shalt  }
0x46: {  	_ =	shalt  }
0x47: {  	_ =	shalt  }
0x48: {  	_ =	shalt  }
0x49: {  	_ =	shalt  }
0x4a: {  	_ =	shalt  }
0x4b: {  	_ =	shalt  }
0x4c: {  	_ =	shalt  }
0x4d: {  	_ =	shalt  }
0x4e: {  	_ =	shalt  }
0x4f: {  	_ =	shalt  }
0x50: {  	_ =	shalt  }
0x51: {  	_ =	shalt  }
0x52: {  	_ =	shalt  }
0x53: {  	_ =	shalt  }
0x54: {  	_ =	shalt  }
0x55: {  	_ =	shalt  }
0x56: {  	_ =	shalt  }
0x57: {  	_ =	shalt  }
0x58: {  	_ =	shalt  }
0x59: {  	_ =	shalt  }
0x5a: {  	_ =	shalt  }
0x5b: {  	_ =	shalt  }
0x5c: {  	_ =	shalt  }
0x5d: {  	_ =	shalt  }
0x5e: {  	_ =	shalt  }
0x5f: {  	_ =	shalt  }
0x60: {  	_ =	shalt  }
0x61: {  	_ =	shalt  }
0x62: {  	_ =	shalt  }
0x63: {  	_ =	shalt  }
0x64: {  	_ =	shalt  }
0x65: {  	_ =	shalt  }
0x66: {  	_ =	shalt  }
0x67: {  	_ =	shalt  }
0x68: {  	_ =	shalt  }
0x69: {  	_ =	shalt  }
0x6a: {  	_ =	shalt  }
0x6b: {  	_ =	shalt  }
0x6c: {  	_ =	shalt  }
0x6d: {  	_ =	shalt  }
0x6e: {  	_ =	shalt  }
0x6f: {  	_ =	shalt  }
0x70: {  	_ =	shalt  }
0x71: {  	_ =	shalt  }
0x72: {  	_ =	shalt  }
0x73: {  	_ =	shalt  }
0x74: {  	_ =	shalt  }
0x75: {  	_ =	shalt  }
0x76: {  	_ =	shalt  }
0x77: {  	_ =	shalt  }
0x78: {  	_ =	shalt  }
0x79: {  	_ =	shalt  }
0x7a: {  	_ =	shalt  }
0x7b: {  	_ =	shalt  }
0x7c: {  	_ =	shalt  }
0x7d: {  	_ =	shalt  }
0x7e: {  	_ =	shalt  }
0x7f: {  	_ =	shalt  }
0x80: {  	_ =	shalt  }
0x81: {  	_ =	shalt  }
0x82: {  	_ =	shalt  }
0x83: {  	_ =	shalt  }
0x84: {  	_ =	shalt  }
0x85: {  	_ =	shalt  }
0x86: {  	_ =	shalt  }
0x87: {  	_ =	shalt  }
.Lfunc_end0:
.L_simem_size_0:
called_computation_lowered:
.L_overlay_start_0:
0x88: {  	s0 =	sld [smem:$0x3FD9]  }
0x89: {  	s1 =	sld [smem:$0x3FFE];
	_ =	sdelay $0x3  }
0x8a: {  	s0 =	sadd.s32 s1, s0  }
0x8b: {  	[smem:$0x3FC6] =	sst s0  }
0x8c: {  	_ = 	snop  }
0x8d: {  	(tm) =	ssettm $0x1  }
0x8e: {  	s15 =	sld [smem:$0x3FFB];
	_ =	sdelay $0x3  }
0x8f: {  	_ =	strace s15  }
0x90: {  	s0 =	sld [smem:$0x3FFC];
	_ =	sdelay $0x3  }
0x91: {  	_ =	strace s0  }
0x92: {  	s0 =	sld [smem:$0x3FFD];
	_ =	sdelay $0x3  }
0x93: {  	_ =	strace s0  }
0x94: {  	_ =	strace $0x8FFFFFFF  }
0x95: {  	s16 =	sld [smem:$0x3FDB];
	_ =	sdelay $0x1  }
0x96: {  	s17 =	simm.s32 $_scs_section_size  }
0x97: {  	s2 =	simm.s32 $_size__tile_overlayer_lowered;
	s3 =	simm.s32 $_tile_overlayer_lowered  }
0x98: {  	s20 =	simm.s32 $0x1BFF;
	s19 =	sshll.u32 s3, $0x1;
	s0 =	sadd.s32 s17, s16  }
0x99: {  	s4 =	simm.s32 $0x0;
	s18 =	sshll.u32 s2, $0x1;
	s2 =	sadd.s32 s19, s0  }
0x9a: {  	[timem:s4], [sflag:s20] =	dma.local [hbm:s2], s18  }
0x9b: {  	_ =	swait.ge [sflag:s20], s18  }
0x9c: {  	s1 =	ssub.s32 $0x0, s18;
	[sflag:s20] =	ssyncset.done $0x0  }
0x9d: {  	[sflag:s20] =	ssyncadd.s32 s1;
	_ =	sdelay $0x1  }
0x9e: {  	s21 =	simm.s32 $0x1B8B  }
0x9f: {  	_ =	swait.ge [sflag:s21], $0x1  }
0xa0: {  	[sflag:s21] =	ssyncset.done $0x0  }
0xa1: {  	s23 =	simm.s32 $0x1B8E;
	s22 =	sld [smem:$0x3FFE];
	[sflag:s21] =	ssyncadd.s32 $0xFFFFFFFF  }
0xa2: {  	s24 =	simm.s32 $execute0_lowered;
	[smem:$0x3FD2] =	sst s23  }
0xa3: {  	s2 =	sshll.u32 s24, $0x1;
	_ =	strace $0x80000046;
	[dreg:$0x1] =	wrdreg $0xFFFFFFFF  }
0xa4: {  	s25 =	simm.s32 $_size_execute0_lowered;
	s0 =	sadd.s32 s0, s2;
	[dreg:$0x0] =	wrdreg $0x0  }
0xa5: {  	s2 =	sshll.u32 s25, $0x1;
	[dreg:$0x2] =	wrdreg s0  }
0xa6: {  	[dreg:$0x3] =	wrdreg s2  }
0xa7: {  	[dreg:$0x4] =	wrdreg $0xC0  }
0xa8: {  	_ =	task [dreg:s4], $0x5FFFF  }
0xa9: {  	[dreg:$0x1] =	wrdreg $0xFFFFFFFF  }
0xaa: {  	[dreg:$0x0] =	wrdreg $0x60  }
0xab: {  	[dreg:$0x2] =	wrdreg s22  }
0xac: {  	[dreg:$0x3] =	wrdreg $0x9  }
0xad: {  	_ =	task.clear_ibuf [dreg:s4], $0x4FFFF;
	_ =	strace $0x90000046  }
0xae: {  	s26 =	simm.s32 $0x9;
	_ =	strace $0x80000048  }
0xaf: {  	_ =	swait.ge [sflag:s26], $0x1  }
0xb0: {  	[sflag:s26] =	ssyncadd.s32 $0xFFFFFFFF  }
0xb1: {  	_ =	strace $0x90000048  }
0xb2: {  	_ =	sfence  }
0xb3: {  	s28 =	sld [smem:$0x0];
	_ =	sdelay $0x1  }
0xb4: {  	s29 =	srdreg.scid  }
0xb5: {  	s30 =	sshll.u32 s29, $0xD;
	s31 =	sshrl.u32 s29, $0x2  }
0xb6: {  	s1 =	sand.u32 $0x1, s29;
	s2 =	sand.u32 $0x4000, s30;
	s0 =	sadd.s32 s31, s28  }
0xb7: {  	s1 =	sor.u32 s2, s1;
	s0 =	sshll.u32 s0, $0x11  }
0xb8: {  	s0 =	sor.u32 s0, s1  }
0xb9: {  	s0 =	sadd.s32 $0x8F2B, s0  }
0xba: {  	[sflag:s0] =	ssyncadd.remote.s32 $0x1  }
0xbb: {  	_ =	sfence.sel $0xFFFF  }
0xbc: {  	[dreg:$0x0] =	wrdreg $0xFFFFFFFF;
	(pc) =	sbr.abs _section_cstart, $3  }
0xbd: {  	[dreg:$0x1] =	wrdreg $0xFFFFFFFF  }
0xbe: {  	_ =	task.clear_ibuf [dreg:s4], $0x2FFFF;
	_ =	strace $0x9FFFFFFF  }
0xbf: {  	(tm) =	ssettm $0x7FFFFFFF  }
tec
execute0_lowered:
.L_overlay_start_1:
0x0: {  	(tag) =	ssettag $0x1  }
0x1: {  	s0 =	stileid.u32  }
0x2: {  	s5 =	sshrl.u32 s0, $0x1;
	s1 =	sshll.u32 s0, $0x9  }
0x3: {  	s4 =	sand.u32 $0x200, s1;
	s2 =	sshll.u32 s5, $0xA  }
0x4: {  	s3 =	rddreg [dreg:$0x0];
	s6 =	simm.s32 $0x0;
	s2 =	sor.u32 s4, s2  }
0x5: {  	s15 =	simm.s32 $0x2;
	[smem:$0x7FF] =	sst s6;
	s2 =	sshrl.u32 s2, $0x3  }
0x6: {  	s1 =	rddreg [dreg:$0x1];
	_ =	strace $0x80000047;
	s2 =	sadd.s32 s3, s2  }
0x7: {  	[tilespmem:s6], [sflag:$0x2] =	stream.linear.gather [hbm4b:s2+s6], $0x200, $0x38;
	[tilespmem:$0x1680] =	vst v63  }
0x8: {  	_ =	swait.ge [sflag:s15], $0x200  }
0x9: {  	[sflag:s15] =	ssyncset.done $0x0  }
0xa: {  	[sflag:s15] =	ssyncadd.s32 $0xFFFFFE00  }
0xb: {  	v1 =	vld [tilespmem:$0x0]  }
0xc: {  	v2 =	vld [tilespmem:$0x80]  }
0xd: {  	s7 =	sshll.u32 s0, $0x2;
	v4 =	vld [tilespmem:$0x100]  }
0xe: {  	s9 =	sor.u32 $0x1, s7  }
0xf: {  	s8 =	scvt.s32.f32 s7;
	s7 =	sor.u32 $0x2, s7;
	s16 =	scvt.s32.f32 s9;
	v5 =	vld [tilespmem:$0x180]  }
0x10: {  	v0 =	vimm.s32 $0x0;
	s7 =	scvt.s32.f32 s7  }
0x11: {  	s17 =	sshllo.u32 s0, $0x2;
	vm0 =	vge.f32 v1, s8;
	vm15 =	vge.f32 v2, s16;
	v7 =	vbroadcast v1, $0x0  }
0x12: {  	s8 =	scvt.s32.f32 s17;
	v1 =	vimm.f32 $0.0e+00;
	v2 =	vbroadcast v2, $0x0;
	vm1 =	vge.f32 v4, s7  }
0x13: {  	v36 =	vbroadcast v4, $0x0;
	v3 =	vsel vm0, $0x1, v0;
	v6 =	vsel vm15, $0x1, v0  }
0x14: {  	v32 =	vsel vm1, $0x1, v0;
	v3 =	vbroadcast v3, $0x0;
	vm5 =	vge.f32 v5, s8  }
0x15: {  	v31 =	vbroadcast v6, $0x0;
	v33 =	vbroadcast v32, $0x0;
	v34 =	vsel vm5, $0x1, v0  }
0x16: {  	v5 =	vbroadcast v5, $0x0;
	v3 =	vand.u32 $0x1, v3;
	v6 =	vbroadcast v34, $0x0  }
0x17: {  	v35 =	vand.u32 $0x1, v33;
	vm4 =	veq.s32 v3, $0x1;
	v3 =	vand.u32 $0x1, v31  }
0x18: {  	vm6 =	veq.s32 v35, $0x1;
	vm2 =	veq.s32 v3, $0x1;
	v8 =	vsel vm4, $0x3F800000, v1  }
0x19: {  	v37 =	vand.u32 $0x1, v6;
	v38 =	vsel vm6, $0x3F800000, v1;
	v9 =	vsel vm2, $0x3F800000, v1  }
0x1a: {  	v18 =	vadd.f32 v8, v7;
	vm7 =	veq.s32 v37, $0x1;
	v14 =	vadd.f32 v9, v2  }
0x1b: {  	vm8 =	vcmask $0x310;
	v3 =	vadd.f32 v38, v36;
	v2 =	vsel vm7, $0x3F800000, v1  }
0x1c: {  	vm9 =	vcmask $0x710;
	v2 =	vadd.f32 v2, v5;
	v39 =	vsel vm8, v18, v14  }
0x1d: {  	vm10 =	vcmask $0xB10;
	v4 =	vsel vm9, v39, v3  }
0x1e: {  	v4 =	vsel vm10, v4, v2  }
0x1f: {  	v4 =	vtrunc.f32 v4  }
0x20: {  	v4 =	vcvt.f32.s32 v4;
	_ =	sdelay $0x1  }
0x21: {  	[tilespmem:$0x200] =	vst v4  }
0x22: {  	v4 =	vld.msk [tilespmem:$0x200], $0xf;
	_ =	sdelay $0x4  }
0x23: {  	v4 =	vshll.u32 v4, $0x7  }
0x24: {  	(v2sf) =	vpush v4, $0x0;
	_ =	sdelay $0x1  }
0x25: {  	(v2sf) =	vpush v4, $0x1;
	_ =	sdelay $0x2  }
0x26: {  	(v2sf) =	vpush v4, $0x2;
	_ =	sdelay $0x2  }
0x27: {  	(v2sf) =	vpush v4, $0x3;
	_ =	sdelay $0x6  }
0x28: {  	s18 =	spop (v2sf)  }
0x29: {  	s19 =	sadd.s32 $0x400, s3;
	s7 =	sand.u32 $0x1FFFFF80, s18  }
0x2a: {  	s20 =	simm.s32 $0x280;
	s21 =	spop (v2sf);
	s7 =	sadd.s32 s19, s7  }
0x2b: {  	[tilespmem:s20], [sflag:$0x1] =	stream.linear.gather [hbm4b:s7+s6], $0x280, $0x38;
	[tilespmem:$0x1680] =	vst v63  }
0x2c: {  	s7 =	sand.u32 $0x1FFFFF80, s21  }
0x2d: {  	s22 =	simm.s32 $0x680;
	s23 =	spop (v2sf);
	s7 =	sadd.s32 s19, s7  }
0x2e: {  	[tilespmem:s22], [sflag:$0x1] =	stream.linear.gather [hbm4b:s7+s6], $0x280, $0x38;
	[tilespmem:$0x1680] =	vst v63  }
0x2f: {  	s7 =	sand.u32 $0x1FFFFF80, s23  }
0x30: {  	s24 =	simm.s32 $0xA80;
	s25 =	spop (v2sf);
	s7 =	sadd.s32 s19, s7  }
0x31: {  	[tilespmem:s24], [sflag:$0x1] =	stream.linear.gather [hbm4b:s7+s6], $0x280, $0x38;
	[tilespmem:$0x1680] =	vst v63  }
0x32: {  	s7 =	sand.u32 $0x1FFFFF80, s25  }
0x33: {  	s26 =	simm.s32 $0xE80;
	s28 =	simm.s32 $0x1;
	s7 =	sadd.s32 s19, s7  }
0x34: {  	[tilespmem:s26], [sflag:$0x1] =	stream.linear.gather [hbm4b:s7+s6], $0x280, $0x38;
	[tilespmem:$0x1680] =	vst v63  }
0x35: {  	_ =	swait.ge [sflag:s28], $0xA00  }
0x36: {  	[sflag:s28] =	ssyncset.done $0x0  }
0x37: {  	[sflag:s28] =	ssyncadd.s32 $0xFFFFF600  }
0x38: {  	v17 =	vld [tilespmem:$0x0]  }
0x39: {  	v40 =	vld [tilespmem:$0x280]  }
0x3a: {  	v41 =	vld [tilespmem:$0x300]  }
0x3b: {  	v42 =	vld [tilespmem:$0x380]  }
0x3c: {  	v43 =	vld [tilespmem:$0x400]  }
0x3d: {  	v44 =	vld [tilespmem:$0x480]  }
0x3e: {  	v45 =	vld [tilespmem:$0x290]  }
0x3f: {  	v10 =	vld [tilespmem:$0x310]  }
0x40: {  	v11 =	vld [tilespmem:$0x390]  }
0x41: {  	v13 =	vld [tilespmem:$0x410]  }
0x42: {  	v15 =	vld [tilespmem:$0x490]  }
0x43: {  	v16 =	vld [tilespmem:$0x2A0]  }
0x44: {  	v20 =	vld [tilespmem:$0x320]  }
0x45: {  	v46 =	vld [tilespmem:$0x3A0]  }
0x46: {  	v47 =	vld [tilespmem:$0x420]  }
0x47: {  	v48 =	vld [tilespmem:$0x4A0]  }
0x48: {  	v50 =	vld [tilespmem:$0x330]  }
0x49: {  	v22 =	vld [tilespmem:$0x430]  }
0x4a: {  	v23 =	vld [tilespmem:$0x4B0]  }
0x4b: {  	v53 =	vld [tilespmem:$0x2C0]  }
0x4c: {  	v54 =	vld [tilespmem:$0x340]  }
0x4d: {  	v55 =	vld [tilespmem:$0x3C0]  }
0x4e: {  	v56 =	vld [tilespmem:$0x440]  }
0x4f: {  	v24 =	vld [tilespmem:$0x2E0]  }
0x50: {  	v25 =	vld [tilespmem:$0x360]  }
0x51: {  	v26 =	vld [tilespmem:$0x460]  }
0x52: {  	vm3 =	vcmask $0x3F08;
	v34 =	vimm.s32 $0xEFCDAB89;
	v27 =	vld [tilespmem:$0x3E0]  }
0x53: {  	v35 =	vimm.s32 $0x67452301;
	vm2 =	vcmask $0x3F0C;
	v29 =	vld [tilespmem:$0x370];
	v4 =	vsub.f32 v42, v40  }
0x54: {  	v30 =	vld [tilespmem:$0x470];
	v12 =	vmul.f32 $1.500000000e+00, v17;
	v5 =	vsub.f32 v43, v41;
	v10 =	vsub.f32 v13, v10  }
0x55: {  	v33 =	vld [tilespmem:$0x2F0];
	v9 =	vsub.f32 v11, v45;
	vm13 =	vgt.f32 v44, $5.000000000e-01;
	v6 =	vsub.f32 v46, v16  }
0x56: {  	v36 =	vld [tilespmem:$0x3F0];
	v7 =	vsub.f32 v47, v20;
	vm4 =	vgt.f32 v15, $5.000000000e-01;
	v11 =	vsub.f32 v22, v50  }
0x57: {  	vm7 =	vgt.f32 v48, $5.000000000e-01;
	v16 =	vsub.f32 v55, v53;
	v15 =	vsub.f32 v56, v54  }
0x58: {  	vm10 =	vgt.f32 v23, $5.000000000e-01;
	v31 =	vsub.f32 v26, v25;
	v12 =	vadd.f32 $5.000000000e-01, v12  }
0x59: {  	v58 =	vld [tilespmem:$0x350];
	v32 =	vsub.f32 v27, v24;
	v20 =	vunpack.c.l.s4.s8 v35;
	v38 =	vsub.f32 v30, v29  }
0x5a: {  	v61 =	vld [tilespmem:$0x450];
	v42 =	vimm.s32 $0xDCFE98BA;
	v43 =	vimm.s32 $0x54761032;
	v19 =	vbroadcast v12, $0x1  }
0x5b: {  	v49 =	vld [tilespmem:$0x2B0];
	v13 =	vsub.f32 v36, v33;
	v25 =	vimm.s32 $0x32107654;
	v53 =	vimm.s32 $0xFEDCBA98  }
0x5c: {  	v52 =	vld [tilespmem:$0x3B0];
	v36 =	vbroadcast v17, $0x2;
	v44 =	vunpack.c.l.s4.s8 v43;
	v4 =	vmul.f32 v4, v19  }
0x5d: {  	v25 =	vunpack.c.l.s4.s8 v25;
	v5 =	vmul.f32 v5, v19;
	v51 =	vmul.f32 v10, v19  }
0x5e: {  	v40 =	vunpack.c.0.s8.s32 v20;
	v9 =	vmul.f32 v9, v19;
	v6 =	vmul.f32 v6, v19  }
0x5f: {  	v12 =	vsub.f32 v61, v58;
	v7 =	vmul.f32 v7, v19;
	v11 =	vmul.f32 v11, v19  }
0x60: {  	v46 =	vunpack.c.0.s8.s32 v44;
	v16 =	vmul.f32 v16, v19;
	v15 =	vmul.f32 v15, v19  }
0x61: {  	v57 =	vld [tilespmem:$0x2D0];
	v10 =	vsub.f32 v52, v49;
	v28 =	vmul.f32 v12, v19;
	v37 =	vmul.f32 v32, v19  }
0x62: {  	v60 =	vld [tilespmem:$0x3D0];
	v41 =	vmul.f32 v38, v19;
	v47 =	vmul.f32 v13, v19;
	v49 =	vimm.s32 $0xBA98FEDC  }
0x63: {  	v52 =	vunpack.c.0.s8.s32 v25;
	v25 =	vunpack.c.l.s4.s8 v53;
	v50 =	vunpack.c.l.s4.s8 v49  }
0x64: {  	vm11 =	vle.f32 v5, $5.120000000e+02;
	vm12 =	vle.f32 v4, $5.120000000e+02;
	v21 =	vmax.f32 v4, $0.0e+00  }
0x65: {  	v5 =	vmax.f32 v5, $0.0e+00;
	vm14 =	vle.f32 v51, $5.120000000e+02;
	vm15 =	vle.f32 v9, $5.120000000e+02  }
0x66: {  	v62 =	vld [tilespmem:$0x4C0];
	vm5 =	vle.f32 v7, $5.120000000e+02;
	vm6 =	vle.f32 v6, $5.120000000e+02;
	v59 =	vmul.f32 v10, v19  }
0x67: {  	vm8 =	vle.f32 v11, $5.120000000e+02;
	v10 =	vsub.f32 v60, v57;
	v56 =	vunpack.c.0.s8.s32 v25  }
0x68: {  	v58 =	vld [tilespmem:$0x800];
	vm0 =	vmand vm12, vm11;
	v9 =	vmax.f32 v21, v9;
	v8 =	vmax.f32 v5, v51  }
0x69: {  	v32 =	vld [tilespmem:$0x700];
	vm11 =	vle.f32 v15, $5.120000000e+02;
	vm12 =	vle.f32 v16, $5.120000000e+02;
	v51 =	vunpack.c.0.s8.s32 v50  }
0x6a: {  	vm0 =	vmand vm13, vm0;
	v6 =	vmax.f32 v9, v6;
	v7 =	vmax.f32 v8, v7  }
0x6b: {  	v63 =	vld [tilespmem:$0x4D0];
	vm9 =	vle.f32 v59, $5.120000000e+02;
	vm13 =	vgt.f32 v62, $5.000000000e-01;
	v10 =	vmul.f32 v10, v19  }
0x6c: {  	v9 =	vmul.f32 v31, v19;
	v31 =	vimm.s32 $0x76543210;
	v4 =	vsel vm0, $0x1, v0  }
0x6d: {  	vm0 =	vmand vm15, vm14;
	v6 =	vmax.f32 v6, v59;
	v7 =	vmax.f32 v7, v11  }
0x6e: {  	vm14 =	vle.f32 v28, $5.120000000e+02;
	v54 =	vunpack.c.l.s4.s8 v31;
	v31 =	vsub.f32 v58, v32  }
0x6f: {  	v24 =	vld [tilespmem:$0x4E0];
	vm0 =	vmand vm4, vm0;
	v6 =	vmax.f32 v6, v16;
	v7 =	vmax.f32 v7, v15  }
0x70: {  	v26 =	vld [tilespmem:$0x4F0];
	vm15 =	vle.f32 v10, $5.120000000e+02;
	vm4 =	vgt.f32 v63, $5.000000000e-01;
	v16 =	vunpack.c.l.s4.s8 v34  }
0x71: {  	v33 =	vld [tilespmem:$0x880];
	v5 =	vsel vm0, $0x1, v0;
	vm0 =	vmand vm6, vm5;
	v6 =	vmax.f32 v6, v10  }
0x72: {  	v61 =	vld [tilespmem:$0x710];
	v7 =	vmax.f32 v7, v28;
	v10 =	vunpack.c.l.s4.s8 v42;
	vm5 =	vle.f32 v9, $5.120000000e+02  }
0x73: {  	v62 =	vld [tilespmem:$0x790];
	vm6 =	vle.f32 v37, $5.120000000e+02;
	vm0 =	vmand vm7, vm0;
	v7 =	vmax.f32 v7, v9  }
0x74: {  	v59 =	vld [tilespmem:$0x690];
	v39 =	vunpack.c.0.s8.s32 v16;
	v45 =	vmax.f32 v6, v37;
	v9 =	vand.u32 $0xF, v56  }
0x75: {  	v38 =	vld [tilespmem:$0x820];
	vm7 =	vgt.f32 v24, $5.000000000e-01;
	v8 =	vsel vm0, $0x1, v0;
	vm0 =	vmand vm9, vm8  }
0x76: {  	v63 =	vld [tilespmem:$0x810];
	v7 =	vmax.f32 v7, v41;
	v10 =	vunpack.c.0.s8.s32 v10;
	v23 =	vmax.f32 v45, v47  }
0x77: {  	v34 =	vld [tilespmem:$0x720];
	vm8 =	vle.f32 v41, $5.120000000e+02;
	vm9 =	vle.f32 v47, $5.120000000e+02;
	vm0 =	vmand vm10, vm0  }
0x78: {  	v30 =	vld [tilespmem:$0x680];
	v15 =	vcombine.low v40, v39;
	vm1 =	vmand vm9, vm8;
	vm10 =	vgt.f32 v26, $5.000000000e-01  }
0x79: {  	v28 =	vld [tilespmem:$0x80];
	v39 =	vbroadcast v17, $0x3;
	v24 =	vsub.f32 v62, v59;
	v11 =	vsel vm0, $0x1, v0  }
0x7a: {  	v55 =	vld [tilespmem:$0x780];
	vm0 =	vmand vm12, vm11;
	v10 =	vcombine.low v46, v10;
	vm1 =	vmand vm10, vm1  }
0x7b: {  	v35 =	vld [tilespmem:$0x7A0];
	vm11 =	vlt.f32 v17, $5.000000000e-01;
	v22 =	vsub.f32 v63, v61;
	vm12 =	vgt.f32 v33, $5.000000000e-01  }
0x7c: {  	v50 =	vld [tilespmem:$0x730];
	v34 =	vsub.f32 v38, v34;
	vm0 =	vmand vm13, vm0;
	v6 =	vand.u32 $0xF, v15  }
0x7d: {  	v58 =	vld [tilespmem:$0x7C0];
	v15 =	vunpack.c.0.s8.s32 v54;
	v48 =	vperm.xlane v7, v6;
	v27 =	vperm.xlane v23, v6  }
0x7e: {  	v42 =	vld [tilespmem:$0x6B0];
	v37 =	vmul.f32 $1.500000000e+00, v28;
	v41 =	vsel vm11, $0x3F800000, v1;
	v12 =	vsel vm0, $0x1, v0  }
0x7f: {  	v45 =	vld [tilespmem:$0x890];
	v21 =	vmax.f32 v7, v48;
	v7 =	vand.u32 $0xF, v10;
	v23 =	vmax.f32 v23, v27  }
0x80: {  	v40 =	vld [tilespmem:$0x8A0];
	vm0 =	vmand vm15, vm14;
	v10 =	vcombine.low v52, v51;
	v57 =	vperm.xlane v23, v7  }
0x81: {  	v59 =	vld [tilespmem:$0x840];
	vm0 =	vmand vm4, vm0;
	v9 =	vcombine.low v9, v15;
	v29 =	vperm.xlane v21, v7  }
0x82: {  	v46 =	vld [tilespmem:$0x6A0];
	v37 =	vadd.f32 $5.000000000e-01, v37;
	v10 =	vand.u32 $0xF, v10;
	v23 =	vmax.f32 v23, v57  }
0x83: {  	v62 =	vld [tilespmem:$0x7D0];
	vm4 =	vmmov $0x1;
	v21 =	vmax.f32 v21, v29;
	v60 =	vperm.xlane v23, v10  }
0x84: {  	vm15 =	vgt.f32 v45, $5.000000000e-01;
	v13 =	vsel vm0, $0x1, v0;
	v52 =	vld [tilespmem:$0x830];
	v29 =	vperm.xlane v21, v10  }
0x85: {  	vm0 =	vmand vm6, vm5;
	v27 =	vsub.f32 v55, v30;
	v55 =	vld [tilespmem:$0x6C0];
	v15 =	vmax.f32 v23, v60  }
0x86: {  	v45 =	vld [tilespmem:$0x6E0];
	vm11 =	vgt.f32 v40, $5.000000000e-01;
	v21 =	vmax.f32 v21, v29;
	v44 =	vperm.xlane v15, v9  }
0x87: {  	v51 =	vld [tilespmem:$0x7B0];
	vm0 =	vmand vm7, vm0;
	v26 =	vsub.f32 v35, v46;
	v29 =	vperm.xlane v21, v9  }
0x88: {  	v16 =	vsel vm0, $0x1, v0;
	vm0 =	vcmask $0x3F14;
	v57 =	vld [tilespmem:$0x740];
	v47 =	vmax.f32 v15, v44  }
0x89: {  	v46 =	vsub.f32 v52, v50;
	v52 =	vld [tilespmem:$0x7E0];
	v21 =	vmax.f32 v21, v29;
	v29 =	vsub.f32 $5.120000000e+02, v47  }
0x8a: {  	v49 =	vsel vm0, $0x0, v41;
	v50 =	vld [tilespmem:$0x770];
	v23 =	vsub.f32 v58, v55;
	v15 =	vsel vm1, $0x1, v0  }
0x8b: {  	v60 =	vld [tilespmem:$0x6D0];
	vm1 =	vcmask $0x3F10;
	v21 =	vsub.f32 $5.120000000e+02, v21;
	v29 =	vmax.f32 v29, $0.0e+00  }
0x8c: {  	v44 =	vsub.f32 v51, v42;
	v51 =	vld [tilespmem:$0x870];
	v48 =	vmul.f32 v29, v39;
	v29 =	vbroadcast v37, $0x1  }
0x8d: {  	v25 =	vsub.f32 v59, v57;
	v18 =	vsel vm1, v49, v18;
	v47 =	vld [tilespmem:$0x760];
	v21 =	vmax.f32 v21, $0.0e+00  }
0x8e: {  	v49 =	vld [tilespmem:$0x860];
	v30 =	vsub.f32 v52, v45;
	v17 =	vmul.f32 v21, v36;
	v53 =	vmul.f32 v27, v29  }
0x8f: {  	v18 =	vsel vm2, v18, v19;
	v54 =	vmul.f32 v31, v29;
	v22 =	vmul.f32 v22, v29  }
0x90: {  	v59 =	vsub.f32 v62, v60;
	v24 =	vmul.f32 v24, v29;
	v26 =	vmul.f32 v26, v29  }
0x91: {  	v18 =	vsel vm3, v18, v48;
	v34 =	vmul.f32 v34, v29;
	v48 =	vmul.f32 v44, v29  }
0x92: {  	v58 =	vsub.f32 v51, v50;
	v23 =	vmul.f32 v23, v29;
	v25 =	vmul.f32 v25, v29  }
0x93: {  	v61 =	vld [tilespmem:$0x750];
	v32 =	vsub.f32 v49, v47;
	v33 =	vmul.f32 v59, v29;
	v30 =	vmul.f32 v30, v29  }
0x94: {  	v63 =	vld [tilespmem:$0x850];
	v56 =	vmax.f32 v53, $0.0e+00;
	vm5 =	vle.f32 v54, $5.120000000e+02;
	vm6 =	vle.f32 v53, $5.120000000e+02  }
0x95: {  	v52 =	vld [tilespmem:$0xC30];
	v21 =	vmax.f32 v54, $0.0e+00;
	vm13 =	vle.f32 v22, $5.120000000e+02;
	vm7 =	vle.f32 v24, $5.120000000e+02  }
0x96: {  	v51 =	vld [tilespmem:$0xB30];
	vm9 =	vle.f32 v34, $5.120000000e+02;
	vm10 =	vle.f32 v26, $5.120000000e+02;
	vm8 =	vle.f32 v23, $5.120000000e+02  }
0x97: {  	v27 =	vld [tilespmem:$0x8B0];
	v32 =	vmul.f32 v32, v29;
	vm5 =	vmand vm6, vm5;
	vm14 =	vmand vm7, vm13  }
0x98: {  	v24 =	vmax.f32 v56, v24;
	v21 =	vmax.f32 v21, v22;
	vm13 =	vle.f32 v48, $5.120000000e+02  }
0x99: {  	v22 =	vsub.f32 v63, v61;
	v61 =	vmul.f32 v58, v29;
	vm5 =	vmand vm12, vm5  }
0x9a: {  	v37 =	vld [tilespmem:$0x8C0];
	v24 =	vmax.f32 v24, v26;
	v43 =	vmax.f32 v21, v34;
	v26 =	vmul.f32 v46, v29  }
0x9b: {  	v53 =	vld [tilespmem:$0x6F0];
	v52 =	vsub.f32 v52, v51;
	v19 =	vsel vm5, $0x1, v0;
	vm5 =	vmand vm15, vm14  }
0x9c: {  	v54 =	vld [tilespmem:$0x7F0];
	v24 =	vmax.f32 v24, v48;
	vm14 =	vgt.f32 v27, $5.000000000e-01;
	vm15 =	vle.f32 v25, $5.120000000e+02  }
0x9d: {  	v36 =	vld [tilespmem:$0xA80];
	v56 =	vmul.f32 v22, v29;
	v48 =	vbroadcast v28, $0x2;
	v20 =	vsel vm5, $0x1, v0  }
0x9e: {  	v63 =	vld [tilespmem:$0xB80];
	vm5 =	vmand vm10, vm9;
	vm12 =	vle.f32 v26, $5.120000000e+02;
	v26 =	vmax.f32 v43, v26  }
0x9f: {  	v24 =	vmax.f32 v24, v23;
	vm7 =	vmand vm8, vm15;
	vm15 =	vle.f32 v33, $5.120000000e+02  }
0xa0: {  	v55 =	vld [tilespmem:$0x8D0];
	vm9 =	vle.f32 v61, $5.120000000e+02;
	vm5 =	vmand vm11, vm5;
	v26 =	vmax.f32 v26, v25  }
0xa1: {  	v57 =	vld [tilespmem:$0x8E0];
	v27 =	vsub.f32 v54, v53;
	v24 =	vmax.f32 v24, v33;
	v21 =	vsel vm5, $0x1, v0  }
0xa2: {  	v22 =	vld [tilespmem:$0x100];
	vm5 =	vmand vm13, vm12;
	v26 =	vmax.f32 v26, v56;
	vm12 =	vgt.f32 v37, $5.000000000e-01  }
0xa3: {  	v38 =	vld [tilespmem:$0xC20];
	v24 =	vmax.f32 v24, v30;
	v63 =	vsub.f32 v63, v36;
	v26 =	vmax.f32 v26, v32  }
0xa4: {  	v60 =	vld [tilespmem:$0x8F0];
	v27 =	vmul.f32 v27, v29;
	vm5 =	vmand vm14, vm5;
	vm13 =	vmand vm12, vm7  }
0xa5: {  	v40 =	vld [tilespmem:$0xC00];
	vm14 =	vle.f32 v56, $5.120000000e+02;
	vm12 =	vgt.f32 v55, $5.000000000e-01;
	v26 =	vmax.f32 v26, v61  }
0xa6: {  	v43 =	vld [tilespmem:$0xA90];
	v23 =	vsel vm13, $0x1, v0;
	vm11 =	vmand vm15, vm14;
	vm13 =	vle.f32 v32, $5.120000000e+02  }
0xa7: {  	v33 =	vld [tilespmem:$0xB90];
	vm14 =	vle.f32 v30, $5.120000000e+02;
	vm15 =	vgt.f32 v57, $5.000000000e-01;
	v49 =	vmul.f32 $1.500000000e+00, v22  }
0xa8: {  	v37 =	vld [tilespmem:$0xB00];
	v62 =	vperm.xlane v26, v6;
	v53 =	vmax.f32 v24, v27;
	v24 =	vsel vm5, $0x1, v0  }
0xa9: {  	v42 =	vld [tilespmem:$0xC80];
	vm5 =	vmand vm12, vm11;
	vm10 =	vle.f32 v27, $5.120000000e+02;
	vm11 =	vgt.f32 v60, $5.000000000e-01  }
0xaa: {  	v47 =	vld [tilespmem:$0xBA0];
	vm12 =	vlt.f32 v28, $5.000000000e-01;
	v54 =	vperm.xlane v53, v6;
	v25 =	vsel vm5, $0x1, v0  }
0xab: {  	v30 =	vld [tilespmem:$0xC90];
	vm5 =	vmand vm14, vm13;
	vm6 =	vmand vm10, vm9;
	v61 =	vadd.f32 $5.000000000e-01, v49  }
0xac: {  	v32 =	vld [tilespmem:$0xAA0];
	v33 =	vsub.f32 v33, v43;
	v26 =	vmax.f32 v26, v62;
	vm5 =	vmand vm15, vm5  }
0xad: {  	v41 =	vld [tilespmem:$0xCA0];
	vm6 =	vmand vm11, vm6;
	v62 =	vbroadcast v28, $0x3;
	v37 =	vsub.f32 v40, v37  }
0xae: {  	v44 =	vld [tilespmem:$0xB10];
	vm15 =	vgt.f32 v42, $5.000000000e-01;
	v31 =	vperm.xlane v26, v7;
	v55 =	vmax.f32 v53, v54  }
0xaf: {  	v46 =	vld [tilespmem:$0xC10];
	v27 =	vsel vm5, $0x1, v0;
	v53 =	vsel vm12, $0x3F800000, v1;
	v28 =	vbroadcast v61, $0x1  }
0xb0: {  	v49 =	vld [tilespmem:$0xB50];
	v45 =	vperm.xlane v55, v7;
	v53 =	vsel vm0, $0x0, v53;
	v26 =	vmax.f32 v26, v31  }
0xb1: {  	v61 =	vld [tilespmem:$0xC50];
	v32 =	vsub.f32 v47, v32;
	vm12 =	vgt.f32 v30, $5.000000000e-01;
	v56 =	vperm.xlane v26, v10  }
0xb2: {  	v14 =	vsel vm1, v53, v14;
	v54 =	vmul.f32 v37, v28;
	v31 =	vmax.f32 v55, v45;
	v45 =	vld [tilespmem:$0xB20]  }
0xb3: {  	v40 =	vld [tilespmem:$0xAC0];
	v33 =	vmul.f32 v33, v28;
	v58 =	vperm.xlane v31, v10;
	v26 =	vmax.f32 v26, v56  }
0xb4: {  	v14 =	vsel vm2, v14, v29;
	v55 =	vsub.f32 v46, v44;
	v56 =	vld [tilespmem:$0xBC0];
	v57 =	vperm.xlane v26, v9  }
0xb5: {  	v39 =	vld [tilespmem:$0xB40];
	v32 =	vmul.f32 v32, v28;
	vm13 =	vle.f32 v54, $5.120000000e+02;
	v31 =	vmax.f32 v31, v58  }
0xb6: {  	v61 =	vsub.f32 v61, v49;
	v58 =	vld [tilespmem:$0xC40];
	v59 =	vperm.xlane v31, v9;
	v26 =	vmax.f32 v26, v57  }
0xb7: {  	v50 =	vld [tilespmem:$0xAB0];
	vm10 =	vle.f32 v33, $5.120000000e+02;
	v38 =	vsub.f32 v38, v45;
	v60 =	vsub.f32 $5.120000000e+02, v26  }
0xb8: {  	v42 =	vld [tilespmem:$0xAD0];
	v26 =	vsel vm6, $0x1, v0;
	v34 =	vmax.f32 v31, v59;
	v59 =	vmul.f32 v55, v28  }
0xb9: {  	v45 =	vld [tilespmem:$0xBD0];
	v34 =	vsub.f32 $5.120000000e+02, v34;
	v38 =	vmul.f32 v38, v28;
	v55 =	vsub.f32 v56, v40  }
0xba: {  	v36 =	vld [tilespmem:$0xCB0];
	v35 =	vmax.f32 v60, $0.0e+00;
	v60 =	vmax.f32 v54, $0.0e+00;
	vm9 =	vle.f32 v59, $5.120000000e+02  }
0xbb: {  	v37 =	vld [tilespmem:$0xCC0];
	v54 =	vmul.f32 v52, v28;
	v39 =	vsub.f32 v58, v39;
	v31 =	vmul.f32 v35, v48  }
0xbc: {  	v46 =	vld [tilespmem:$0xAE0];
	v34 =	vmax.f32 v34, $0.0e+00;
	v35 =	vmul.f32 v63, v28;
	vm11 =	vmand vm10, vm9  }
0xbd: {  	v44 =	vld [tilespmem:$0xE90];
	v58 =	vmul.f32 v55, v28;
	v34 =	vmul.f32 v34, v62;
	v62 =	vmax.f32 v60, v59  }
0xbe: {  	v52 =	vld [tilespmem:$0xF90];
	vm9 =	vle.f32 v54, $5.120000000e+02;
	v56 =	vmul.f32 v39, v28;
	v42 =	vsub.f32 v45, v42  }
0xbf: {  	v48 =	vld [tilespmem:$0xBB0];
	v57 =	vmax.f32 v35, $0.0e+00;
	vm14 =	vle.f32 v35, $5.120000000e+02;
	v34 =	vsel vm3, v14, v34  }
0xc0: {  	v40 =	vld [tilespmem:$0xAF0];
	vm5 =	vmand vm14, vm13;
	v14 =	vmax.f32 v57, v33;
	v33 =	vmax.f32 v62, v38  }
0xc1: {  	v59 =	vld [tilespmem:$0xBF0];
	vm13 =	vle.f32 v38, $5.120000000e+02;
	vm14 =	vle.f32 v32, $5.120000000e+02;
	v62 =	vmul.f32 v42, v28  }
0xc2: {  	v60 =	vld [tilespmem:$0xC70];
	vm5 =	vmand vm15, vm5;
	v14 =	vmax.f32 v14, v32;
	vm15 =	vgt.f32 v41, $5.000000000e-01  }
0xc3: {  	v38 =	vld [tilespmem:$0xBE0];
	v44 =	vsub.f32 v52, v44;
	v29 =	vsel vm5, $0x1, v0;
	vm5 =	vmand vm12, vm11  }
0xc4: {  	v57 =	vld [tilespmem:$0xB70];
	v63 =	vsub.f32 v48, v50;
	vm11 =	vgt.f32 v36, $5.000000000e-01;
	v50 =	vmax.f32 v33, v54  }
0xc5: {  	v41 =	vld [tilespmem:$0xC60];
	vm12 =	vle.f32 v56, $5.120000000e+02;
	v30 =	vsel vm5, $0x1, v0;
	vm5 =	vmand vm14, vm13  }
0xc6: {  	v48 =	vld [tilespmem:$0xB60];
	vm13 =	vle.f32 v58, $5.120000000e+02;
	v54 =	vmax.f32 v50, v56;
	v55 =	vsub.f32 v59, v40  }
0xc7: {  	v53 =	vld [tilespmem:$0xCD0];
	v35 =	vmul.f32 v63, v28;
	vm5 =	vmand vm15, vm5;
	vm14 =	vmand vm13, vm12  }
0xc8: {  	v42 =	vld [tilespmem:$0x1000];
	vm15 =	vgt.f32 v37, $5.000000000e-01;
	v63 =	vmul.f32 v61, v28;
	v32 =	vsel vm5, $0x1, v0  }
0xc9: {  	v50 =	vld [tilespmem:$0xF00];
	v38 =	vsub.f32 v38, v46;
	v39 =	vsub.f32 v60, v57;
	v57 =	vmul.f32 v55, v28  }
0xca: {  	v51 =	vmax.f32 v14, v35;
	vm10 =	vle.f32 v35, $5.120000000e+02;
	v49 =	vmax.f32 v54, v63  }
0xcb: {  	v43 =	vld [tilespmem:$0xCE0];
	vm5 =	vmand vm10, vm9;
	v36 =	vmax.f32 v51, v58;
	v41 =	vsub.f32 v41, v48  }
0xcc: {  	v45 =	vld [tilespmem:$0xE80];
	vm9 =	vle.f32 v63, $5.120000000e+02;
	vm10 =	vle.f32 v62, $5.120000000e+02;
	v38 =	vmul.f32 v38, v28  }
0xcd: {  	v14 =	vld [tilespmem:$0x180];
	v39 =	vmul.f32 v39, v28;
	vm5 =	vmand vm11, vm5;
	v36 =	vmax.f32 v36, v62  }
0xce: {  	v54 =	vld [tilespmem:$0x1010];
	vm11 =	vgt.f32 v53, $5.000000000e-01;
	v42 =	vsub.f32 v42, v50;
	v33 =	vsel vm5, $0x1, v0  }
0xcf: {  	v48 =	vld [tilespmem:$0xF80];
	vm5 =	vmand vm15, vm14;
	v41 =	vmul.f32 v41, v28;
	v36 =	vmax.f32 v36, v38  }
0xd0: {  	v51 =	vld [tilespmem:$0xF10];
	vm13 =	vle.f32 v38, $5.120000000e+02;
	vm14 =	vgt.f32 v43, $5.000000000e-01;
	vm15 =	vle.f32 v39, $5.120000000e+02  }
0xd1: {  	[tilespmem:$0x1290] =	vst v5;
	v5 =	vld [tilespmem:$0xFE0];
	v35 =	vsel vm5, $0x1, v0;
	vm5 =	vmand vm10, vm9;
	v36 =	vmax.f32 v36, v57  }
0xd2: {  	v47 =	vld [tilespmem:$0xCF0];
	v56 =	vmax.f32 v49, v41;
	vm5 =	vmand vm11, vm5;
	vm12 =	vle.f32 v41, $5.120000000e+02  }
0xd3: {  	v40 =	vld [tilespmem:$0x1080];
	v59 =	vperm.xlane v36, v6;
	v62 =	vmul.f32 $1.500000000e+00, v14;
	v46 =	vmax.f32 v56, v39  }
0xd4: {  	v52 =	vld [tilespmem:$0xEC0];
	v37 =	vsel vm5, $0x1, v0;
	vm5 =	vmand vm13, vm12;
	vm12 =	vle.f32 v57, $5.120000000e+02  }
0xd5: {  	v53 =	vld [tilespmem:$0xF20];
	v45 =	vsub.f32 v48, v45;
	v51 =	vsub.f32 v54, v51;
	v58 =	vperm.xlane v46, v6  }
0xd6: {  	v41 =	vld [tilespmem:$0x1090];
	v36 =	vmax.f32 v36, v59;
	vm5 =	vmand vm14, vm5;
	vm13 =	vmand vm12, vm15  }
0xd7: {  	vm14 =	vgt.f32 v47, $5.000000000e-01;
	v47 =	vld [tilespmem:$0x1020];
	v63 =	vadd.f32 $5.000000000e-01, v62;
	v38 =	vperm.xlane v36, v7  }
0xd8: {  	vm15 =	vlt.f32 v22, $5.000000000e-01;
	vm12 =	vgt.f32 v40, $5.000000000e-01;
	v40 =	vld [tilespmem:$0xFC0];
	vm6 =	vmand vm14, vm13  }
0xd9: {  	v55 =	vld [tilespmem:$0xFA0];
	v60 =	vmax.f32 v46, v58;
	v56 =	vmax.f32 v36, v38;
	v36 =	vbroadcast v63, $0x1  }
0xda: {  	v39 =	vsel vm5, $0x1, v0;
	v46 =	vld [tilespmem:$0xEA0];
	v61 =	vperm.xlane v60, v7;
	v38 =	vsel vm6, $0x1, v0  }
0xdb: {  	v54 =	vld [tilespmem:$0xF40];
	vm13 =	vgt.f32 v41, $5.000000000e-01;
	v58 =	vperm.xlane v56, v10;
	v45 =	vmul.f32 v45, v36  }
0xdc: {  	v63 =	vld [tilespmem:$0x1040];
	v43 =	vmax.f32 v60, v61;
	v42 =	vmul.f32 v42, v36;
	v44 =	vmul.f32 v44, v36  }
0xdd: {  	v59 =	vld [tilespmem:$0xEB0];
	v51 =	vmul.f32 v51, v36;
	v47 =	vsub.f32 v47, v53;
	v52 =	vsub.f32 v40, v52  }
0xde: {  	v60 =	vld [tilespmem:$0x10A0];
	v57 =	vperm.xlane v43, v10;
	v56 =	vmax.f32 v56, v58;
	vm10 =	vle.f32 v42, $5.120000000e+02  }
0xdf: {  	v61 =	vld [tilespmem:$0xFB0];
	vm11 =	vle.f32 v45, $5.120000000e+02;
	v62 =	vsub.f32 v55, v46;
	v55 =	vsel vm15, $0x3F800000, v1  }
0xe0: {  	v48 =	vld [tilespmem:$0xF30];
	vm15 =	vle.f32 v51, $5.120000000e+02;
	v47 =	vmul.f32 v47, v36;
	v52 =	vmul.f32 v52, v36  }
0xe1: {  	v53 =	vld [tilespmem:$0xED0];
	v43 =	vmax.f32 v43, v57;
	vm6 =	vmand vm11, vm10;
	v46 =	vsub.f32 v63, v54  }
0xe2: {  	v57 =	vld [tilespmem:$0x1030];
	v58 =	vperm.xlane v43, v9;
	vm14 =	vmand vm12, vm6;
	vm12 =	vle.f32 v44, $5.120000000e+02  }
0xe3: {  	v63 =	vld [tilespmem:$0x10B0];
	v41 =	vmul.f32 v62, v36;
	vm10 =	vle.f32 v52, $5.120000000e+02;
	vm9 =	vgt.f32 v60, $5.000000000e-01  }
0xe4: {  	v54 =	vld [tilespmem:$0xEE0];
	vm6 =	vmand vm12, vm15;
	v50 =	vsub.f32 v61, v59;
	v40 =	vsel vm14, $0x1, v0  }
0xe5: {  	v62 =	vld [tilespmem:$0x1050];
	v46 =	vmul.f32 v46, v36;
	vm5 =	vmand vm13, vm6;
	vm13 =	vle.f32 v47, $5.120000000e+02  }
0xe6: {  	[tilespmem:$0x12D0] =	vst v13;
	v60 =	vld [tilespmem:$0xFD0];
	vm14 =	vle.f32 v41, $5.120000000e+02;
	v13 =	vmax.f32 v43, v58;
	v43 =	vmax.f32 v45, $0.0e+00  }
0xe7: {  	v61 =	vld [tilespmem:$0xF50];
	vm6 =	vmand vm14, vm13;
	v50 =	vmul.f32 v50, v36;
	vm14 =	vle.f32 v46, $5.120000000e+02  }
0xe8: {  	v13 =	vsub.f32 $5.120000000e+02, v13;
	v48 =	vsub.f32 v57, v48;
	vm6 =	vmand vm9, vm6  }
0xe9: {  	vm13 =	vgt.f32 v63, $5.000000000e-01;
	v63 =	vsel vm4, v17, v18;
	v17 =	vsel vm4, v31, v34  }
0xea: {  	v58 =	vld [tilespmem:$0x1070];
	v31 =	vmax.f32 v43, v44;
	v5 =	vsub.f32 v5, v54;
	v44 =	vbroadcast v22, $0x2  }
0xeb: {  	v18 =	vld [tilespmem:$0xF70];
	vm12 =	vle.f32 v50, $5.120000000e+02;
	v13 =	vmax.f32 v13, $0.0e+00;
	v48 =	vmul.f32 v48, v36  }
0xec: {  	[tilespmem:$0x12A0] =	vst v8;
	v8 =	vld [tilespmem:$0x1060];
	v49 =	vsub.f32 v60, v53;
	v57 =	vsub.f32 v62, v61;
	v62 =	vperm.xlane v56, v9  }
0xed: {  	[tilespmem:$0x1280] =	vst v4;
	v60 =	vld [tilespmem:$0x10C0];
	v5 =	vmul.f32 v5, v36;
	v13 =	vmul.f32 v13, v44;
	vm15 =	vle.f32 v48, $5.120000000e+02  }
0xee: {  	[tilespmem:$0x12B0] =	vst v11;
	v45 =	vld [tilespmem:$0xFF0];
	v4 =	vmul.f32 v49, v36;
	v49 =	vmul.f32 v57, v36;
	v11 =	vmax.f32 v56, v62  }
0xef: {  	[tilespmem:$0x12C0] =	vst v12;
	v53 =	vld [tilespmem:$0xEF0];
	v56 =	vmax.f32 v42, $0.0e+00;
	vm7 =	vmand vm12, vm15;
	vm15 =	vmand vm10, vm14  }
0xf0: {  	[tilespmem:$0x12E0] =	vst v16;
	v57 =	vld [tilespmem:$0xF60];
	v11 =	vsub.f32 $5.120000000e+02, v11;
	v59 =	vmax.f32 v56, v51;
	v43 =	vsub.f32 v58, v18  }
0xf1: {  	[tilespmem:$0x12F0] =	vst v15;
	vm7 =	vmand vm13, vm7;
	vm13 =	vle.f32 v49, $5.120000000e+02;
	vm14 =	vle.f32 v4, $5.120000000e+02  }
0xf2: {  	[tilespmem:$0x1300] =	vst v19;
	v62 =	vmax.f32 v59, v47;
	v47 =	vsel vm5, $0x1, v0;
	vm12 =	vgt.f32 v60, $5.000000000e-01  }
0xf3: {  	[tilespmem:$0x1310] =	vst v20;
	v61 =	vld [tilespmem:$0x10D0];
	vm9 =	vmand vm14, vm13;
	v60 =	vmax.f32 v31, v41;
	v11 =	vmax.f32 v11, $0.0e+00  }
0xf4: {  	[tilespmem:$0x1320] =	vst v21;
	v12 =	vmax.f32 v62, v48;
	v41 =	vsub.f32 v45, v53;
	v16 =	vmul.f32 v43, v36  }
0xf5: {  	[tilespmem:$0x1480] =	vst v63;
	v45 =	vsel vm0, $0x0, v55;
	v63 =	vmax.f32 v60, v50;
	v8 =	vsub.f32 v8, v57  }
0xf6: {  	[tilespmem:$0x1340] =	vst v23;
	vm8 =	vmand vm12, vm15;
	v12 =	vmax.f32 v12, v46;
	v15 =	vmax.f32 v63, v52  }
0xf7: {  	[tilespmem:$0x1330] =	vst v24;
	v4 =	vmax.f32 v15, v4;
	v15 =	vmul.f32 v41, v36;
	v8 =	vmul.f32 v8, v36  }
0xf8: {  	[tilespmem:$0x1350] =	vst v25;
	vm15 =	vgt.f32 v61, $5.000000000e-01;
	v12 =	vmax.f32 v12, v49;
	v4 =	vmax.f32 v4, v5  }
0xf9: {  	[tilespmem:$0x1360] =	vst v27;
	v61 =	vbroadcast v22, $0x3;
	v4 =	vmax.f32 v4, v15;
	v12 =	vmax.f32 v12, v8  }
0xfa: {  	[tilespmem:$0x1370] =	vst v26;
	v3 =	vsel vm1, v45, v3;
	v46 =	vperm.xlane v4, v6;
	v12 =	vmax.f32 v12, v16  }
0xfb: {  	[tilespmem:$0x1380] =	vst v29;
	v50 =	vsel vm6, $0x1, v0;
	vm12 =	vle.f32 v5, $5.120000000e+02;
	v6 =	vperm.xlane v12, v6  }
0xfc: {  	[tilespmem:$0x1390] =	vst v30;
	v60 =	vbroadcast v14, $0x3;
	vm9 =	vmand vm15, vm9;
	v4 =	vmax.f32 v4, v46  }
0xfd: {  	[tilespmem:$0x13A0] =	vst v32;
	v48 =	vld [tilespmem:$0x10E0];
	v3 =	vsel vm2, v3, v28;
	v49 =	vperm.xlane v4, v7;
	v6 =	vmax.f32 v12, v6  }
0xfe: {  	[tilespmem:$0x13B0] =	vst v33;
	v52 =	vsel vm7, $0x1, v0;
	v54 =	vsel vm8, $0x1, v0;
	v51 =	vperm.xlane v6, v7  }
0xff: {  	[tilespmem:$0x13C0] =	vst v35;
	vm14 =	vle.f32 v16, $5.120000000e+02;
	v11 =	vmul.f32 v11, v61;
	v4 =	vmax.f32 v4, v49  }
0x100: {  	[tilespmem:$0x13D0] =	vst v37;
	v55 =	vsel vm9, $0x1, v0;
	v53 =	vperm.xlane v4, v10;
	v5 =	vmax.f32 v6, v51  }
0x101: {  	[tilespmem:$0x13E0] =	vst v39;
	v61 =	vbroadcast v14, $0x2;
	v3 =	vsel vm3, v3, v11;
	v10 =	vperm.xlane v5, v10  }
0x102: {  	[tilespmem:$0x13F0] =	vst v38;
	v56 =	vld [tilespmem:$0x10F0];
	vm13 =	vgt.f32 v48, $5.000000000e-01;
	vm15 =	vle.f32 v15, $5.120000000e+02;
	v4 =	vmax.f32 v4, v53  }
0x103: {  	[tilespmem:$0x1400] =	vst v40;
	vm11 =	vle.f32 v8, $5.120000000e+02;
	v57 =	vperm.xlane v4, v9;
	v5 =	vmax.f32 v5, v10  }
0x104: {  	[tilespmem:$0x1500] =	vst v17;
	v3 =	vsel vm4, v13, v3;
	vm5 =	vmand vm12, vm11;
	v58 =	vperm.xlane v5, v9  }
0x105: {  	[tilespmem:$0x1410] =	vst v47;
	vm12 =	vmand vm15, vm14;
	vm5 =	vmand vm13, vm5;
	v4 =	vmax.f32 v4, v57  }
0x106: {  	[tilespmem:$0x1580] =	vst v3;
	vm13 =	vlt.f32 v14, $5.000000000e-01;
	v4 =	vsub.f32 $5.120000000e+02, v4;
	v3 =	vmax.f32 v5, v58  }
0x107: {  	[tilespmem:$0x1420] =	vst v50;
	vm14 =	vgt.f32 v56, $5.000000000e-01;
	v1 =	vsel vm13, $0x3F800000, v1;
	v3 =	vsub.f32 $5.120000000e+02, v3  }
0x108: {  	[tilespmem:$0x1430] =	vst v52;
	vm15 =	vmand vm14, vm12;
	v1 =	vsel vm0, $0x0, v1;
	v4 =	vmax.f32 v4, $0.0e+00  }
0x109: {  	s5 =	sshll.u32 s5, $0xB;
	[tilespmem:$0x1440] =	vst v54;
	v1 =	vsel vm1, v1, v2;
	v4 =	vmul.f32 v4, v60;
	v3 =	vmax.f32 v3, $0.0e+00  }
0x10a: {  	s4 =	sor.u32 s4, s5;
	[tilespmem:$0x1450] =	vst v55;
	v59 =	vsel vm5, $0x1, v0;
	v1 =	vsel vm2, v1, v36;
	v62 =	vmul.f32 v3, v61  }
0x10b: {  	s4 =	sshrl.u32 s4, $0x3;
	v0 =	vsel vm15, $0x1, v0;
	[tilespmem:$0x1460] =	vst v59;
	v1 =	vsel vm3, v1, v4  }
0x10c: {  	s29 =	simm.s32 $0x200;
	s3 =	sadd.s32 s4, s3;
	[tilespmem:$0x1470] =	vst v0;
	v63 =	vsel vm4, v62, v1  }
0x10d: {  	s30 =	simm.s32 $0x400;
	s31 =	simm.s32 $0x1280;
	s3 =	sadd.s32 $0x2400, s3;
	[tilespmem:$0x1600] =	vst v63  }
0x10e: {  	[hbm4b:s3+s29] =	stream.strided.scatter [tilespmem:s31], [sflag:$0x2], $0x400, s30, s29, $0x38;
	[tilespmem:$0x1680] =	vst v63  }
0x10f: {  	_ =	swait.ge [sflag:s15], $0x400  }
0x110: {  	[sflag:s15] =	ssyncset.done $0x0  }
0x111: {  	[sflag:s15] =	ssyncadd.s32 $0xFFFFFC00  }
0x112: {  	_ =	sfence.sel $0x180000  }
0x113: {  	[bflag:$0x0] =	sbarrier.arrive $0xFFFF  }
0x114: {  	p0 =	sne.s32 s0, $0x0;
	_ =	strace $0x90000047  }
0x115: {  	s0 =	sadd.s32 @!p0 $0x100000, s1;
	[bflag:$0x2] =	sbarrier.arrive $0xFFFF  }
0x116: {  	[sflag:s0] =	ssyncadd.tile.s32 @!p0 $0x1;
	_ =	shalt  }
.Lfunc_end2:
_tile_overlayer_lowered:
.L_overlay_start_2:
0x117: {  	(tag) =	ssettag $0x2  }
0x118: {  	s0 =	rddreg [dreg:$0x0];
	s2 =	stileid.u32  }
0x119: {  	s1 =	rddreg [dreg:$0x1];
	p0 =	sne.s32 s2, $0x0  }
0x11a: {  	s3 =	rddreg [dreg:$0x2];
	[bflag:$0x3] =	sbarrier.arrive $0xFFFF;
	s2 =	simm.s32 @!p0 $0x1C02  }
0x11b: {  	[timem:s3], [sflag:s2] =	dma.local @!p0 [hbm:s0], s1  }
0x11c: {  	s0 =	simm.s32 @!p0 $0x2  }
0x11d: {  	_ =	swait.ge @!p0 [sflag:s0], s1  }
0x11e: {  	s1 =	ssub.s32 @!p0 $0x0, s1;
	[sflag:s0] =	ssyncset.done @!p0 $0x0  }
0x11f: {  	[sflag:s0] =	ssyncadd.s32 @!p0 s1  }
0x120: {  	[bflag:$0x3] =	sbarrier.arrive $0xFFFF  }
0x121: {  	_ =	shalt  }

</sc_bundles>
